<compile_context>
chip_gen: v7x
topology: tpu7x:2x2x1
jax: 0.10.2.dev20260603
libtpu: 0.0.44.dev20260713+nightly
codegen_flags: <defaults>
</compile_context>

<pallas_src>
import functools

import jax
import jax.numpy as jnp
from jax import lax
from jax.experimental import pallas as pl
from jax.experimental.pallas import tpu as pltpu
from jax.experimental.pallas import tpu_sc as plsc

TOKENS = 8192
DIM_IN = 768
DIM_HID = 768
DIM_OUT = 768
NE = 64
TAU = 5.0

BLK = 512
NBLK = TOKENS // BLK
TILE = 128
RPAD = 16384
NTILE = RPAD // TILE

NC = 2
NS = 16
NW = NC * NS
TPW = TOKENS // NW
CH = 128
LANES = 16


def _router_body(x_ref, Wp_ref, bp_ref, Ee_ref, sel_ref,
                 p_ref, w_ref, rank_ref, offs_ref, meta_ref,
                 counts):
    i = pl.program_id(0)

    @pl.when(i == 0)
    def _():
        counts[...] = jnp.zeros_like(counts)

    xb = x_ref[...]
    h = jnp.dot(xb, Wp_ref[...], preferred_element_type=jnp.float32)
    h = h + bp_ref[...].reshape(1, NE)
    logits = jnp.dot(h, Ee_ref[...], preferred_element_type=jnp.float32)

    s = logits / TAU
    m = jnp.maximum(s, 0.0)
    eb = jnp.exp(s - m)
    ea = jnp.exp(-m)
    p = eb / (ea + eb)
    p_ref[...] = p

    pmax = jnp.max(p, axis=1, keepdims=True)
    w = pmax / (pmax + 1e-10)
    eids = lax.broadcasted_iota(jnp.int32, (BLK, NE), 1)
    sel_col = sel_ref[...].reshape(BLK, 1)
    first = (eids == sel_col).astype(jnp.float32)

    r_i = lax.broadcasted_iota(jnp.int32, (BLK, BLK), 0)
    c_i = lax.broadcasted_iota(jnp.int32, (BLK, BLK), 1)
    tril = (c_i < r_i).astype(jnp.float32)
    pref = jnp.dot(tril, first, preferred_element_type=jnp.float32)
    ones_col = jnp.ones((NE, 1), jnp.float32)
    pf = pref * first
    pf_hi = jnp.floor(pf * (1.0 / 256.0)) * 256.0
    pf_lo = pf - pf_hi
    rank_in = (jnp.dot(pf_hi, ones_col, preferred_element_type=jnp.float32)
               + jnp.dot(pf_lo, ones_col, preferred_element_type=jnp.float32))
    cnt_hi = jnp.floor(counts[...] * (1.0 / 256.0)) * 256.0
    cnt_lo = counts[...] - cnt_hi
    carry = (jnp.dot(first * cnt_hi, ones_col, preferred_element_type=jnp.float32)
             + jnp.dot(first * cnt_lo, ones_col, preferred_element_type=jnp.float32))
    rank = rank_in + carry
    counts[...] = counts[...] + jnp.sum(first, axis=0, keepdims=True)

    w_ref[...] = w.reshape(BLK)
    rank_ref[...] = rank.astype(jnp.int32).reshape(BLK)

    @pl.when(i == NBLK - 1)
    def _():
        cnt = counts[...]
        cpad = jnp.floor((cnt + (TILE - 1)) / TILE) * TILE
        e_r = lax.broadcasted_iota(jnp.int32, (NE, NE), 0)
        e_c = lax.broadcasted_iota(jnp.int32, (NE, NE), 1)
        supper = (e_r < e_c).astype(jnp.float32)
        offs = jnp.dot(cpad, supper, preferred_element_type=jnp.float32)
        offs_i = offs.astype(jnp.int32)
        offs_ref[...] = offs_i.reshape(NE)
        starts = lax.broadcasted_iota(jnp.int32, (NTILE, NE), 0) * TILE
        te = jnp.sum((offs_i <= starts).astype(jnp.int32), axis=1) - 1
        nvalid = (jnp.sum(cpad) / TILE).astype(jnp.int32)
        meta_ref[...] = jnp.concatenate(
            [te, jnp.full((8,), nvalid, jnp.int32)], axis=0)


def _router_call(x, Wp, bp, Eemb, sel):
    return pl.pallas_call(
        _router_body,
        grid=(NBLK,),
        in_specs=[
            pl.BlockSpec((BLK, DIM_IN), lambda i: (i, 0)),
            pl.BlockSpec((DIM_IN, NE), lambda i: (0, 0)),
            pl.BlockSpec((NE,), lambda i: (0,)),
            pl.BlockSpec((NE, NE), lambda i: (0, 0)),
            pl.BlockSpec((BLK,), lambda i: (i,)),
        ],
        out_specs=[
            pl.BlockSpec((BLK, NE), lambda i: (i, 0)),
            pl.BlockSpec((BLK,), lambda i: (i,)),
            pl.BlockSpec((BLK,), lambda i: (i,)),
            pl.BlockSpec((NE,), lambda i: (0,)),
            pl.BlockSpec((NTILE + 8,), lambda i: (0,)),
        ],
        out_shape=[
            jax.ShapeDtypeStruct((TOKENS, NE), jnp.float32),
            jax.ShapeDtypeStruct((TOKENS,), jnp.float32),
            jax.ShapeDtypeStruct((TOKENS,), jnp.int32),
            jax.ShapeDtypeStruct((NE,), jnp.int32),
            jax.ShapeDtypeStruct((NTILE + 8,), jnp.int32),
        ],
        scratch_shapes=[pltpu.VMEM((1, NE), jnp.float32)],
    )(x, Wp, bp, Eemb, sel)


def _expert_body(meta_ref, xs_ref, W1_ref, b1_ref, W2_ref, b2_ref, ys_ref):
    i = pl.program_id(0)
    nvalid = meta_ref[NTILE]

    @pl.when(i < nvalid)
    def _():
        xb = xs_ref[...]
        h = jnp.dot(xb, W1_ref[0], preferred_element_type=jnp.float32)
        h = jnp.maximum(h + b1_ref[0], 0.0)
        y = jnp.dot(h, W2_ref[0], preferred_element_type=jnp.float32)
        ys_ref[...] = y + b2_ref[0]


def _expert_call(meta, xs, W1, b1, W2, b2):
    grid_spec = pltpu.PrefetchScalarGridSpec(
        num_scalar_prefetch=1,
        grid=(NTILE,),
        in_specs=[
            pl.BlockSpec((TILE, DIM_IN), lambda i, m: (i, 0)),
            pl.BlockSpec((1, DIM_IN, DIM_HID), lambda i, m: (m[i], 0, 0)),
            pl.BlockSpec((1, 1, DIM_HID), lambda i, m: (m[i], 0, 0)),
            pl.BlockSpec((1, DIM_HID, DIM_OUT), lambda i, m: (m[i], 0, 0)),
            pl.BlockSpec((1, 1, DIM_OUT), lambda i, m: (m[i], 0, 0)),
        ],
        out_specs=pl.BlockSpec((TILE, DIM_OUT), lambda i, m: (i, 0)),
    )
    return pl.pallas_call(
        _expert_body,
        grid_spec=grid_spec,
        out_shape=jax.ShapeDtypeStruct((RPAD, DIM_OUT), jnp.float32),
    )(meta, xs, W1, b1.reshape(NE, 1, DIM_HID), W2, b2.reshape(NE, 1, DIM_OUT))


@functools.cache
def _sc_mesh():
    return plsc.VectorSubcoreMesh(core_axis_name="c", subcore_axis_name="s",
                                  num_cores=NC)


@functools.cache
def _dispatch_call():
    @functools.partial(
        pl.kernel,
        out_type=(jax.ShapeDtypeStruct((RPAD, DIM_IN), jnp.float32),
                  jax.ShapeDtypeStruct((TOKENS,), jnp.int32)),
        mesh=_sc_mesh(),
        compiler_params=pltpu.CompilerParams(needs_layout_passes=False),
        scratch_types=[
            pltpu.VMEM((CH, DIM_IN), jnp.float32),
            pltpu.VMEM((CH,), jnp.int32),
            pltpu.VMEM((CH,), jnp.int32),
            pltpu.VMEM((NE,), jnp.int32),
            pltpu.VMEM((CH,), jnp.int32),
            pltpu.SemaphoreType.DMA,
        ],
    )
    def _dispatch(x_hbm, sel_hbm, rank_hbm, offs_hbm, xs_hbm, dst_hbm,
                  xv, selv, rankv, offsv, dstv, sem):
        wid = lax.axis_index("s") * NC + lax.axis_index("c")
        base = wid * TPW
        pltpu.sync_copy(offs_hbm, offsv)
        for c in range(TPW // CH):
            off = base + c * CH
            pltpu.sync_copy(x_hbm.at[pl.ds(off, CH)], xv)
            pltpu.sync_copy(sel_hbm.at[pl.ds(off, CH)], selv)
            pltpu.sync_copy(rank_hbm.at[pl.ds(off, CH)], rankv)
            for g in range(CH // LANES):
                s16 = selv[pl.ds(g * LANES, LANES)]
                r16 = rankv[pl.ds(g * LANES, LANES)]
                o16 = plsc.load_gather(offsv, [s16])
                dstv[pl.ds(g * LANES, LANES)] = o16 + r16
            pltpu.async_copy(xv, xs_hbm.at[dstv], sem).wait()
            pltpu.sync_copy(dstv, dst_hbm.at[pl.ds(off, CH)])

    return _dispatch


@functools.cache
def _combine_call():
    @functools.partial(
        pl.kernel,
        out_type=jax.ShapeDtypeStruct((TOKENS, DIM_OUT), jnp.float32),
        mesh=_sc_mesh(),
        compiler_params=pltpu.CompilerParams(needs_layout_passes=False),
        scratch_types=[
            pltpu.VMEM((CH, DIM_OUT), jnp.float32),
            pltpu.VMEM((CH,), jnp.int32),
            pltpu.VMEM((CH,), jnp.float32),
            pltpu.SemaphoreType.DMA,
        ],
    )
    def _combine(ys_hbm, dst_hbm, w_hbm, out_hbm, yv, dstv, wv, sem):
        wid = lax.axis_index("s") * NC + lax.axis_index("c")
        base = wid * TPW
        for c in range(TPW // CH):
            off = base + c * CH
            pltpu.sync_copy(dst_hbm.at[pl.ds(off, CH)], dstv)
            pltpu.sync_copy(w_hbm.at[pl.ds(off, CH)], wv)
            pltpu.async_copy(ys_hbm.at[dstv], yv, sem).wait()

            def body(t, carry):
                wb = plsc.load_gather(wv, [jnp.full((LANES,), 0, jnp.int32) + t])
                for k in range(DIM_OUT // LANES):
                    yv[t, pl.ds(k * LANES, LANES)] = (
                        yv[t, pl.ds(k * LANES, LANES)] * wb)
                return carry

            lax.fori_loop(0, CH, body, 0)
            pltpu.sync_copy(yv, out_hbm.at[pl.ds(off, CH)])

    return _combine


def kernel(x, Wp, bp, Eemb, W1, b1, W2, b2):
    h = x @ Wp + bp
    selected_logits = h @ Eemb
    gate_logits = jnp.stack([jnp.zeros_like(selected_logits),
                             selected_logits], axis=1)
    gate_soft = jax.nn.softmax(gate_logits / TAU, axis=1)
    sel = jnp.argmax(gate_soft[:, 1, :], axis=1).astype(jnp.int32)

    p_open, w, rank, offs, meta = _router_call(x, Wp, bp, Eemb, sel)
    xs, dst = _dispatch_call()(x, sel, rank, offs)
    ys = _expert_call(meta, xs, W1, b1, W2, b2)
    out = _combine_call()(ys, dst, w)
    return out, jnp.zeros((), x.dtype), p_open

# --- scband reference (transcript-rebuilt; emitter-appended) ---
"""Pipeline reference for scband-gsgipcaemo-e-11089605558284 (READ-ONLY COPY).

The authoritative reference and input builder live on the scoring server;
editing this copy changes nothing except your own understanding.
"""

import jax, jax.numpy as jnp
import numpy as np

TOKENS = 8192
DIM_IN = 768
DIM_HID = 768
DIM_OUT = 768
NUM_EXPERTS = 64
TOP_K = 1
EMBED_DIM = 64
TAU = 5.0


def setup_inputs(seed: int = 0) -> dict:
    key = jax.random.key(seed)
    ks = jax.random.split(key, 8)
    x = jax.random.normal(ks[0], (TOKENS, DIM_IN), dtype=jnp.float32)
    Wp = jax.random.normal(ks[1], (DIM_IN, EMBED_DIM), dtype=jnp.float32) * 0.02
    bp = jnp.zeros((EMBED_DIM,), dtype=jnp.float32)
    Eemb = jax.random.normal(ks[2], (EMBED_DIM, NUM_EXPERTS), dtype=jnp.float32) * 0.1
    W1 = jax.random.normal(ks[3], (NUM_EXPERTS, DIM_IN, DIM_HID), dtype=jnp.float32) * 0.02
    b1 = jnp.zeros((NUM_EXPERTS, DIM_HID), dtype=jnp.float32)
    W2 = jax.random.normal(ks[4], (NUM_EXPERTS, DIM_HID, DIM_OUT), dtype=jnp.float32) * 0.02
    b2 = jnp.zeros((NUM_EXPERTS, DIM_OUT), dtype=jnp.float32)
    return {"x": x, "Wp": Wp, "bp": bp, "Eemb": Eemb, "W1": W1, "b1": b1, "W2": W2, "b2": b2}


def reference(x, Wp, bp, Eemb, W1, b1, W2, b2):
    # eval-mode forward (no gumbel noise), temperature = max(tau_init, 0.01) = 5.0
    h = x @ Wp + bp
    selected_logits = h @ Eemb  # [B, E]
    not_selected = jnp.zeros_like(selected_logits)
    gate_logits = jnp.stack([not_selected, selected_logits], axis=1)  # [B, 2, E]
    gate_soft = jax.nn.softmax(gate_logits / TAU, axis=1)
    p_open = gate_soft[:, 1, :]  # [B, E]
    topk_vals, topk_idx = jax.lax.top_k(p_open, TOP_K)
    topk_vals_norm = topk_vals / (topk_vals.sum(axis=-1, keepdims=True) + 1e-10)
    output = jnp.zeros((x.shape[0], DIM_OUT), dtype=x.dtype)
    expert_ids = jnp.arange(NUM_EXPERTS, dtype=topk_idx.dtype)
    for i in range(TOP_K):
        sel = topk_idx[:, i]
        w = topk_vals_norm[:, i]

        def body(acc, params):
            j, W1j, b1j, W2j, b2j = params
            h1 = jax.nn.relu(x @ W1j + b1j)
            oj = h1 @ W2j + b2j
            contrib = jnp.where((sel == j)[:, None], w[:, None] * oj, jnp.zeros_like(oj))
            return acc + contrib, None

        output, _ = jax.lax.scan(body, output, (expert_ids, W1, b1, W2, b2))
    return (output, jnp.array(0.0, dtype=x.dtype), p_open)

if __name__ == "__main__":
    import jax
    _d = setup_inputs()
    print(jax.jit(kernel)(*tuple(_d.values())))

</pallas_src>

<mosaic_0001>
#map = affine_map<(d0, d1) -> (0, 0)>
#map1 = affine_map<(d0, d1) -> (0)>
module attributes {stable_mosaic.version = 14 : i64} {
  func.func @_combine(%arg0: i32, %arg1: i32, %arg2: memref<16384x768xf32, #tpu.memory_space<hbm>>, %arg3: memref<8192xi32, #tpu.memory_space<hbm>>, %arg4: memref<8192xf32, #tpu.memory_space<hbm>>, %arg5: memref<8192x768xf32, #tpu.memory_space<hbm>>, %arg6: memref<128x768xf32, #tpu.memory_space<vmem>>, %arg7: memref<128xi32, #tpu.memory_space<vmem>>, %arg8: memref<128xf32, #tpu.memory_space<vmem>>, %arg9: memref<!tpu.dma_semaphore, #tpu.memory_space<semaphore_mem>>) attributes {dimension_semantics = [#tpu.dimension_semantics<core_parallel>, #tpu.dimension_semantics<subcore_parallel>], iteration_bounds = array<i64: 2, 16>, scalar_prefetch = 0 : i64, scratch_operands = 4 : i64, tpu.core_type = #tpu.core_type<sc_vector_subcore>, window_params = [{transform_indices = #map}, {transform_indices = #map1}, {transform_indices = #map1}, {transform_indices = #map}]} {
    %mul3A = arith.constant 2 : i32
    %mul3A_0 = arith.muli %arg1, %mul3A : i32
    %add3A = arith.addi %mul3A_0, %arg0 : i32
    %mul3A_1 = arith.constant 256 : i32
    %mul3A_2 = arith.muli %add3A, %mul3A_1 : i32
    %add3A_3 = arith.constant 0 : i32
    %add3A_4 = arith.addi %mul3A_2, %add3A_3 : i32
    "tpu.region"() ({
      %run_scoped3A = tpu.sem_alloc : memref<!tpu.dma_semaphore, #tpu.memory_space<semaphore_mem>>
      %dma_start3A_28 = tpu.memref_slice %arg3[%add3A_4] : memref<8192xi32, #tpu.memory_space<hbm>> -> memref<128xi32, #tpu.memory_space<hbm>>
      %dma_start3A_29 = tpu.memref_slice %arg3[%add3A_4] : memref<8192xi32, #tpu.memory_space<hbm>> -> memref<128xi32, #tpu.memory_space<hbm>>
      tpu.enqueue_dma source(%dma_start3A_29 : memref<128xi32, #tpu.memory_space<hbm>>) target(%arg7 : memref<128xi32, #tpu.memory_space<vmem>>) target_semaphore(%run_scoped3A : memref<!tpu.dma_semaphore, #tpu.memory_space<semaphore_mem>>)
      %dma_wait3A_30 = tpu.memref_slice %arg3[%add3A_4] : memref<8192xi32, #tpu.memory_space<hbm>> -> memref<128xi32, #tpu.memory_space<hbm>>
      %dma_wait3A_31 = tpu.memref_slice %arg3[%add3A_4] : memref<8192xi32, #tpu.memory_space<hbm>> -> memref<128xi32, #tpu.memory_space<hbm>>
      tpu.wait_dma2 semaphore(%run_scoped3A : memref<!tpu.dma_semaphore, #tpu.memory_space<semaphore_mem>>) src(%dma_wait3A_31 : memref<128xi32, #tpu.memory_space<hbm>>) dst(%arg7 : memref<128xi32, #tpu.memory_space<vmem>>)
      tpu.yield
    }) : () -> ()
    "tpu.region"() ({
      %run_scoped3A = tpu.sem_alloc : memref<!tpu.dma_semaphore, #tpu.memory_space<semaphore_mem>>
      %dma_start3A_28 = tpu.memref_slice %arg4[%add3A_4] : memref<8192xf32, #tpu.memory_space<hbm>> -> memref<128xf32, #tpu.memory_space<hbm>>
      %dma_start3A_29 = tpu.memref_slice %arg4[%add3A_4] : memref<8192xf32, #tpu.memory_space<hbm>> -> memref<128xf32, #tpu.memory_space<hbm>>
      tpu.enqueue_dma source(%dma_start3A_29 : memref<128xf32, #tpu.memory_space<hbm>>) target(%arg8 : memref<128xf32, #tpu.memory_space<vmem>>) target_semaphore(%run_scoped3A : memref<!tpu.dma_semaphore, #tpu.memory_space<semaphore_mem>>)
      %dma_wait3A_30 = tpu.memref_slice %arg4[%add3A_4] : memref<8192xf32, #tpu.memory_space<hbm>> -> memref<128xf32, #tpu.memory_space<hbm>>
      %dma_wait3A_31 = tpu.memref_slice %arg4[%add3A_4] : memref<8192xf32, #tpu.memory_space<hbm>> -> memref<128xf32, #tpu.memory_space<hbm>>
      tpu.wait_dma2 semaphore(%run_scoped3A : memref<!tpu.dma_semaphore, #tpu.memory_space<semaphore_mem>>) src(%dma_wait3A_31 : memref<128xf32, #tpu.memory_space<hbm>>) dst(%arg8 : memref<128xf32, #tpu.memory_space<vmem>>)
      tpu.yield
    }) : () -> ()
    %dma_start3A = arith.constant 0 : i32
    %dma_start3A_5 = arith.constant 0 : i32
    %dma_start3A_6 = tpu.memref_slice %arg2[%dma_start3A, %dma_start3A_5] : memref<16384x768xf32, #tpu.memory_space<hbm>> -> memref<16384x768xf32, #tpu.memory_space<hbm>>
    tpu.enqueue_indirect_dma source(%dma_start3A_6 : memref<16384x768xf32, #tpu.memory_space<hbm>>) target(%arg6 : memref<128x768xf32, #tpu.memory_space<vmem>>) offsets(%arg7 : memref<128xi32, #tpu.memory_space<vmem>>) semaphore(%arg9 : memref<!tpu.dma_semaphore, #tpu.memory_space<semaphore_mem>>)
    %dma_wait3A = arith.constant 0 : i32
    %dma_wait3A_7 = arith.constant 0 : i32
    %dma_wait3A_8 = tpu.memref_slice %arg2[%dma_wait3A, %dma_wait3A_7] : memref<16384x768xf32, #tpu.memory_space<hbm>> -> memref<16384x768xf32, #tpu.memory_space<hbm>>
    tpu.wait_indirect_dma semaphore(%arg9 : memref<!tpu.dma_semaphore, #tpu.memory_space<semaphore_mem>>) src(%dma_wait3A_8 : memref<16384x768xf32, #tpu.memory_space<hbm>>) dst(%arg6 : memref<128x768xf32, #tpu.memory_space<vmem>>)
    %scan3A = arith.constant 0 : i32
    %scan3A_9 = arith.constant 0 : i32
    %scan3A_10 = arith.constant 128 : i32
    %scan3A_11 = arith.addi %scan3A_9, %scan3A_10 : i32
    %scan3A_12 = arith.constant 1 : i32
    scf.for %scan3A_28 = %scan3A_9 to %scan3A_11 step %scan3A_12  : i32 {
      %broadcast_in_dim3A = arith.constant 0 : i32
      %broadcast_in_dim3A_29 = vector.broadcast %broadcast_in_dim3A : i32 to vector<16xi32>
      %add3A_30 = vector.broadcast %scan3A_28 : i32 to vector<16xi32>
      %add3A_31 = arith.addi %broadcast_in_dim3A_29, %add3A_30 : vector<16xi32>
      %gather3A = tpu.vector_load_idx %arg8[%add3A_31] : memref<128xf32, #tpu.memory_space<vmem>>[vector<16xi32>], vector<16xf32>,
      %get3A = arith.index_cast %scan3A_28 : i32 to index
      %get3A_32 = arith.constant 0 : index
      %get3A_33 = tpu.vector_load %arg6[%get3A, %get3A_32] {strides = array<i32>} : memref<128x768xf32, #tpu.memory_space<vmem>>, vector<16xf32>,
      %mul3A_34 = arith.mulf %get3A_33, %gather3A : vector<16xf32>
      %swap3A = arith.index_cast %scan3A_28 : i32 to index
      %swap3A_35 = arith.constant 0 : index
      %swap3A_36 = tpu.vector_load %arg6[%swap3A, %swap3A_35] {strides = array<i32>} : memref<128x768xf32, #tpu.memory_space<vmem>>, vector<16xf32>,
      tpu.vector_store %arg6[%swap3A, %swap3A_35], %mul3A_34 {strides = array<i32>} : memref<128x768xf32, #tpu.memory_space<vmem>>, vector<16xf32>,
      %get3A_37 = arith.index_cast %scan3A_28 : i32 to index
      %get3A_38 = arith.constant 16 : index
      %get3A_39 = tpu.vector_load %arg6[%get3A_37, %get3A_38] {strides = array<i32>} : memref<128x768xf32, #tpu.memory_space<vmem>>, vector<16xf32>,
      %mul3A_40 = arith.mulf %get3A_39, %gather3A : vector<16xf32>
      %swap3A_41 = arith.index_cast %scan3A_28 : i32 to index
      %swap3A_42 = arith.constant 16 : index
      %swap3A_43 = tpu.vector_load %arg6[%swap3A_41, %swap3A_42] {strides = array<i32>} : memref<128x768xf32, #tpu.memory_space<vmem>>, vector<16xf32>,
      tpu.vector_store %arg6[%swap3A_41, %swap3A_42], %mul3A_40 {strides = array<i32>} : memref<128x768xf32, #tpu.memory_space<vmem>>, vector<16xf32>,
      %get3A_44 = arith.index_cast %scan3A_28 : i32 to index
      %get3A_45 = arith.constant 32 : index
      %get3A_46 = tpu.vector_load %arg6[%get3A_44, %get3A_45] {strides = array<i32>} : memref<128x768xf32, #tpu.memory_space<vmem>>, vector<16xf32>,
      %mul3A_47 = arith.mulf %get3A_46, %gather3A : vector<16xf32>
      %swap3A_48 = arith.index_cast %scan3A_28 : i32 to index
      %swap3A_49 = arith.constant 32 : index
      %swap3A_50 = tpu.vector_load %arg6[%swap3A_48, %swap3A_49] {strides = array<i32>} : memref<128x768xf32, #tpu.memory_space<vmem>>, vector<16xf32>,
      tpu.vector_store %arg6[%swap3A_48, %swap3A_49], %mul3A_47 {strides = array<i32>} : memref<128x768xf32, #tpu.memory_space<vmem>>, vector<16xf32>,
      %get3A_51 = arith.index_cast %scan3A_28 : i32 to index
      %get3A_52 = arith.constant 48 : index
      %get3A_53 = tpu.vector_load %arg6[%get3A_51, %get3A_52] {strides = array<i32>} : memref<128x768xf32, #tpu.memory_space<vmem>>, vector<16xf32>,
      %mul3A_54 = arith.mulf %get3A_53, %gather3A : vector<16xf32>
      %swap3A_55 = arith.index_cast %scan3A_28 : i32 to index
      %swap3A_56 = arith.constant 48 : index
      %swap3A_57 = tpu.vector_load %arg6[%swap3A_55, %swap3A_56] {strides = array<i32>} : memref<128x768xf32, #tpu.memory_space<vmem>>, vector<16xf32>,
      tpu.vector_store %arg6[%swap3A_55, %swap3A_56], %mul3A_54 {strides = array<i32>} : memref<128x768xf32, #tpu.memory_space<vmem>>, vector<16xf32>,
      %get3A_58 = arith.index_cast %scan3A_28 : i32 to index
      %get3A_59 = arith.constant 64 : index
      %get3A_60 = tpu.vector_load %arg6[%get3A_58, %get3A_59] {strides = array<i32>} : memref<128x768xf32, #tpu.memory_space<vmem>>, vector<16xf32>,
      %mul3A_61 = arith.mulf %get3A_60, %gather3A : vector<16xf32>
      %swap3A_62 = arith.index_cast %scan3A_28 : i32 to index
      %swap3A_63 = arith.constant 64 : index
      %swap3A_64 = tpu.vector_load %arg6[%swap3A_62, %swap3A_63] {strides = array<i32>} : memref<128x768xf32, #tpu.memory_space<vmem>>, vector<16xf32>,
      tpu.vector_store %arg6[%swap3A_62, %swap3A_63], %mul3A_61 {strides = array<i32>} : memref<128x768xf32, #tpu.memory_space<vmem>>, vector<16xf32>,
      %get3A_65 = arith.index_cast %scan3A_28 : i32 to index
      %get3A_66 = arith.constant 80 : index
      %get3A_67 = tpu.vector_load %arg6[%get3A_65, %get3A_66] {strides = array<i32>} : memref<128x768xf32, #tpu.memory_space<vmem>>, vector<16xf32>,
      %mul3A_68 = arith.mulf %get3A_67, %gather3A : vector<16xf32>
      %swap3A_69 = arith.index_cast %scan3A_28 : i32 to index
      %swap3A_70 = arith.constant 80 : index
      %swap3A_71 = tpu.vector_load %arg6[%swap3A_69, %swap3A_70] {strides = array<i32>} : memref<128x768xf32, #tpu.memory_space<vmem>>, vector<16xf32>,
      tpu.vector_store %arg6[%swap3A_69, %swap3A_70], %mul3A_68 {strides = array<i32>} : memref<128x768xf32, #tpu.memory_space<vmem>>, vector<16xf32>,
      %get3A_72 = arith.index_cast %scan3A_28 : i32 to index
      %get3A_73 = arith.constant 96 : index
      %get3A_74 = tpu.vector_load %arg6[%get3A_72, %get3A_73] {strides = array<i32>} : memref<128x768xf32, #tpu.memory_space<vmem>>, vector<16xf32>,
      %mul3A_75 = arith.mulf %get3A_74, %gather3A : vector<16xf32>
      %swap3A_76 = arith.index_cast %scan3A_28 : i32 to index
      %swap3A_77 = arith.constant 96 : index
      %swap3A_78 = tpu.vector_load %arg6[%swap3A_76, %swap3A_77] {strides = array<i32>} : memref<128x768xf32, #tpu.memory_space<vmem>>, vector<16xf32>,
      tpu.vector_store %arg6[%swap3A_76, %swap3A_77], %mul3A_75 {strides = array<i32>} : memref<128x768xf32, #tpu.memory_space<vmem>>, vector<16xf32>,
      %get3A_79 = arith.index_cast %scan3A_28 : i32 to index
      %get3A_80 = arith.constant 112 : index
      %get3A_81 = tpu.vector_load %arg6[%get3A_79, %get3A_80] {strides = array<i32>} : memref<128x768xf32, #tpu.memory_space<vmem>>, vector<16xf32>,
      %mul3A_82 = arith.mulf %get3A_81, %gather3A : vector<16xf32>
      %swap3A_83 = arith.index_cast %scan3A_28 : i32 to index
      %swap3A_84 = arith.constant 112 : index
      %swap3A_85 = tpu.vector_load %arg6[%swap3A_83, %swap3A_84] {strides = array<i32>} : memref<128x768xf32, #tpu.memory_space<vmem>>, vector<16xf32>,
      tpu.vector_store %arg6[%swap3A_83, %swap3A_84], %mul3A_82 {strides = array<i32>} : memref<128x768xf32, #tpu.memory_space<vmem>>, vector<16xf32>,
      %get3A_86 = arith.index_cast %scan3A_28 : i32 to index
      %get3A_87 = arith.constant 128 : index
      %get3A_88 = tpu.vector_load %arg6[%get3A_86, %get3A_87] {strides = array<i32>} : memref<128x768xf32, #tpu.memory_space<vmem>>, vector<16xf32>,
      %mul3A_89 = arith.mulf %get3A_88, %gather3A : vector<16xf32>
      %swap3A_90 = arith.index_cast %scan3A_28 : i32 to index
      %swap3A_91 = arith.constant 128 : index
      %swap3A_92 = tpu.vector_load %arg6[%swap3A_90, %swap3A_91] {strides = array<i32>} : memref<128x768xf32, #tpu.memory_space<vmem>>, vector<16xf32>,
      tpu.vector_store %arg6[%swap3A_90, %swap3A_91], %mul3A_89 {strides = array<i32>} : memref<128x768xf32, #tpu.memory_space<vmem>>, vector<16xf32>,
      %get3A_93 = arith.index_cast %scan3A_28 : i32 to index
      %get3A_94 = arith.constant 144 : index
      %get3A_95 = tpu.vector_load %arg6[%get3A_93, %get3A_94] {strides = array<i32>} : memref<128x768xf32, #tpu.memory_space<vmem>>, vector<16xf32>,
      %mul3A_96 = arith.mulf %get3A_95, %gather3A : vector<16xf32>
      %swap3A_97 = arith.index_cast %scan3A_28 : i32 to index
      %swap3A_98 = arith.constant 144 : index
      %swap3A_99 = tpu.vector_load %arg6[%swap3A_97, %swap3A_98] {strides = array<i32>} : memref<128x768xf32, #tpu.memory_space<vmem>>, vector<16xf32>,
      tpu.vector_store %arg6[%swap3A_97, %swap3A_98], %mul3A_96 {strides = array<i32>} : memref<128x768xf32, #tpu.memory_space<vmem>>, vector<16xf32>,
      %get3A_100 = arith.index_cast %scan3A_28 : i32 to index
      %get3A_101 = arith.constant 160 : index
      %get3A_102 = tpu.vector_load %arg6[%get3A_100, %get3A_101] {strides = array<i32>} : memref<128x768xf32, #tpu.memory_space<vmem>>, vector<16xf32>,
      %mul3A_103 = arith.mulf %get3A_102, %gather3A : vector<16xf32>
      %swap3A_104 = arith.index_cast %scan3A_28 : i32 to index
      %swap3A_105 = arith.constant 160 : index
      %swap3A_106 = tpu.vector_load %arg6[%swap3A_104, %swap3A_105] {strides = array<i32>} : memref<128x768xf32, #tpu.memory_space<vmem>>, vector<16xf32>,
      tpu.vector_store %arg6[%swap3A_104, %swap3A_105], %mul3A_103 {strides = array<i32>} : memref<128x768xf32, #tpu.memory_space<vmem>>, vector<16xf32>,
      %get3A_107 = arith.index_cast %scan3A_28 : i32 to index
      %get3A_108 = arith.constant 176 : index
      %get3A_109 = tpu.vector_load %arg6[%get3A_107, %get3A_108] {strides = array<i32>} : memref<128x768xf32, #tpu.memory_space<vmem>>, vector<16xf32>,
      %mul3A_110 = arith.mulf %get3A_109, %gather3A : vector<16xf32>
      %swap3A_111 = arith.index_cast %scan3A_28 : i32 to index
      %swap3A_112 = arith.constant 176 : index
      %swap3A_113 = tpu.vector_load %arg6[%swap3A_111, %swap3A_112] {strides = array<i32>} : memref<128x768xf32, #tpu.memory_space<vmem>>, vector<16xf32>,
      tpu.vector_store %arg6[%swap3A_111, %swap3A_112], %mul3A_110 {strides = array<i32>} : memref<128x768xf32, #tpu.memory_space<vmem>>, vector<16xf32>,
      %get3A_114 = arith.index_cast %scan3A_28 : i32 to index
      %get3A_115 = arith.constant 192 : index
      %get3A_116 = tpu.vector_load %arg6[%get3A_114, %get3A_115] {strides = array<i32>} : memref<128x768xf32, #tpu.memory_space<vmem>>, vector<16xf32>,
      %mul3A_117 = arith.mulf %get3A_116, %gather3A : vector<16xf32>
      %swap3A_118 = arith.index_cast %scan3A_28 : i32 to index
      %swap3A_119 = arith.constant 192 : index
      %swap3A_120 = tpu.vector_load %arg6[%swap3A_118, %swap3A_119] {strides = array<i32>} : memref<128x768xf32, #tpu.memory_space<vmem>>, vector<16xf32>,
      tpu.vector_store %arg6[%swap3A_118, %swap3A_119], %mul3A_117 {strides = array<i32>} : memref<128x768xf32, #tpu.memory_space<vmem>>, vector<16xf32>,
      %get3A_121 = arith.index_cast %scan3A_28 : i32 to index
      %get3A_122 = arith.constant 208 : index
      %get3A_123 = tpu.vector_load %arg6[%get3A_121, %get3A_122] {strides = array<i32>} : memref<128x768xf32, #tpu.memory_space<vmem>>, vector<16xf32>,
      %mul3A_124 = arith.mulf %get3A_123, %gather3A : vector<16xf32>
      %swap3A_125 = arith.index_cast %scan3A_28 : i32 to index
      %swap3A_126 = arith.constant 208 : index
      %swap3A_127 = tpu.vector_load %arg6[%swap3A_125, %swap3A_126] {strides = array<i32>} : memref<128x768xf32, #tpu.memory_space<vmem>>, vector<16xf32>,
      tpu.vector_store %arg6[%swap3A_125, %swap3A_126], %mul3A_124 {strides = array<i32>} : memref<128x768xf32, #tpu.memory_space<vmem>>, vector<16xf32>,
      %get3A_128 = arith.index_cast %scan3A_28 : i32 to index
      %get3A_129 = arith.constant 224 : index
      %get3A_130 = tpu.vector_load %arg6[%get3A_128, %get3A_129] {strides = array<i32>} : memref<128x768xf32, #tpu.memory_space<vmem>>, vector<16xf32>,
      %mul3A_131 = arith.mulf %get3A_130, %gather3A : vector<16xf32>
      %swap3A_132 = arith.index_cast %scan3A_28 : i32 to index
      %swap3A_133 = arith.constant 224 : index
      %swap3A_134 = tpu.vector_load %arg6[%swap3A_132, %swap3A_133] {strides = array<i32>} : memref<128x768xf32, #tpu.memory_space<vmem>>, vector<16xf32>,
      tpu.vector_store %arg6[%swap3A_132, %swap3A_133], %mul3A_131 {strides = array<i32>} : memref<128x768xf32, #tpu.memory_space<vmem>>, vector<16xf32>,
      %get3A_135 = arith.index_cast %scan3A_28 : i32 to index
      %get3A_136 = arith.constant 240 : index
      %get3A_137 = tpu.vector_load %arg6[%get3A_135, %get3A_136] {strides = array<i32>} : memref<128x768xf32, #tpu.memory_space<vmem>>, vector<16xf32>,
      %mul3A_138 = arith.mulf %get3A_137, %gather3A : vector<16xf32>
      %swap3A_139 = arith.index_cast %scan3A_28 : i32 to index
      %swap3A_140 = arith.constant 240 : index
      %swap3A_141 = tpu.vector_load %arg6[%swap3A_139, %swap3A_140] {strides = array<i32>} : memref<128x768xf32, #tpu.memory_space<vmem>>, vector<16xf32>,
      tpu.vector_store %arg6[%swap3A_139, %swap3A_140], %mul3A_138 {strides = array<i32>} : memref<128x768xf32, #tpu.memory_space<vmem>>, vector<16xf32>,
      %get3A_142 = arith.index_cast %scan3A_28 : i32 to index
      %get3A_143 = arith.constant 256 : index
      %get3A_144 = tpu.vector_load %arg6[%get3A_142, %get3A_143] {strides = array<i32>} : memref<128x768xf32, #tpu.memory_space<vmem>>, vector<16xf32>,
      %mul3A_145 = arith.mulf %get3A_144, %gather3A : vector<16xf32>
      %swap3A_146 = arith.index_cast %scan3A_28 : i32 to index
      %swap3A_147 = arith.constant 256 : index
      %swap3A_148 = tpu.vector_load %arg6[%swap3A_146, %swap3A_147] {strides = array<i32>} : memref<128x768xf32, #tpu.memory_space<vmem>>, vector<16xf32>,
      tpu.vector_store %arg6[%swap3A_146, %swap3A_147], %mul3A_145 {strides = array<i32>} : memref<128x768xf32, #tpu.memory_space<vmem>>, vector<16xf32>,
      %get3A_149 = arith.index_cast %scan3A_28 : i32 to index
      %get3A_150 = arith.constant 272 : index
      %get3A_151 = tpu.vector_load %arg6[%get3A_149, %get3A_150] {strides = array<i32>} : memref<128x768xf32, #tpu.memory_space<vmem>>, vector<16xf32>,
      %mul3A_152 = arith.mulf %get3A_151, %gather3A : vector<16xf32>
      %swap3A_153 = arith.index_cast %scan3A_28 : i32 to index
      %swap3A_154 = arith.constant 272 : index
      %swap3A_155 = tpu.vector_load %arg6[%swap3A_153, %swap3A_154] {strides = array<i32>} : memref<128x768xf32, #tpu.memory_space<vmem>>, vector<16xf32>,
      tpu.vector_store %arg6[%swap3A_153, %swap3A_154], %mul3A_152 {strides = array<i32>} : memref<128x768xf32, #tpu.memory_space<vmem>>, vector<16xf32>,
      %get3A_156 = arith.index_cast %scan3A_28 : i32 to index
      %get3A_157 = arith.constant 288 : index
      %get3A_158 = tpu.vector_load %arg6[%get3A_156, %get3A_157] {strides = array<i32>} : memref<128x768xf32, #tpu.memory_space<vmem>>, vector<16xf32>,
      %mul3A_159 = arith.mulf %get3A_158, %gather3A : vector<16xf32>
      %swap3A_160 = arith.index_cast %scan3A_28 : i32 to index
      %swap3A_161 = arith.constant 288 : index
      %swap3A_162 = tpu.vector_load %arg6[%swap3A_160, %swap3A_161] {strides = array<i32>} : memref<128x768xf32, #tpu.memory_space<vmem>>, vector<16xf32>,
      tpu.vector_store %arg6[%swap3A_160, %swap3A_161], %mul3A_159 {strides = array<i32>} : memref<128x768xf32, #tpu.memory_space<vmem>>, vector<16xf32>,
      %get3A_163 = arith.index_cast %scan3A_28 : i32 to index
      %get3A_164 = arith.constant 304 : index
      %get3A_165 = tpu.vector_load %arg6[%get3A_163, %get3A_164] {strides = array<i32>} : memref<128x768xf32, #tpu.memory_space<vmem>>, vector<16xf32>,
      %mul3A_166 = arith.mulf %get3A_165, %gather3A : vector<16xf32>
      %swap3A_167 = arith.index_cast %scan3A_28 : i32 to index
      %swap3A_168 = arith.constant 304 : index
      %swap3A_169 = tpu.vector_load %arg6[%swap3A_167, %swap3A_168] {strides = array<i32>} : memref<128x768xf32, #tpu.memory_space<vmem>>, vector<16xf32>,
      tpu.vector_store %arg6[%swap3A_167, %swap3A_168], %mul3A_166 {strides = array<i32>} : memref<128x768xf32, #tpu.memory_space<vmem>>, vector<16xf32>,
      %get3A_170 = arith.index_cast %scan3A_28 : i32 to index
      %get3A_171 = arith.constant 320 : index
      %get3A_172 = tpu.vector_load %arg6[%get3A_170, %get3A_171] {strides = array<i32>} : memref<128x768xf32, #tpu.memory_space<vmem>>, vector<16xf32>,
      %mul3A_173 = arith.mulf %get3A_172, %gather3A : vector<16xf32>
      %swap3A_174 = arith.index_cast %scan3A_28 : i32 to index
      %swap3A_175 = arith.constant 320 : index
      %swap3A_176 = tpu.vector_load %arg6[%swap3A_174, %swap3A_175] {strides = array<i32>} : memref<128x768xf32, #tpu.memory_space<vmem>>, vector<16xf32>,
      tpu.vector_store %arg6[%swap3A_174, %swap3A_175], %mul3A_173 {strides = array<i32>} : memref<128x768xf32, #tpu.memory_space<vmem>>, vector<16xf32>,
      %get3A_177 = arith.index_cast %scan3A_28 : i32 to index
      %get3A_178 = arith.constant 336 : index
      %get3A_179 = tpu.vector_load %arg6[%get3A_177, %get3A_178] {strides = array<i32>} : memref<128x768xf32, #tpu.memory_space<vmem>>, vector<16xf32>,
      %mul3A_180 = arith.mulf %get3A_179, %gather3A : vector<16xf32>
      %swap3A_181 = arith.index_cast %scan3A_28 : i32 to index
      %swap3A_182 = arith.constant 336 : index
      %swap3A_183 = tpu.vector_load %arg6[%swap3A_181, %swap3A_182] {strides = array<i32>} : memref<128x768xf32, #tpu.memory_space<vmem>>, vector<16xf32>,
      tpu.vector_store %arg6[%swap3A_181, %swap3A_182], %mul3A_180 {strides = array<i32>} : memref<128x768xf32, #tpu.memory_space<vmem>>, vector<16xf32>,
      %get3A_184 = arith.index_cast %scan3A_28 : i32 to index
      %get3A_185 = arith.constant 352 : index
      %get3A_186 = tpu.vector_load %arg6[%get3A_184, %get3A_185] {strides = array<i32>} : memref<128x768xf32, #tpu.memory_space<vmem>>, vector<16xf32>,
      %mul3A_187 = arith.mulf %get3A_186, %gather3A : vector<16xf32>
      %swap3A_188 = arith.index_cast %scan3A_28 : i32 to index
      %swap3A_189 = arith.constant 352 : index
      %swap3A_190 = tpu.vector_load %arg6[%swap3A_188, %swap3A_189] {strides = array<i32>} : memref<128x768xf32, #tpu.memory_space<vmem>>, vector<16xf32>,
      tpu.vector_store %arg6[%swap3A_188, %swap3A_189], %mul3A_187 {strides = array<i32>} : memref<128x768xf32, #tpu.memory_space<vmem>>, vector<16xf32>,
      %get3A_191 = arith.index_cast %scan3A_28 : i32 to index
      %get3A_192 = arith.constant 368 : index
      %get3A_193 = tpu.vector_load %arg6[%get3A_191, %get3A_192] {strides = array<i32>} : memref<128x768xf32, #tpu.memory_space<vmem>>, vector<16xf32>,
      %mul3A_194 = arith.mulf %get3A_193, %gather3A : vector<16xf32>
      %swap3A_195 = arith.index_cast %scan3A_28 : i32 to index
      %swap3A_196 = arith.constant 368 : index
      %swap3A_197 = tpu.vector_load %arg6[%swap3A_195, %swap3A_196] {strides = array<i32>} : memref<128x768xf32, #tpu.memory_space<vmem>>, vector<16xf32>,
      tpu.vector_store %arg6[%swap3A_195, %swap3A_196], %mul3A_194 {strides = array<i32>} : memref<128x768xf32, #tpu.memory_space<vmem>>, vector<16xf32>,
      %get3A_198 = arith.index_cast %scan3A_28 : i32 to index
      %get3A_199 = arith.constant 384 : index
      %get3A_200 = tpu.vector_load %arg6[%get3A_198, %get3A_199] {strides = array<i32>} : memref<128x768xf32, #tpu.memory_space<vmem>>, vector<16xf32>,
      %mul3A_201 = arith.mulf %get3A_200, %gather3A : vector<16xf32>
      %swap3A_202 = arith.index_cast %scan3A_28 : i32 to index
      %swap3A_203 = arith.constant 384 : index
      %swap3A_204 = tpu.vector_load %arg6[%swap3A_202, %swap3A_203] {strides = array<i32>} : memref<128x768xf32, #tpu.memory_space<vmem>>, vector<16xf32>,
      tpu.vector_store %arg6[%swap3A_202, %swap3A_203], %mul3A_201 {strides = array<i32>} : memref<128x768xf32, #tpu.memory_space<vmem>>, vector<16xf32>,
      %get3A_205 = arith.index_cast %scan3A_28 : i32 to index
      %get3A_206 = arith.constant 400 : index
      %get3A_207 = tpu.vector_load %arg6[%get3A_205, %get3A_206] {strides = array<i32>} : memref<128x768xf32, #tpu.memory_space<vmem>>, vector<16xf32>,
      %mul3A_208 = arith.mulf %get3A_207, %gather3A : vector<16xf32>
      %swap3A_209 = arith.index_cast %scan3A_28 : i32 to index
      %swap3A_210 = arith.constant 400 : index
      %swap3A_211 = tpu.vector_load %arg6[%swap3A_209, %swap3A_210] {strides = array<i32>} : memref<128x768xf32, #tpu.memory_space<vmem>>, vector<16xf32>,
      tpu.vector_store %arg6[%swap3A_209, %swap3A_210], %mul3A_208 {strides = array<i32>} : memref<128x768xf32, #tpu.memory_space<vmem>>, vector<16xf32>,
      %get3A_212 = arith.index_cast %scan3A_28 : i32 to index
      %get3A_213 = arith.constant 416 : index
      %get3A_214 = tpu.vector_load %arg6[%get3A_212, %get3A_213] {strides = array<i32>} : memref<128x768xf32, #tpu.memory_space<vmem>>, vector<16xf32>,
      %mul3A_215 = arith.mulf %get3A_214, %gather3A : vector<16xf32>
      %swap3A_216 = arith.index_cast %scan3A_28 : i32 to index
      %swap3A_217 = arith.constant 416 : index
      %swap3A_218 = tpu.vector_load %arg6[%swap3A_216, %swap3A_217] {strides = array<i32>} : memref<128x768xf32, #tpu.memory_space<vmem>>, vector<16xf32>,
      tpu.vector_store %arg6[%swap3A_216, %swap3A_217], %mul3A_215 {strides = array<i32>} : memref<128x768xf32, #tpu.memory_space<vmem>>, vector<16xf32>,
      %get3A_219 = arith.index_cast %scan3A_28 : i32 to index
      %get3A_220 = arith.constant 432 : index
      %get3A_221 = tpu.vector_load %arg6[%get3A_219, %get3A_220] {strides = array<i32>} : memref<128x768xf32, #tpu.memory_space<vmem>>, vector<16xf32>,
      %mul3A_222 = arith.mulf %get3A_221, %gather3A : vector<16xf32>
      %swap3A_223 = arith.index_cast %scan3A_28 : i32 to index
      %swap3A_224 = arith.constant 432 : index
      %swap3A_225 = tpu.vector_load %arg6[%swap3A_223, %swap3A_224] {strides = array<i32>} : memref<128x768xf32, #tpu.memory_space<vmem>>, vector<16xf32>,
      tpu.vector_store %arg6[%swap3A_223, %swap3A_224], %mul3A_222 {strides = array<i32>} : memref<128x768xf32, #tpu.memory_space<vmem>>, vector<16xf32>,
      %get3A_226 = arith.index_cast %scan3A_28 : i32 to index
      %get3A_227 = arith.constant 448 : index
      %get3A_228 = tpu.vector_load %arg6[%get3A_226, %get3A_227] {strides = array<i32>} : memref<128x768xf32, #tpu.memory_space<vmem>>, vector<16xf32>,
      %mul3A_229 = arith.mulf %get3A_228, %gather3A : vector<16xf32>
      %swap3A_230 = arith.index_cast %scan3A_28 : i32 to index
      %swap3A_231 = arith.constant 448 : index
      %swap3A_232 = tpu.vector_load %arg6[%swap3A_230, %swap3A_231] {strides = array<i32>} : memref<128x768xf32, #tpu.memory_space<vmem>>, vector<16xf32>,
      tpu.vector_store %arg6[%swap3A_230, %swap3A_231], %mul3A_229 {strides = array<i32>} : memref<128x768xf32, #tpu.memory_space<vmem>>, vector<16xf32>,
      %get3A_233 = arith.index_cast %scan3A_28 : i32 to index
      %get3A_234 = arith.constant 464 : index
      %get3A_235 = tpu.vector_load %arg6[%get3A_233, %get3A_234] {strides = array<i32>} : memref<128x768xf32, #tpu.memory_space<vmem>>, vector<16xf32>,
      %mul3A_236 = arith.mulf %get3A_235, %gather3A : vector<16xf32>
      %swap3A_237 = arith.index_cast %scan3A_28 : i32 to index
      %swap3A_238 = arith.constant 464 : index
      %swap3A_239 = tpu.vector_load %arg6[%swap3A_237, %swap3A_238] {strides = array<i32>} : memref<128x768xf32, #tpu.memory_space<vmem>>, vector<16xf32>,
      tpu.vector_store %arg6[%swap3A_237, %swap3A_238], %mul3A_236 {strides = array<i32>} : memref<128x768xf32, #tpu.memory_space<vmem>>, vector<16xf32>,
      %get3A_240 = arith.index_cast %scan3A_28 : i32 to index
      %get3A_241 = arith.constant 480 : index
      %get3A_242 = tpu.vector_load %arg6[%get3A_240, %get3A_241] {strides = array<i32>} : memref<128x768xf32, #tpu.memory_space<vmem>>, vector<16xf32>,
      %mul3A_243 = arith.mulf %get3A_242, %gather3A : vector<16xf32>
      %swap3A_244 = arith.index_cast %scan3A_28 : i32 to index
      %swap3A_245 = arith.constant 480 : index
      %swap3A_246 = tpu.vector_load %arg6[%swap3A_244, %swap3A_245] {strides = array<i32>} : memref<128x768xf32, #tpu.memory_space<vmem>>, vector<16xf32>,
      tpu.vector_store %arg6[%swap3A_244, %swap3A_245], %mul3A_243 {strides = array<i32>} : memref<128x768xf32, #tpu.memory_space<vmem>>, vector<16xf32>,
      %get3A_247 = arith.index_cast %scan3A_28 : i32 to index
      %get3A_248 = arith.constant 496 : index
      %get3A_249 = tpu.vector_load %arg6[%get3A_247, %get3A_248] {strides = array<i32>} : memref<128x768xf32, #tpu.memory_space<vmem>>, vector<16xf32>,
      %mul3A_250 = arith.mulf %get3A_249, %gather3A : vector<16xf32>
      %swap3A_251 = arith.index_cast %scan3A_28 : i32 to index
      %swap3A_252 = arith.constant 496 : index
      %swap3A_253 = tpu.vector_load %arg6[%swap3A_251, %swap3A_252] {strides = array<i32>} : memref<128x768xf32, #tpu.memory_space<vmem>>, vector<16xf32>,
      tpu.vector_store %arg6[%swap3A_251, %swap3A_252], %mul3A_250 {strides = array<i32>} : memref<128x768xf32, #tpu.memory_space<vmem>>, vector<16xf32>,
      %get3A_254 = arith.index_cast %scan3A_28 : i32 to index
      %get3A_255 = arith.constant 512 : index
      %get3A_256 = tpu.vector_load %arg6[%get3A_254, %get3A_255] {strides = array<i32>} : memref<128x768xf32, #tpu.memory_space<vmem>>, vector<16xf32>,
      %mul3A_257 = arith.mulf %get3A_256, %gather3A : vector<16xf32>
      %swap3A_258 = arith.index_cast %scan3A_28 : i32 to index
      %swap3A_259 = arith.constant 512 : index
      %swap3A_260 = tpu.vector_load %arg6[%swap3A_258, %swap3A_259] {strides = array<i32>} : memref<128x768xf32, #tpu.memory_space<vmem>>, vector<16xf32>,
      tpu.vector_store %arg6[%swap3A_258, %swap3A_259], %mul3A_257 {strides = array<i32>} : memref<128x768xf32, #tpu.memory_space<vmem>>, vector<16xf32>,
      %get3A_261 = arith.index_cast %scan3A_28 : i32 to index
      %get3A_262 = arith.constant 528 : index
      %get3A_263 = tpu.vector_load %arg6[%get3A_261, %get3A_262] {strides = array<i32>} : memref<128x768xf32, #tpu.memory_space<vmem>>, vector<16xf32>,
      %mul3A_264 = arith.mulf %get3A_263, %gather3A : vector<16xf32>
      %swap3A_265 = arith.index_cast %scan3A_28 : i32 to index
      %swap3A_266 = arith.constant 528 : index
      %swap3A_267 = tpu.vector_load %arg6[%swap3A_265, %swap3A_266] {strides = array<i32>} : memref<128x768xf32, #tpu.memory_space<vmem>>, vector<16xf32>,
      tpu.vector_store %arg6[%swap3A_265, %swap3A_266], %mul3A_264 {strides = array<i32>} : memref<128x768xf32, #tpu.memory_space<vmem>>, vector<16xf32>,
      %get3A_268 = arith.index_cast %scan3A_28 : i32 to index
      %get3A_269 = arith.constant 544 : index
      %get3A_270 = tpu.vector_load %arg6[%get3A_268, %get3A_269] {strides = array<i32>} : memref<128x768xf32, #tpu.memory_space<vmem>>, vector<16xf32>,
      %mul3A_271 = arith.mulf %get3A_270, %gather3A : vector<16xf32>
      %swap3A_272 = arith.index_cast %scan3A_28 : i32 to index
      %swap3A_273 = arith.constant 544 : index
      %swap3A_274 = tpu.vector_load %arg6[%swap3A_272, %swap3A_273] {strides = array<i32>} : memref<128x768xf32, #tpu.memory_space<vmem>>, vector<16xf32>,
      tpu.vector_store %arg6[%swap3A_272, %swap3A_273], %mul3A_271 {strides = array<i32>} : memref<128x768xf32, #tpu.memory_space<vmem>>, vector<16xf32>,
      %get3A_275 = arith.index_cast %scan3A_28 : i32 to index
      %get3A_276 = arith.constant 560 : index
      %get3A_277 = tpu.vector_load %arg6[%get3A_275, %get3A_276] {strides = array<i32>} : memref<128x768xf32, #tpu.memory_space<vmem>>, vector<16xf32>,
      %mul3A_278 = arith.mulf %get3A_277, %gather3A : vector<16xf32>
      %swap3A_279 = arith.index_cast %scan3A_28 : i32 to index
      %swap3A_280 = arith.constant 560 : index
      %swap3A_281 = tpu.vector_load %arg6[%swap3A_279, %swap3A_280] {strides = array<i32>} : memref<128x768xf32, #tpu.memory_space<vmem>>, vector<16xf32>,
      tpu.vector_store %arg6[%swap3A_279, %swap3A_280], %mul3A_278 {strides = array<i32>} : memref<128x768xf32, #tpu.memory_space<vmem>>, vector<16xf32>,
      %get3A_282 = arith.index_cast %scan3A_28 : i32 to index
      %get3A_283 = arith.constant 576 : index
      %get3A_284 = tpu.vector_load %arg6[%get3A_282, %get3A_283] {strides = array<i32>} : memref<128x768xf32, #tpu.memory_space<vmem>>, vector<16xf32>,
      %mul3A_285 = arith.mulf %get3A_284, %gather3A : vector<16xf32>
      %swap3A_286 = arith.index_cast %scan3A_28 : i32 to index
      %swap3A_287 = arith.constant 576 : index
      %swap3A_288 = tpu.vector_load %arg6[%swap3A_286, %swap3A_287] {strides = array<i32>} : memref<128x768xf32, #tpu.memory_space<vmem>>, vector<16xf32>,
      tpu.vector_store %arg6[%swap3A_286, %swap3A_287], %mul3A_285 {strides = array<i32>} : memref<128x768xf32, #tpu.memory_space<vmem>>, vector<16xf32>,
      %get3A_289 = arith.index_cast %scan3A_28 : i32 to index
      %get3A_290 = arith.constant 592 : index
      %get3A_291 = tpu.vector_load %arg6[%get3A_289, %get3A_290] {strides = array<i32>} : memref<128x768xf32, #tpu.memory_space<vmem>>, vector<16xf32>,
      %mul3A_292 = arith.mulf %get3A_291, %gather3A : vector<16xf32>
      %swap3A_293 = arith.index_cast %scan3A_28 : i32 to index
      %swap3A_294 = arith.constant 592 : index
      %swap3A_295 = tpu.vector_load %arg6[%swap3A_293, %swap3A_294] {strides = array<i32>} : memref<128x768xf32, #tpu.memory_space<vmem>>, vector<16xf32>,
      tpu.vector_store %arg6[%swap3A_293, %swap3A_294], %mul3A_292 {strides = array<i32>} : memref<128x768xf32, #tpu.memory_space<vmem>>, vector<16xf32>,
      %get3A_296 = arith.index_cast %scan3A_28 : i32 to index
      %get3A_297 = arith.constant 608 : index
      %get3A_298 = tpu.vector_load %arg6[%get3A_296, %get3A_297] {strides = array<i32>} : memref<128x768xf32, #tpu.memory_space<vmem>>, vector<16xf32>,
      %mul3A_299 = arith.mulf %get3A_298, %gather3A : vector<16xf32>
      %swap3A_300 = arith.index_cast %scan3A_28 : i32 to index
      %swap3A_301 = arith.constant 608 : index
      %swap3A_302 = tpu.vector_load %arg6[%swap3A_300, %swap3A_301] {strides = array<i32>} : memref<128x768xf32, #tpu.memory_space<vmem>>, vector<16xf32>,
      tpu.vector_store %arg6[%swap3A_300, %swap3A_301], %mul3A_299 {strides = array<i32>} : memref<128x768xf32, #tpu.memory_space<vmem>>, vector<16xf32>,
      %get3A_303 = arith.index_cast %scan3A_28 : i32 to index
      %get3A_304 = arith.constant 624 : index
      %get3A_305 = tpu.vector_load %arg6[%get3A_303, %get3A_304] {strides = array<i32>} : memref<128x768xf32, #tpu.memory_space<vmem>>, vector<16xf32>,
      %mul3A_306 = arith.mulf %get3A_305, %gather3A : vector<16xf32>
      %swap3A_307 = arith.index_cast %scan3A_28 : i32 to index
      %swap3A_308 = arith.constant 624 : index
      %swap3A_309 = tpu.vector_load %arg6[%swap3A_307, %swap3A_308] {strides = array<i32>} : memref<128x768xf32, #tpu.memory_space<vmem>>, vector<16xf32>,
      tpu.vector_store %arg6[%swap3A_307, %swap3A_308], %mul3A_306 {strides = array<i32>} : memref<128x768xf32, #tpu.memory_space<vmem>>, vector<16xf32>,
      %get3A_310 = arith.index_cast %scan3A_28 : i32 to index
      %get3A_311 = arith.constant 640 : index
      %get3A_312 = tpu.vector_load %arg6[%get3A_310, %get3A_311] {strides = array<i32>} : memref<128x768xf32, #tpu.memory_space<vmem>>, vector<16xf32>,
      %mul3A_313 = arith.mulf %get3A_312, %gather3A : vector<16xf32>
      %swap3A_314 = arith.index_cast %scan3A_28 : i32 to index
      %swap3A_315 = arith.constant 640 : index
      %swap3A_316 = tpu.vector_load %arg6[%swap3A_314, %swap3A_315] {strides = array<i32>} : memref<128x768xf32, #tpu.memory_space<vmem>>, vector<16xf32>,
      tpu.vector_store %arg6[%swap3A_314, %swap3A_315], %mul3A_313 {strides = array<i32>} : memref<128x768xf32, #tpu.memory_space<vmem>>, vector<16xf32>,
      %get3A_317 = arith.index_cast %scan3A_28 : i32 to index
      %get3A_318 = arith.constant 656 : index
      %get3A_319 = tpu.vector_load %arg6[%get3A_317, %get3A_318] {strides = array<i32>} : memref<128x768xf32, #tpu.memory_space<vmem>>, vector<16xf32>,
      %mul3A_320 = arith.mulf %get3A_319, %gather3A : vector<16xf32>
      %swap3A_321 = arith.index_cast %scan3A_28 : i32 to index
      %swap3A_322 = arith.constant 656 : index
      %swap3A_323 = tpu.vector_load %arg6[%swap3A_321, %swap3A_322] {strides = array<i32>} : memref<128x768xf32, #tpu.memory_space<vmem>>, vector<16xf32>,
      tpu.vector_store %arg6[%swap3A_321, %swap3A_322], %mul3A_320 {strides = array<i32>} : memref<128x768xf32, #tpu.memory_space<vmem>>, vector<16xf32>,
      %get3A_324 = arith.index_cast %scan3A_28 : i32 to index
      %get3A_325 = arith.constant 672 : index
      %get3A_326 = tpu.vector_load %arg6[%get3A_324, %get3A_325] {strides = array<i32>} : memref<128x768xf32, #tpu.memory_space<vmem>>, vector<16xf32>,
      %mul3A_327 = arith.mulf %get3A_326, %gather3A : vector<16xf32>
      %swap3A_328 = arith.index_cast %scan3A_28 : i32 to index
      %swap3A_329 = arith.constant 672 : index
      %swap3A_330 = tpu.vector_load %arg6[%swap3A_328, %swap3A_329] {strides = array<i32>} : memref<128x768xf32, #tpu.memory_space<vmem>>, vector<16xf32>,
      tpu.vector_store %arg6[%swap3A_328, %swap3A_329], %mul3A_327 {strides = array<i32>} : memref<128x768xf32, #tpu.memory_space<vmem>>, vector<16xf32>,
      %get3A_331 = arith.index_cast %scan3A_28 : i32 to index
      %get3A_332 = arith.constant 688 : index
      %get3A_333 = tpu.vector_load %arg6[%get3A_331, %get3A_332] {strides = array<i32>} : memref<128x768xf32, #tpu.memory_space<vmem>>, vector<16xf32>,
      %mul3A_334 = arith.mulf %get3A_333, %gather3A : vector<16xf32>
      %swap3A_335 = arith.index_cast %scan3A_28 : i32 to index
      %swap3A_336 = arith.constant 688 : index
      %swap3A_337 = tpu.vector_load %arg6[%swap3A_335, %swap3A_336] {strides = array<i32>} : memref<128x768xf32, #tpu.memory_space<vmem>>, vector<16xf32>,
      tpu.vector_store %arg6[%swap3A_335, %swap3A_336], %mul3A_334 {strides = array<i32>} : memref<128x768xf32, #tpu.memory_space<vmem>>, vector<16xf32>,
      %get3A_338 = arith.index_cast %scan3A_28 : i32 to index
      %get3A_339 = arith.constant 704 : index
      %get3A_340 = tpu.vector_load %arg6[%get3A_338, %get3A_339] {strides = array<i32>} : memref<128x768xf32, #tpu.memory_space<vmem>>, vector<16xf32>,
      %mul3A_341 = arith.mulf %get3A_340, %gather3A : vector<16xf32>
      %swap3A_342 = arith.index_cast %scan3A_28 : i32 to index
      %swap3A_343 = arith.constant 704 : index
      %swap3A_344 = tpu.vector_load %arg6[%swap3A_342, %swap3A_343] {strides = array<i32>} : memref<128x768xf32, #tpu.memory_space<vmem>>, vector<16xf32>,
      tpu.vector_store %arg6[%swap3A_342, %swap3A_343], %mul3A_341 {strides = array<i32>} : memref<128x768xf32, #tpu.memory_space<vmem>>, vector<16xf32>,
      %get3A_345 = arith.index_cast %scan3A_28 : i32 to index
      %get3A_346 = arith.constant 720 : index
      %get3A_347 = tpu.vector_load %arg6[%get3A_345, %get3A_346] {strides = array<i32>} : memref<128x768xf32, #tpu.memory_space<vmem>>, vector<16xf32>,
      %mul3A_348 = arith.mulf %get3A_347, %gather3A : vector<16xf32>
      %swap3A_349 = arith.index_cast %scan3A_28 : i32 to index
      %swap3A_350 = arith.constant 720 : index
      %swap3A_351 = tpu.vector_load %arg6[%swap3A_349, %swap3A_350] {strides = array<i32>} : memref<128x768xf32, #tpu.memory_space<vmem>>, vector<16xf32>,
      tpu.vector_store %arg6[%swap3A_349, %swap3A_350], %mul3A_348 {strides = array<i32>} : memref<128x768xf32, #tpu.memory_space<vmem>>, vector<16xf32>,
      %get3A_352 = arith.index_cast %scan3A_28 : i32 to index
      %get3A_353 = arith.constant 736 : index
      %get3A_354 = tpu.vector_load %arg6[%get3A_352, %get3A_353] {strides = array<i32>} : memref<128x768xf32, #tpu.memory_space<vmem>>, vector<16xf32>,
      %mul3A_355 = arith.mulf %get3A_354, %gather3A : vector<16xf32>
      %swap3A_356 = arith.index_cast %scan3A_28 : i32 to index
      %swap3A_357 = arith.constant 736 : index
      %swap3A_358 = tpu.vector_load %arg6[%swap3A_356, %swap3A_357] {strides = array<i32>} : memref<128x768xf32, #tpu.memory_space<vmem>>, vector<16xf32>,
      tpu.vector_store %arg6[%swap3A_356, %swap3A_357], %mul3A_355 {strides = array<i32>} : memref<128x768xf32, #tpu.memory_space<vmem>>, vector<16xf32>,
      %get3A_359 = arith.index_cast %scan3A_28 : i32 to index
      %get3A_360 = arith.constant 752 : index
      %get3A_361 = tpu.vector_load %arg6[%get3A_359, %get3A_360] {strides = array<i32>} : memref<128x768xf32, #tpu.memory_space<vmem>>, vector<16xf32>,
      %mul3A_362 = arith.mulf %get3A_361, %gather3A : vector<16xf32>
      %swap3A_363 = arith.index_cast %scan3A_28 : i32 to index
      %swap3A_364 = arith.constant 752 : index
      %swap3A_365 = tpu.vector_load %arg6[%swap3A_363, %swap3A_364] {strides = array<i32>} : memref<128x768xf32, #tpu.memory_space<vmem>>, vector<16xf32>,
      tpu.vector_store %arg6[%swap3A_363, %swap3A_364], %mul3A_362 {strides = array<i32>} : memref<128x768xf32, #tpu.memory_space<vmem>>, vector<16xf32>,
    }
    %scan3A_13 = arith.constant 128 : i32
    "tpu.region"() ({
      %run_scoped3A = tpu.sem_alloc : memref<!tpu.dma_semaphore, #tpu.memory_space<semaphore_mem>>
      %dma_start3A_28 = arith.constant 0 : i32
      %dma_start3A_29 = tpu.memref_slice %arg5[%add3A_4, %dma_start3A_28] : memref<8192x768xf32, #tpu.memory_space<hbm>> -> memref<128x768xf32, #tpu.memory_space<hbm>>
      %dma_start3A_30 = arith.constant 0 : i32
      %dma_start3A_31 = tpu.memref_slice %arg5[%add3A_4, %dma_start3A_30] : memref<8192x768xf32, #tpu.memory_space<hbm>> -> memref<128x768xf32, #tpu.memory_space<hbm>>
      tpu.enqueue_dma source(%arg6 : memref<128x768xf32, #tpu.memory_space<vmem>>) target(%dma_start3A_31 : memref<128x768xf32, #tpu.memory_space<hbm>>) target_semaphore(%run_scoped3A : memref<!tpu.dma_semaphore, #tpu.memory_space<semaphore_mem>>)
      %dma_wait3A_32 = arith.constant 0 : i32
      %dma_wait3A_33 = tpu.memref_slice %arg5[%add3A_4, %dma_wait3A_32] : memref<8192x768xf32, #tpu.memory_space<hbm>> -> memref<128x768xf32, #tpu.memory_space<hbm>>
      %dma_wait3A_34 = arith.constant 0 : i32
      %dma_wait3A_35 = tpu.memref_slice %arg5[%add3A_4, %dma_wait3A_34] : memref<8192x768xf32, #tpu.memory_space<hbm>> -> memref<128x768xf32, #tpu.memory_space<hbm>>
      tpu.wait_dma2 semaphore(%run_scoped3A : memref<!tpu.dma_semaphore, #tpu.memory_space<semaphore_mem>>) src(%arg6 : memref<128x768xf32, #tpu.memory_space<vmem>>) dst(%dma_wait3A_35 : memref<128x768xf32, #tpu.memory_space<hbm>>)
      tpu.yield
    }) : () -> ()
    %add3A_14 = arith.constant 128 : i32
    %add3A_15 = arith.addi %mul3A_2, %add3A_14 : i32
    "tpu.region"() ({
      %run_scoped3A = tpu.sem_alloc : memref<!tpu.dma_semaphore, #tpu.memory_space<semaphore_mem>>
      %dma_start3A_28 = tpu.memref_slice %arg3[%add3A_15] : memref<8192xi32, #tpu.memory_space<hbm>> -> memref<128xi32, #tpu.memory_space<hbm>>
      %dma_start3A_29 = tpu.memref_slice %arg3[%add3A_15] : memref<8192xi32, #tpu.memory_space<hbm>> -> memref<128xi32, #tpu.memory_space<hbm>>
      tpu.enqueue_dma source(%dma_start3A_29 : memref<128xi32, #tpu.memory_space<hbm>>) target(%arg7 : memref<128xi32, #tpu.memory_space<vmem>>) target_semaphore(%run_scoped3A : memref<!tpu.dma_semaphore, #tpu.memory_space<semaphore_mem>>)
      %dma_wait3A_30 = tpu.memref_slice %arg3[%add3A_15] : memref<8192xi32, #tpu.memory_space<hbm>> -> memref<128xi32, #tpu.memory_space<hbm>>
      %dma_wait3A_31 = tpu.memref_slice %arg3[%add3A_15] : memref<8192xi32, #tpu.memory_space<hbm>> -> memref<128xi32, #tpu.memory_space<hbm>>
      tpu.wait_dma2 semaphore(%run_scoped3A : memref<!tpu.dma_semaphore, #tpu.memory_space<semaphore_mem>>) src(%dma_wait3A_31 : memref<128xi32, #tpu.memory_space<hbm>>) dst(%arg7 : memref<128xi32, #tpu.memory_space<vmem>>)
      tpu.yield
    }) : () -> ()
    "tpu.region"() ({
      %run_scoped3A = tpu.sem_alloc : memref<!tpu.dma_semaphore, #tpu.memory_space<semaphore_mem>>
      %dma_start3A_28 = tpu.memref_slice %arg4[%add3A_15] : memref<8192xf32, #tpu.memory_space<hbm>> -> memref<128xf32, #tpu.memory_space<hbm>>
      %dma_start3A_29 = tpu.memref_slice %arg4[%add3A_15] : memref<8192xf32, #tpu.memory_space<hbm>> -> memref<128xf32, #tpu.memory_space<hbm>>
      tpu.enqueue_dma source(%dma_start3A_29 : memref<128xf32, #tpu.memory_space<hbm>>) target(%arg8 : memref<128xf32, #tpu.memory_space<vmem>>) target_semaphore(%run_scoped3A : memref<!tpu.dma_semaphore, #tpu.memory_space<semaphore_mem>>)
      %dma_wait3A_30 = tpu.memref_slice %arg4[%add3A_15] : memref<8192xf32, #tpu.memory_space<hbm>> -> memref<128xf32, #tpu.memory_space<hbm>>
      %dma_wait3A_31 = tpu.memref_slice %arg4[%add3A_15] : memref<8192xf32, #tpu.memory_space<hbm>> -> memref<128xf32, #tpu.memory_space<hbm>>
      tpu.wait_dma2 semaphore(%run_scoped3A : memref<!tpu.dma_semaphore, #tpu.memory_space<semaphore_mem>>) src(%dma_wait3A_31 : memref<128xf32, #tpu.memory_space<hbm>>) dst(%arg8 : memref<128xf32, #tpu.memory_space<vmem>>)
      tpu.yield
    }) : () -> ()
    %dma_start3A_16 = arith.constant 0 : i32
    %dma_start3A_17 = arith.constant 0 : i32
    %dma_start3A_18 = tpu.memref_slice %arg2[%dma_start3A_16, %dma_start3A_17] : memref<16384x768xf32, #tpu.memory_space<hbm>> -> memref<16384x768xf32, #tpu.memory_space<hbm>>
    tpu.enqueue_indirect_dma source(%dma_start3A_18 : memref<16384x768xf32, #tpu.memory_space<hbm>>) target(%arg6 : memref<128x768xf32, #tpu.memory_space<vmem>>) offsets(%arg7 : memref<128xi32, #tpu.memory_space<vmem>>) semaphore(%arg9 : memref<!tpu.dma_semaphore, #tpu.memory_space<semaphore_mem>>)
    %dma_wait3A_19 = arith.constant 0 : i32
    %dma_wait3A_20 = arith.constant 0 : i32
    %dma_wait3A_21 = tpu.memref_slice %arg2[%dma_wait3A_19, %dma_wait3A_20] : memref<16384x768xf32, #tpu.memory_space<hbm>> -> memref<16384x768xf32, #tpu.memory_space<hbm>>
    tpu.wait_indirect_dma semaphore(%arg9 : memref<!tpu.dma_semaphore, #tpu.memory_space<semaphore_mem>>) src(%dma_wait3A_21 : memref<16384x768xf32, #tpu.memory_space<hbm>>) dst(%arg6 : memref<128x768xf32, #tpu.memory_space<vmem>>)
    %scan3A_22 = arith.constant 0 : i32
    %scan3A_23 = arith.constant 0 : i32
    %scan3A_24 = arith.constant 128 : i32
    %scan3A_25 = arith.addi %scan3A_23, %scan3A_24 : i32
    %scan3A_26 = arith.constant 1 : i32
    scf.for %scan3A_28 = %scan3A_23 to %scan3A_25 step %scan3A_26  : i32 {
      %broadcast_in_dim3A = arith.constant 0 : i32
      %broadcast_in_dim3A_29 = vector.broadcast %broadcast_in_dim3A : i32 to vector<16xi32>
      %add3A_30 = vector.broadcast %scan3A_28 : i32 to vector<16xi32>
      %add3A_31 = arith.addi %broadcast_in_dim3A_29, %add3A_30 : vector<16xi32>
      %gather3A = tpu.vector_load_idx %arg8[%add3A_31] : memref<128xf32, #tpu.memory_space<vmem>>[vector<16xi32>], vector<16xf32>,
      %get3A = arith.index_cast %scan3A_28 : i32 to index
      %get3A_32 = arith.constant 0 : index
      %get3A_33 = tpu.vector_load %arg6[%get3A, %get3A_32] {strides = array<i32>} : memref<128x768xf32, #tpu.memory_space<vmem>>, vector<16xf32>,
      %mul3A_34 = arith.mulf %get3A_33, %gather3A : vector<16xf32>
      %swap3A = arith.index_cast %scan3A_28 : i32 to index
      %swap3A_35 = arith.constant 0 : index
      %swap3A_36 = tpu.vector_load %arg6[%swap3A, %swap3A_35] {strides = array<i32>} : memref<128x768xf32, #tpu.memory_space<vmem>>, vector<16xf32>,
      tpu.vector_store %arg6[%swap3A, %swap3A_35], %mul3A_34 {strides = array<i32>} : memref<128x768xf32, #tpu.memory_space<vmem>>, vector<16xf32>,
      %get3A_37 = arith.index_cast %scan3A_28 : i32 to index
      %get3A_38 = arith.constant 16 : index
      %get3A_39 = tpu.vector_load %arg6[%get3A_37, %get3A_38] {strides = array<i32>} : memref<128x768xf32, #tpu.memory_space<vmem>>, vector<16xf32>,
      %mul3A_40 = arith.mulf %get3A_39, %gather3A : vector<16xf32>
      %swap3A_41 = arith.index_cast %scan3A_28 : i32 to index
      %swap3A_42 = arith.constant 16 : index
      %swap3A_43 = tpu.vector_load %arg6[%swap3A_41, %swap3A_42] {strides = array<i32>} : memref<128x768xf32, #tpu.memory_space<vmem>>, vector<16xf32>,
      tpu.vector_store %arg6[%swap3A_41, %swap3A_42], %mul3A_40 {strides = array<i32>} : memref<128x768xf32, #tpu.memory_space<vmem>>, vector<16xf32>,
      %get3A_44 = arith.index_cast %scan3A_28 : i32 to index
      %get3A_45 = arith.constant 32 : index
      %get3A_46 = tpu.vector_load %arg6[%get3A_44, %get3A_45] {strides = array<i32>} : memref<128x768xf32, #tpu.memory_space<vmem>>, vector<16xf32>,
      %mul3A_47 = arith.mulf %get3A_46, %gather3A : vector<16xf32>
      %swap3A_48 = arith.index_cast %scan3A_28 : i32 to index
      %swap3A_49 = arith.constant 32 : index
      %swap3A_50 = tpu.vector_load %arg6[%swap3A_48, %swap3A_49] {strides = array<i32>} : memref<128x768xf32, #tpu.memory_space<vmem>>, vector<16xf32>,
      tpu.vector_store %arg6[%swap3A_48, %swap3A_49], %mul3A_47 {strides = array<i32>} : memref<128x768xf32, #tpu.memory_space<vmem>>, vector<16xf32>,
      %get3A_51 = arith.index_cast %scan3A_28 : i32 to index
      %get3A_52 = arith.constant 48 : index
      %get3A_53 = tpu.vector_load %arg6[%get3A_51, %get3A_52] {strides = array<i32>} : memref<128x768xf32, #tpu.memory_space<vmem>>, vector<16xf32>,
      %mul3A_54 = arith.mulf %get3A_53, %gather3A : vector<16xf32>
      %swap3A_55 = arith.index_cast %scan3A_28 : i32 to index
      %swap3A_56 = arith.constant 48 : index
      %swap3A_57 = tpu.vector_load %arg6[%swap3A_55, %swap3A_56] {strides = array<i32>} : memref<128x768xf32, #tpu.memory_space<vmem>>, vector<16xf32>,
      tpu.vector_store %arg6[%swap3A_55, %swap3A_56], %mul3A_54 {strides = array<i32>} : memref<128x768xf32, #tpu.memory_space<vmem>>, vector<16xf32>,
      %get3A_58 = arith.index_cast %scan3A_28 : i32 to index
      %get3A_59 = arith.constant 64 : index
      %get3A_60 = tpu.vector_load %arg6[%get3A_58, %get3A_59] {strides = array<i32>} : memref<128x768xf32, #tpu.memory_space<vmem>>, vector<16xf32>,
      %mul3A_61 = arith.mulf %get3A_60, %gather3A : vector<16xf32>
      %swap3A_62 = arith.index_cast %scan3A_28 : i32 to index
      %swap3A_63 = arith.constant 64 : index
      %swap3A_64 = tpu.vector_load %arg6[%swap3A_62, %swap3A_63] {strides = array<i32>} : memref<128x768xf32, #tpu.memory_space<vmem>>, vector<16xf32>,
      tpu.vector_store %arg6[%swap3A_62, %swap3A_63], %mul3A_61 {strides = array<i32>} : memref<128x768xf32, #tpu.memory_space<vmem>>, vector<16xf32>,
      %get3A_65 = arith.index_cast %scan3A_28 : i32 to index
      %get3A_66 = arith.constant 80 : index
      %get3A_67 = tpu.vector_load %arg6[%get3A_65, %get3A_66] {strides = array<i32>} : memref<128x768xf32, #tpu.memory_space<vmem>>, vector<16xf32>,
      %mul3A_68 = arith.mulf %get3A_67, %gather3A : vector<16xf32>
      %swap3A_69 = arith.index_cast %scan3A_28 : i32 to index
      %swap3A_70 = arith.constant 80 : index
      %swap3A_71 = tpu.vector_load %arg6[%swap3A_69, %swap3A_70] {strides = array<i32>} : memref<128x768xf32, #tpu.memory_space<vmem>>, vector<16xf32>,
      tpu.vector_store %arg6[%swap3A_69, %swap3A_70], %mul3A_68 {strides = array<i32>} : memref<128x768xf32, #tpu.memory_space<vmem>>, vector<16xf32>,
      %get3A_72 = arith.index_cast %scan3A_28 : i32 to index
      %get3A_73 = arith.constant 96 : index
      %get3A_74 = tpu.vector_load %arg6[%get3A_72, %get3A_73] {strides = array<i32>} : memref<128x768xf32, #tpu.memory_space<vmem>>, vector<16xf32>,
      %mul3A_75 = arith.mulf %get3A_74, %gather3A : vector<16xf32>
      %swap3A_76 = arith.index_cast %scan3A_28 : i32 to index
      %swap3A_77 = arith.constant 96 : index
      %swap3A_78 = tpu.vector_load %arg6[%swap3A_76, %swap3A_77] {strides = array<i32>} : memref<128x768xf32, #tpu.memory_space<vmem>>, vector<16xf32>,
      tpu.vector_store %arg6[%swap3A_76, %swap3A_77], %mul3A_75 {strides = array<i32>} : memref<128x768xf32, #tpu.memory_space<vmem>>, vector<16xf32>,
      %get3A_79 = arith.index_cast %scan3A_28 : i32 to index
      %get3A_80 = arith.constant 112 : index
      %get3A_81 = tpu.vector_load %arg6[%get3A_79, %get3A_80] {strides = array<i32>} : memref<128x768xf32, #tpu.memory_space<vmem>>, vector<16xf32>,
      %mul3A_82 = arith.mulf %get3A_81, %gather3A : vector<16xf32>
      %swap3A_83 = arith.index_cast %scan3A_28 : i32 to index
      %swap3A_84 = arith.constant 112 : index
      %swap3A_85 = tpu.vector_load %arg6[%swap3A_83, %swap3A_84] {strides = array<i32>} : memref<128x768xf32, #tpu.memory_space<vmem>>, vector<16xf32>,
      tpu.vector_store %arg6[%swap3A_83, %swap3A_84], %mul3A_82 {strides = array<i32>} : memref<128x768xf32, #tpu.memory_space<vmem>>, vector<16xf32>,
      %get3A_86 = arith.index_cast %scan3A_28 : i32 to index
      %get3A_87 = arith.constant 128 : index
      %get3A_88 = tpu.vector_load %arg6[%get3A_86, %get3A_87] {strides = array<i32>} : memref<128x768xf32, #tpu.memory_space<vmem>>, vector<16xf32>,
      %mul3A_89 = arith.mulf %get3A_88, %gather3A : vector<16xf32>
      %swap3A_90 = arith.index_cast %scan3A_28 : i32 to index
      %swap3A_91 = arith.constant 128 : index
      %swap3A_92 = tpu.vector_load %arg6[%swap3A_90, %swap3A_91] {strides = array<i32>} : memref<128x768xf32, #tpu.memory_space<vmem>>, vector<16xf32>,
      tpu.vector_store %arg6[%swap3A_90, %swap3A_91], %mul3A_89 {strides = array<i32>} : memref<128x768xf32, #tpu.memory_space<vmem>>, vector<16xf32>,
      %get3A_93 = arith.index_cast %scan3A_28 : i32 to index
      %get3A_94 = arith.constant 144 : index
      %get3A_95 = tpu.vector_load %arg6[%get3A_93, %get3A_94] {strides = array<i32>} : memref<128x768xf32, #tpu.memory_space<vmem>>, vector<16xf32>,
      %mul3A_96 = arith.mulf %get3A_95, %gather3A : vector<16xf32>
      %swap3A_97 = arith.index_cast %scan3A_28 : i32 to index
      %swap3A_98 = arith.constant 144 : index
      %swap3A_99 = tpu.vector_load %arg6[%swap3A_97, %swap3A_98] {strides = array<i32>} : memref<128x768xf32, #tpu.memory_space<vmem>>, vector<16xf32>,
      tpu.vector_store %arg6[%swap3A_97, %swap3A_98], %mul3A_96 {strides = array<i32>} : memref<128x768xf32, #tpu.memory_space<vmem>>, vector<16xf32>,
      %get3A_100 = arith.index_cast %scan3A_28 : i32 to index
      %get3A_101 = arith.constant 160 : index
      %get3A_102 = tpu.vector_load %arg6[%get3A_100, %get3A_101] {strides = array<i32>} : memref<128x768xf32, #tpu.memory_space<vmem>>, vector<16xf32>,
      %mul3A_103 = arith.mulf %get3A_102, %gather3A : vector<16xf32>
      %swap3A_104 = arith.index_cast %scan3A_28 : i32 to index
      %swap3A_105 = arith.constant 160 : index
      %swap3A_106 = tpu.vector_load %arg6[%swap3A_104, %swap3A_105] {strides = array<i32>} : memref<128x768xf32, #tpu.memory_space<vmem>>, vector<16xf32>,
      tpu.vector_store %arg6[%swap3A_104, %swap3A_105], %mul3A_103 {strides = array<i32>} : memref<128x768xf32, #tpu.memory_space<vmem>>, vector<16xf32>,
      %get3A_107 = arith.index_cast %scan3A_28 : i32 to index
      %get3A_108 = arith.constant 176 : index
      %get3A_109 = tpu.vector_load %arg6[%get3A_107, %get3A_108] {strides = array<i32>} : memref<128x768xf32, #tpu.memory_space<vmem>>, vector<16xf32>,
      %mul3A_110 = arith.mulf %get3A_109, %gather3A : vector<16xf32>
      %swap3A_111 = arith.index_cast %scan3A_28 : i32 to index
      %swap3A_112 = arith.constant 176 : index
      %swap3A_113 = tpu.vector_load %arg6[%swap3A_111, %swap3A_112] {strides = array<i32>} : memref<128x768xf32, #tpu.memory_space<vmem>>, vector<16xf32>,
      tpu.vector_store %arg6[%swap3A_111, %swap3A_112], %mul3A_110 {strides = array<i32>} : memref<128x768xf32, #tpu.memory_space<vmem>>, vector<16xf32>,
      %get3A_114 = arith.index_cast %scan3A_28 : i32 to index
      %get3A_115 = arith.constant 192 : index
      %get3A_116 = tpu.vector_load %arg6[%get3A_114, %get3A_115] {strides = array<i32>} : memref<128x768xf32, #tpu.memory_space<vmem>>, vector<16xf32>,
      %mul3A_117 = arith.mulf %get3A_116, %gather3A : vector<16xf32>
      %swap3A_118 = arith.index_cast %scan3A_28 : i32 to index
      %swap3A_119 = arith.constant 192 : index
      %swap3A_120 = tpu.vector_load %arg6[%swap3A_118, %swap3A_119] {strides = array<i32>} : memref<128x768xf32, #tpu.memory_space<vmem>>, vector<16xf32>,
      tpu.vector_store %arg6[%swap3A_118, %swap3A_119], %mul3A_117 {strides = array<i32>} : memref<128x768xf32, #tpu.memory_space<vmem>>, vector<16xf32>,
      %get3A_121 = arith.index_cast %scan3A_28 : i32 to index
      %get3A_122 = arith.constant 208 : index
      %get3A_123 = tpu.vector_load %arg6[%get3A_121, %get3A_122] {strides = array<i32>} : memref<128x768xf32, #tpu.memory_space<vmem>>, vector<16xf32>,
      %mul3A_124 = arith.mulf %get3A_123, %gather3A : vector<16xf32>
      %swap3A_125 = arith.index_cast %scan3A_28 : i32 to index
      %swap3A_126 = arith.constant 208 : index
      %swap3A_127 = tpu.vector_load %arg6[%swap3A_125, %swap3A_126] {strides = array<i32>} : memref<128x768xf32, #tpu.memory_space<vmem>>, vector<16xf32>,
      tpu.vector_store %arg6[%swap3A_125, %swap3A_126], %mul3A_124 {strides = array<i32>} : memref<128x768xf32, #tpu.memory_space<vmem>>, vector<16xf32>,
      %get3A_128 = arith.index_cast %scan3A_28 : i32 to index
      %get3A_129 = arith.constant 224 : index
      %get3A_130 = tpu.vector_load %arg6[%get3A_128, %get3A_129] {strides = array<i32>} : memref<128x768xf32, #tpu.memory_space<vmem>>, vector<16xf32>,
      %mul3A_131 = arith.mulf %get3A_130, %gather3A : vector<16xf32>
      %swap3A_132 = arith.index_cast %scan3A_28 : i32 to index
      %swap3A_133 = arith.constant 224 : index
      %swap3A_134 = tpu.vector_load %arg6[%swap3A_132, %swap3A_133] {strides = array<i32>} : memref<128x768xf32, #tpu.memory_space<vmem>>, vector<16xf32>,
      tpu.vector_store %arg6[%swap3A_132, %swap3A_133], %mul3A_131 {strides = array<i32>} : memref<128x768xf32, #tpu.memory_space<vmem>>, vector<16xf32>,
      %get3A_135 = arith.index_cast %scan3A_28 : i32 to index
      %get3A_136 = arith.constant 240 : index
      %get3A_137 = tpu.vector_load %arg6[%get3A_135, %get3A_136] {strides = array<i32>} : memref<128x768xf32, #tpu.memory_space<vmem>>, vector<16xf32>,
      %mul3A_138 = arith.mulf %get3A_137, %gather3A : vector<16xf32>
      %swap3A_139 = arith.index_cast %scan3A_28 : i32 to index
      %swap3A_140 = arith.constant 240 : index
      %swap3A_141 = tpu.vector_load %arg6[%swap3A_139, %swap3A_140] {strides = array<i32>} : memref<128x768xf32, #tpu.memory_space<vmem>>, vector<16xf32>,
      tpu.vector_store %arg6[%swap3A_139, %swap3A_140], %mul3A_138 {strides = array<i32>} : memref<128x768xf32, #tpu.memory_space<vmem>>, vector<16xf32>,
      %get3A_142 = arith.index_cast %scan3A_28 : i32 to index
      %get3A_143 = arith.constant 256 : index
      %get3A_144 = tpu.vector_load %arg6[%get3A_142, %get3A_143] {strides = array<i32>} : memref<128x768xf32, #tpu.memory_space<vmem>>, vector<16xf32>,
      %mul3A_145 = arith.mulf %get3A_144, %gather3A : vector<16xf32>
      %swap3A_146 = arith.index_cast %scan3A_28 : i32 to index
      %swap3A_147 = arith.constant 256 : index
      %swap3A_148 = tpu.vector_load %arg6[%swap3A_146, %swap3A_147] {strides = array<i32>} : memref<128x768xf32, #tpu.memory_space<vmem>>, vector<16xf32>,
      tpu.vector_store %arg6[%swap3A_146, %swap3A_147], %mul3A_145 {strides = array<i32>} : memref<128x768xf32, #tpu.memory_space<vmem>>, vector<16xf32>,
      %get3A_149 = arith.index_cast %scan3A_28 : i32 to index
      %get3A_150 = arith.constant 272 : index
      %get3A_151 = tpu.vector_load %arg6[%get3A_149, %get3A_150] {strides = array<i32>} : memref<128x768xf32, #tpu.memory_space<vmem>>, vector<16xf32>,
      %mul3A_152 = arith.mulf %get3A_151, %gather3A : vector<16xf32>
      %swap3A_153 = arith.index_cast %scan3A_28 : i32 to index
      %swap3A_154 = arith.constant 272 : index
      %swap3A_155 = tpu.vector_load %arg6[%swap3A_153, %swap3A_154] {strides = array<i32>} : memref<128x768xf32, #tpu.memory_space<vmem>>, vector<16xf32>,
      tpu.vector_store %arg6[%swap3A_153, %swap3A_154], %mul3A_152 {strides = array<i32>} : memref<128x768xf32, #tpu.memory_space<vmem>>, vector<16xf32>,
      %get3A_156 = arith.index_cast %scan3A_28 : i32 to index
      %get3A_157 = arith.constant 288 : index
      %get3A_158 = tpu.vector_load %arg6[%get3A_156, %get3A_157] {strides = array<i32>} : memref<128x768xf32, #tpu.memory_space<vmem>>, vector<16xf32>,
      %mul3A_159 = arith.mulf %get3A_158, %gather3A : vector<16xf32>
      %swap3A_160 = arith.index_cast %scan3A_28 : i32 to index
      %swap3A_161 = arith.constant 288 : index
      %swap3A_162 = tpu.vector_load %arg6[%swap3A_160, %swap3A_161] {strides = array<i32>} : memref<128x768xf32, #tpu.memory_space<vmem>>, vector<16xf32>,
      tpu.vector_store %arg6[%swap3A_160, %swap3A_161], %mul3A_159 {strides = array<i32>} : memref<128x768xf32, #tpu.memory_space<vmem>>, vector<16xf32>,
      %get3A_163 = arith.index_cast %scan3A_28 : i32 to index
      %get3A_164 = arith.constant 304 : index
      %get3A_165 = tpu.vector_load %arg6[%get3A_163, %get3A_164] {strides = array<i32>} : memref<128x768xf32, #tpu.memory_space<vmem>>, vector<16xf32>,
      %mul3A_166 = arith.mulf %get3A_165, %gather3A : vector<16xf32>
      %swap3A_167 = arith.index_cast %scan3A_28 : i32 to index
      %swap3A_168 = arith.constant 304 : index
      %swap3A_169 = tpu.vector_load %arg6[%swap3A_167, %swap3A_168] {strides = array<i32>} : memref<128x768xf32, #tpu.memory_space<vmem>>, vector<16xf32>,
      tpu.vector_store %arg6[%swap3A_167, %swap3A_168], %mul3A_166 {strides = array<i32>} : memref<128x768xf32, #tpu.memory_space<vmem>>, vector<16xf32>,
      %get3A_170 = arith.index_cast %scan3A_28 : i32 to index
      %get3A_171 = arith.constant 320 : index
      %get3A_172 = tpu.vector_load %arg6[%get3A_170, %get3A_171] {strides = array<i32>} : memref<128x768xf32, #tpu.memory_space<vmem>>, vector<16xf32>,
      %mul3A_173 = arith.mulf %get3A_172, %gather3A : vector<16xf32>
      %swap3A_174 = arith.index_cast %scan3A_28 : i32 to index
      %swap3A_175 = arith.constant 320 : index
      %swap3A_176 = tpu.vector_load %arg6[%swap3A_174, %swap3A_175] {strides = array<i32>} : memref<128x768xf32, #tpu.memory_space<vmem>>, vector<16xf32>,
      tpu.vector_store %arg6[%swap3A_174, %swap3A_175], %mul3A_173 {strides = array<i32>} : memref<128x768xf32, #tpu.memory_space<vmem>>, vector<16xf32>,
      %get3A_177 = arith.index_cast %scan3A_28 : i32 to index
      %get3A_178 = arith.constant 336 : index
      %get3A_179 = tpu.vector_load %arg6[%get3A_177, %get3A_178] {strides = array<i32>} : memref<128x768xf32, #tpu.memory_space<vmem>>, vector<16xf32>,
      %mul3A_180 = arith.mulf %get3A_179, %gather3A : vector<16xf32>
      %swap3A_181 = arith.index_cast %scan3A_28 : i32 to index
      %swap3A_182 = arith.constant 336 : index
      %swap3A_183 = tpu.vector_load %arg6[%swap3A_181, %swap3A_182] {strides = array<i32>} : memref<128x768xf32, #tpu.memory_space<vmem>>, vector<16xf32>,
      tpu.vector_store %arg6[%swap3A_181, %swap3A_182], %mul3A_180 {strides = array<i32>} : memref<128x768xf32, #tpu.memory_space<vmem>>, vector<16xf32>,
      %get3A_184 = arith.index_cast %scan3A_28 : i32 to index
      %get3A_185 = arith.constant 352 : index
      %get3A_186 = tpu.vector_load %arg6[%get3A_184, %get3A_185] {strides = array<i32>} : memref<128x768xf32, #tpu.memory_space<vmem>>, vector<16xf32>,
      %mul3A_187 = arith.mulf %get3A_186, %gather3A : vector<16xf32>
      %swap3A_188 = arith.index_cast %scan3A_28 : i32 to index
      %swap3A_189 = arith.constant 352 : index
      %swap3A_190 = tpu.vector_load %arg6[%swap3A_188, %swap3A_189] {strides = array<i32>} : memref<128x768xf32, #tpu.memory_space<vmem>>, vector<16xf32>,
      tpu.vector_store %arg6[%swap3A_188, %swap3A_189], %mul3A_187 {strides = array<i32>} : memref<128x768xf32, #tpu.memory_space<vmem>>, vector<16xf32>,
      %get3A_191 = arith.index_cast %scan3A_28 : i32 to index
      %get3A_192 = arith.constant 368 : index
      %get3A_193 = tpu.vector_load %arg6[%get3A_191, %get3A_192] {strides = array<i32>} : memref<128x768xf32, #tpu.memory_space<vmem>>, vector<16xf32>,
      %mul3A_194 = arith.mulf %get3A_193, %gather3A : vector<16xf32>
      %swap3A_195 = arith.index_cast %scan3A_28 : i32 to index
      %swap3A_196 = arith.constant 368 : index
      %swap3A_197 = tpu.vector_load %arg6[%swap3A_195, %swap3A_196] {strides = array<i32>} : memref<128x768xf32, #tpu.memory_space<vmem>>, vector<16xf32>,
      tpu.vector_store %arg6[%swap3A_195, %swap3A_196], %mul3A_194 {strides = array<i32>} : memref<128x768xf32, #tpu.memory_space<vmem>>, vector<16xf32>,
      %get3A_198 = arith.index_cast %scan3A_28 : i32 to index
      %get3A_199 = arith.constant 384 : index
      %get3A_200 = tpu.vector_load %arg6[%get3A_198, %get3A_199] {strides = array<i32>} : memref<128x768xf32, #tpu.memory_space<vmem>>, vector<16xf32>,
      %mul3A_201 = arith.mulf %get3A_200, %gather3A : vector<16xf32>
      %swap3A_202 = arith.index_cast %scan3A_28 : i32 to index
      %swap3A_203 = arith.constant 384 : index
      %swap3A_204 = tpu.vector_load %arg6[%swap3A_202, %swap3A_203] {strides = array<i32>} : memref<128x768xf32, #tpu.memory_space<vmem>>, vector<16xf32>,
      tpu.vector_store %arg6[%swap3A_202, %swap3A_203], %mul3A_201 {strides = array<i32>} : memref<128x768xf32, #tpu.memory_space<vmem>>, vector<16xf32>,
      %get3A_205 = arith.index_cast %scan3A_28 : i32 to index
      %get3A_206 = arith.constant 400 : index
      %get3A_207 = tpu.vector_load %arg6[%get3A_205, %get3A_206] {strides = array<i32>} : memref<128x768xf32, #tpu.memory_space<vmem>>, vector<16xf32>,
      %mul3A_208 = arith.mulf %get3A_207, %gather3A : vector<16xf32>
      %swap3A_209 = arith.index_cast %scan3A_28 : i32 to index
      %swap3A_210 = arith.constant 400 : index
      %swap3A_211 = tpu.vector_load %arg6[%swap3A_209, %swap3A_210] {strides = array<i32>} : memref<128x768xf32, #tpu.memory_space<vmem>>, vector<16xf32>,
      tpu.vector_store %arg6[%swap3A_209, %swap3A_210], %mul3A_208 {strides = array<i32>} : memref<128x768xf32, #tpu.memory_space<vmem>>, vector<16xf32>,
      %get3A_212 = arith.index_cast %scan3A_28 : i32 to index
      %get3A_213 = arith.constant 416 : index
      %get3A_214 = tpu.vector_load %arg6[%get3A_212, %get3A_213] {strides = array<i32>} : memref<128x768xf32, #tpu.memory_space<vmem>>, vector<16xf32>,
      %mul3A_215 = arith.mulf %get3A_214, %gather3A : vector<16xf32>
      %swap3A_216 = arith.index_cast %scan3A_28 : i32 to index
      %swap3A_217 = arith.constant 416 : index
      %swap3A_218 = tpu.vector_load %arg6[%swap3A_216, %swap3A_217] {strides = array<i32>} : memref<128x768xf32, #tpu.memory_space<vmem>>, vector<16xf32>,
      tpu.vector_store %arg6[%swap3A_216, %swap3A_217], %mul3A_215 {strides = array<i32>} : memref<128x768xf32, #tpu.memory_space<vmem>>, vector<16xf32>,
      %get3A_219 = arith.index_cast %scan3A_28 : i32 to index
      %get3A_220 = arith.constant 432 : index
      %get3A_221 = tpu.vector_load %arg6[%get3A_219, %get3A_220] {strides = array<i32>} : memref<128x768xf32, #tpu.memory_space<vmem>>, vector<16xf32>,
      %mul3A_222 = arith.mulf %get3A_221, %gather3A : vector<16xf32>
      %swap3A_223 = arith.index_cast %scan3A_28 : i32 to index
      %swap3A_224 = arith.constant 432 : index
      %swap3A_225 = tpu.vector_load %arg6[%swap3A_223, %swap3A_224] {strides = array<i32>} : memref<128x768xf32, #tpu.memory_space<vmem>>, vector<16xf32>,
      tpu.vector_store %arg6[%swap3A_223, %swap3A_224], %mul3A_222 {strides = array<i32>} : memref<128x768xf32, #tpu.memory_space<vmem>>, vector<16xf32>,
      %get3A_226 = arith.index_cast %scan3A_28 : i32 to index
      %get3A_227 = arith.constant 448 : index
      %get3A_228 = tpu.vector_load %arg6[%get3A_226, %get3A_227] {strides = array<i32>} : memref<128x768xf32, #tpu.memory_space<vmem>>, vector<16xf32>,
      %mul3A_229 = arith.mulf %get3A_228, %gather3A : vector<16xf32>
      %swap3A_230 = arith.index_cast %scan3A_28 : i32 to index
      %swap3A_231 = arith.constant 448 : index
      %swap3A_232 = tpu.vector_load %arg6[%swap3A_230, %swap3A_231] {strides = array<i32>} : memref<128x768xf32, #tpu.memory_space<vmem>>, vector<16xf32>,
      tpu.vector_store %arg6[%swap3A_230, %swap3A_231], %mul3A_229 {strides = array<i32>} : memref<128x768xf32, #tpu.memory_space<vmem>>, vector<16xf32>,
      %get3A_233 = arith.index_cast %scan3A_28 : i32 to index
      %get3A_234 = arith.constant 464 : index
      %get3A_235 = tpu.vector_load %arg6[%get3A_233, %get3A_234] {strides = array<i32>} : memref<128x768xf32, #tpu.memory_space<vmem>>, vector<16xf32>,
      %mul3A_236 = arith.mulf %get3A_235, %gather3A : vector<16xf32>
      %swap3A_237 = arith.index_cast %scan3A_28 : i32 to index
      %swap3A_238 = arith.constant 464 : index
      %swap3A_239 = tpu.vector_load %arg6[%swap3A_237, %swap3A_238] {strides = array<i32>} : memref<128x768xf32, #tpu.memory_space<vmem>>, vector<16xf32>,
      tpu.vector_store %arg6[%swap3A_237, %swap3A_238], %mul3A_236 {strides = array<i32>} : memref<128x768xf32, #tpu.memory_space<vmem>>, vector<16xf32>,
      %get3A_240 = arith.index_cast %scan3A_28 : i32 to index
      %get3A_241 = arith.constant 480 : index
      %get3A_242 = tpu.vector_load %arg6[%get3A_240, %get3A_241] {strides = array<i32>} : memref<128x768xf32, #tpu.memory_space<vmem>>, vector<16xf32>,
      %mul3A_243 = arith.mulf %get3A_242, %gather3A : vector<16xf32>
      %swap3A_244 = arith.index_cast %scan3A_28 : i32 to index
      %swap3A_245 = arith.constant 480 : index
      %swap3A_246 = tpu.vector_load %arg6[%swap3A_244, %swap3A_245] {strides = array<i32>} : memref<128x768xf32, #tpu.memory_space<vmem>>, vector<16xf32>,
      tpu.vector_store %arg6[%swap3A_244, %swap3A_245], %mul3A_243 {strides = array<i32>} : memref<128x768xf32, #tpu.memory_space<vmem>>, vector<16xf32>,
      %get3A_247 = arith.index_cast %scan3A_28 : i32 to index
      %get3A_248 = arith.constant 496 : index
      %get3A_249 = tpu.vector_load %arg6[%get3A_247, %get3A_248] {strides = array<i32>} : memref<128x768xf32, #tpu.memory_space<vmem>>, vector<16xf32>,
      %mul3A_250 = arith.mulf %get3A_249, %gather3A : vector<16xf32>
      %swap3A_251 = arith.index_cast %scan3A_28 : i32 to index
      %swap3A_252 = arith.constant 496 : index
      %swap3A_253 = tpu.vector_load %arg6[%swap3A_251, %swap3A_252] {strides = array<i32>} : memref<128x768xf32, #tpu.memory_space<vmem>>, vector<16xf32>,
      tpu.vector_store %arg6[%swap3A_251, %swap3A_252], %mul3A_250 {strides = array<i32>} : memref<128x768xf32, #tpu.memory_space<vmem>>, vector<16xf32>,
      %get3A_254 = arith.index_cast %scan3A_28 : i32 to index
      %get3A_255 = arith.constant 512 : index
      %get3A_256 = tpu.vector_load %arg6[%get3A_254, %get3A_255] {strides = array<i32>} : memref<128x768xf32, #tpu.memory_space<vmem>>, vector<16xf32>,
      %mul3A_257 = arith.mulf %get3A_256, %gather3A : vector<16xf32>
      %swap3A_258 = arith.index_cast %scan3A_28 : i32 to index
      %swap3A_259 = arith.constant 512 : index
      %swap3A_260 = tpu.vector_load %arg6[%swap3A_258, %swap3A_259] {strides = array<i32>} : memref<128x768xf32, #tpu.memory_space<vmem>>, vector<16xf32>,
      tpu.vector_store %arg6[%swap3A_258, %swap3A_259], %mul3A_257 {strides = array<i32>} : memref<128x768xf32, #tpu.memory_space<vmem>>, vector<16xf32>,
      %get3A_261 = arith.index_cast %scan3A_28 : i32 to index
      %get3A_262 = arith.constant 528 : index
      %get3A_263 = tpu.vector_load %arg6[%get3A_261, %get3A_262] {strides = array<i32>} : memref<128x768xf32, #tpu.memory_space<vmem>>, vector<16xf32>,
      %mul3A_264 = arith.mulf %get3A_263, %gather3A : vector<16xf32>
      %swap3A_265 = arith.index_cast %scan3A_28 : i32 to index
      %swap3A_266 = arith.constant 528 : index
      %swap3A_267 = tpu.vector_load %arg6[%swap3A_265, %swap3A_266] {strides = array<i32>} : memref<128x768xf32, #tpu.memory_space<vmem>>, vector<16xf32>,
      tpu.vector_store %arg6[%swap3A_265, %swap3A_266], %mul3A_264 {strides = array<i32>} : memref<128x768xf32, #tpu.memory_space<vmem>>, vector<16xf32>,
      %get3A_268 = arith.index_cast %scan3A_28 : i32 to index
      %get3A_269 = arith.constant 544 : index
      %get3A_270 = tpu.vector_load %arg6[%get3A_268, %get3A_269] {strides = array<i32>} : memref<128x768xf32, #tpu.memory_space<vmem>>, vector<16xf32>,
      %mul3A_271 = arith.mulf %get3A_270, %gather3A : vector<16xf32>
      %swap3A_272 = arith.index_cast %scan3A_28 : i32 to index
      %swap3A_273 = arith.constant 544 : index
      %swap3A_274 = tpu.vector_load %arg6[%swap3A_272, %swap3A_273] {strides = array<i32>} : memref<128x768xf32, #tpu.memory_space<vmem>>, vector<16xf32>,
      tpu.vector_store %arg6[%swap3A_272, %swap3A_273], %mul3A_271 {strides = array<i32>} : memref<128x768xf32, #tpu.memory_space<vmem>>, vector<16xf32>,
      %get3A_275 = arith.index_cast %scan3A_28 : i32 to index
      %get3A_276 = arith.constant 560 : index
      %get3A_277 = tpu.vector_load %arg6[%get3A_275, %get3A_276] {strides = array<i32>} : memref<128x768xf32, #tpu.memory_space<vmem>>, vector<16xf32>,
      %mul3A_278 = arith.mulf %get3A_277, %gather3A : vector<16xf32>
      %swap3A_279 = arith.index_cast %scan3A_28 : i32 to index
      %swap3A_280 = arith.constant 560 : index
      %swap3A_281 = tpu.vector_load %arg6[%swap3A_279, %swap3A_280] {strides = array<i32>} : memref<128x768xf32, #tpu.memory_space<vmem>>, vector<16xf32>,
      tpu.vector_store %arg6[%swap3A_279, %swap3A_280], %mul3A_278 {strides = array<i32>} : memref<128x768xf32, #tpu.memory_space<vmem>>, vector<16xf32>,
      %get3A_282 = arith.index_cast %scan3A_28 : i32 to index
      %get3A_283 = arith.constant 576 : index
      %get3A_284 = tpu.vector_load %arg6[%get3A_282, %get3A_283] {strides = array<i32>} : memref<128x768xf32, #tpu.memory_space<vmem>>, vector<16xf32>,
      %mul3A_285 = arith.mulf %get3A_284, %gather3A : vector<16xf32>
      %swap3A_286 = arith.index_cast %scan3A_28 : i32 to index
      %swap3A_287 = arith.constant 576 : index
      %swap3A_288 = tpu.vector_load %arg6[%swap3A_286, %swap3A_287] {strides = array<i32>} : memref<128x768xf32, #tpu.memory_space<vmem>>, vector<16xf32>,
      tpu.vector_store %arg6[%swap3A_286, %swap3A_287], %mul3A_285 {strides = array<i32>} : memref<128x768xf32, #tpu.memory_space<vmem>>, vector<16xf32>,
      %get3A_289 = arith.index_cast %scan3A_28 : i32 to index
      %get3A_290 = arith.constant 592 : index
      %get3A_291 = tpu.vector_load %arg6[%get3A_289, %get3A_290] {strides = array<i32>} : memref<128x768xf32, #tpu.memory_space<vmem>>, vector<16xf32>,
      %mul3A_292 = arith.mulf %get3A_291, %gather3A : vector<16xf32>
      %swap3A_293 = arith.index_cast %scan3A_28 : i32 to index
      %swap3A_294 = arith.constant 592 : index
      %swap3A_295 = tpu.vector_load %arg6[%swap3A_293, %swap3A_294] {strides = array<i32>} : memref<128x768xf32, #tpu.memory_space<vmem>>, vector<16xf32>,
      tpu.vector_store %arg6[%swap3A_293, %swap3A_294], %mul3A_292 {strides = array<i32>} : memref<128x768xf32, #tpu.memory_space<vmem>>, vector<16xf32>,
      %get3A_296 = arith.index_cast %scan3A_28 : i32 to index
      %get3A_297 = arith.constant 608 : index
      %get3A_298 = tpu.vector_load %arg6[%get3A_296, %get3A_297] {strides = array<i32>} : memref<128x768xf32, #tpu.memory_space<vmem>>, vector<16xf32>,
      %mul3A_299 = arith.mulf %get3A_298, %gather3A : vector<16xf32>
      %swap3A_300 = arith.index_cast %scan3A_28 : i32 to index
      %swap3A_301 = arith.constant 608 : index
      %swap3A_302 = tpu.vector_load %arg6[%swap3A_300, %swap3A_301] {strides = array<i32>} : memref<128x768xf32, #tpu.memory_space<vmem>>, vector<16xf32>,
      tpu.vector_store %arg6[%swap3A_300, %swap3A_301], %mul3A_299 {strides = array<i32>} : memref<128x768xf32, #tpu.memory_space<vmem>>, vector<16xf32>,
      %get3A_303 = arith.index_cast %scan3A_28 : i32 to index
      %get3A_304 = arith.constant 624 : index
      %get3A_305 = tpu.vector_load %arg6[%get3A_303, %get3A_304] {strides = array<i32>} : memref<128x768xf32, #tpu.memory_space<vmem>>, vector<16xf32>,
      %mul3A_306 = arith.mulf %get3A_305, %gather3A : vector<16xf32>
      %swap3A_307 = arith.index_cast %scan3A_28 : i32 to index
      %swap3A_308 = arith.constant 624 : index
      %swap3A_309 = tpu.vector_load %arg6[%swap3A_307, %swap3A_308] {strides = array<i32>} : memref<128x768xf32, #tpu.memory_space<vmem>>, vector<16xf32>,
      tpu.vector_store %arg6[%swap3A_307, %swap3A_308], %mul3A_306 {strides = array<i32>} : memref<128x768xf32, #tpu.memory_space<vmem>>, vector<16xf32>,
      %get3A_310 = arith.index_cast %scan3A_28 : i32 to index
      %get3A_311 = arith.constant 640 : index
      %get3A_312 = tpu.vector_load %arg6[%get3A_310, %get3A_311] {strides = array<i32>} : memref<128x768xf32, #tpu.memory_space<vmem>>, vector<16xf32>,
      %mul3A_313 = arith.mulf %get3A_312, %gather3A : vector<16xf32>
      %swap3A_314 = arith.index_cast %scan3A_28 : i32 to index
      %swap3A_315 = arith.constant 640 : index
      %swap3A_316 = tpu.vector_load %arg6[%swap3A_314, %swap3A_315] {strides = array<i32>} : memref<128x768xf32, #tpu.memory_space<vmem>>, vector<16xf32>,
      tpu.vector_store %arg6[%swap3A_314, %swap3A_315], %mul3A_313 {strides = array<i32>} : memref<128x768xf32, #tpu.memory_space<vmem>>, vector<16xf32>,
      %get3A_317 = arith.index_cast %scan3A_28 : i32 to index
      %get3A_318 = arith.constant 656 : index
      %get3A_319 = tpu.vector_load %arg6[%get3A_317, %get3A_318] {strides = array<i32>} : memref<128x768xf32, #tpu.memory_space<vmem>>, vector<16xf32>,
      %mul3A_320 = arith.mulf %get3A_319, %gather3A : vector<16xf32>
      %swap3A_321 = arith.index_cast %scan3A_28 : i32 to index
      %swap3A_322 = arith.constant 656 : index
      %swap3A_323 = tpu.vector_load %arg6[%swap3A_321, %swap3A_322] {strides = array<i32>} : memref<128x768xf32, #tpu.memory_space<vmem>>, vector<16xf32>,
      tpu.vector_store %arg6[%swap3A_321, %swap3A_322], %mul3A_320 {strides = array<i32>} : memref<128x768xf32, #tpu.memory_space<vmem>>, vector<16xf32>,
      %get3A_324 = arith.index_cast %scan3A_28 : i32 to index
      %get3A_325 = arith.constant 672 : index
      %get3A_326 = tpu.vector_load %arg6[%get3A_324, %get3A_325] {strides = array<i32>} : memref<128x768xf32, #tpu.memory_space<vmem>>, vector<16xf32>,
      %mul3A_327 = arith.mulf %get3A_326, %gather3A : vector<16xf32>
      %swap3A_328 = arith.index_cast %scan3A_28 : i32 to index
      %swap3A_329 = arith.constant 672 : index
      %swap3A_330 = tpu.vector_load %arg6[%swap3A_328, %swap3A_329] {strides = array<i32>} : memref<128x768xf32, #tpu.memory_space<vmem>>, vector<16xf32>,
      tpu.vector_store %arg6[%swap3A_328, %swap3A_329], %mul3A_327 {strides = array<i32>} : memref<128x768xf32, #tpu.memory_space<vmem>>, vector<16xf32>,
      %get3A_331 = arith.index_cast %scan3A_28 : i32 to index
      %get3A_332 = arith.constant 688 : index
      %get3A_333 = tpu.vector_load %arg6[%get3A_331, %get3A_332] {strides = array<i32>} : memref<128x768xf32, #tpu.memory_space<vmem>>, vector<16xf32>,
      %mul3A_334 = arith.mulf %get3A_333, %gather3A : vector<16xf32>
      %swap3A_335 = arith.index_cast %scan3A_28 : i32 to index
      %swap3A_336 = arith.constant 688 : index
      %swap3A_337 = tpu.vector_load %arg6[%swap3A_335, %swap3A_336] {strides = array<i32>} : memref<128x768xf32, #tpu.memory_space<vmem>>, vector<16xf32>,
      tpu.vector_store %arg6[%swap3A_335, %swap3A_336], %mul3A_334 {strides = array<i32>} : memref<128x768xf32, #tpu.memory_space<vmem>>, vector<16xf32>,
      %get3A_338 = arith.index_cast %scan3A_28 : i32 to index
      %get3A_339 = arith.constant 704 : index
      %get3A_340 = tpu.vector_load %arg6[%get3A_338, %get3A_339] {strides = array<i32>} : memref<128x768xf32, #tpu.memory_space<vmem>>, vector<16xf32>,
      %mul3A_341 = arith.mulf %get3A_340, %gather3A : vector<16xf32>
      %swap3A_342 = arith.index_cast %scan3A_28 : i32 to index
      %swap3A_343 = arith.constant 704 : index
      %swap3A_344 = tpu.vector_load %arg6[%swap3A_342, %swap3A_343] {strides = array<i32>} : memref<128x768xf32, #tpu.memory_space<vmem>>, vector<16xf32>,
      tpu.vector_store %arg6[%swap3A_342, %swap3A_343], %mul3A_341 {strides = array<i32>} : memref<128x768xf32, #tpu.memory_space<vmem>>, vector<16xf32>,
      %get3A_345 = arith.index_cast %scan3A_28 : i32 to index
      %get3A_346 = arith.constant 720 : index
      %get3A_347 = tpu.vector_load %arg6[%get3A_345, %get3A_346] {strides = array<i32>} : memref<128x768xf32, #tpu.memory_space<vmem>>, vector<16xf32>,
      %mul3A_348 = arith.mulf %get3A_347, %gather3A : vector<16xf32>
      %swap3A_349 = arith.index_cast %scan3A_28 : i32 to index
      %swap3A_350 = arith.constant 720 : index
      %swap3A_351 = tpu.vector_load %arg6[%swap3A_349, %swap3A_350] {strides = array<i32>} : memref<128x768xf32, #tpu.memory_space<vmem>>, vector<16xf32>,
      tpu.vector_store %arg6[%swap3A_349, %swap3A_350], %mul3A_348 {strides = array<i32>} : memref<128x768xf32, #tpu.memory_space<vmem>>, vector<16xf32>,
      %get3A_352 = arith.index_cast %scan3A_28 : i32 to index
      %get3A_353 = arith.constant 736 : index
      %get3A_354 = tpu.vector_load %arg6[%get3A_352, %get3A_353] {strides = array<i32>} : memref<128x768xf32, #tpu.memory_space<vmem>>, vector<16xf32>,
      %mul3A_355 = arith.mulf %get3A_354, %gather3A : vector<16xf32>
      %swap3A_356 = arith.index_cast %scan3A_28 : i32 to index
      %swap3A_357 = arith.constant 736 : index
      %swap3A_358 = tpu.vector_load %arg6[%swap3A_356, %swap3A_357] {strides = array<i32>} : memref<128x768xf32, #tpu.memory_space<vmem>>, vector<16xf32>,
      tpu.vector_store %arg6[%swap3A_356, %swap3A_357], %mul3A_355 {strides = array<i32>} : memref<128x768xf32, #tpu.memory_space<vmem>>, vector<16xf32>,
      %get3A_359 = arith.index_cast %scan3A_28 : i32 to index
      %get3A_360 = arith.constant 752 : index
      %get3A_361 = tpu.vector_load %arg6[%get3A_359, %get3A_360] {strides = array<i32>} : memref<128x768xf32, #tpu.memory_space<vmem>>, vector<16xf32>,
      %mul3A_362 = arith.mulf %get3A_361, %gather3A : vector<16xf32>
      %swap3A_363 = arith.index_cast %scan3A_28 : i32 to index
      %swap3A_364 = arith.constant 752 : index
      %swap3A_365 = tpu.vector_load %arg6[%swap3A_363, %swap3A_364] {strides = array<i32>} : memref<128x768xf32, #tpu.memory_space<vmem>>, vector<16xf32>,
      tpu.vector_store %arg6[%swap3A_363, %swap3A_364], %mul3A_362 {strides = array<i32>} : memref<128x768xf32, #tpu.memory_space<vmem>>, vector<16xf32>,
    }
    %scan3A_27 = arith.constant 128 : i32
    "tpu.region"() ({
      %run_scoped3A = tpu.sem_alloc : memref<!tpu.dma_semaphore, #tpu.memory_space<semaphore_mem>>
      %dma_start3A_28 = arith.constant 0 : i32
      %dma_start3A_29 = tpu.memref_slice %arg5[%add3A_15, %dma_start3A_28] : memref<8192x768xf32, #tpu.memory_space<hbm>> -> memref<128x768xf32, #tpu.memory_space<hbm>>
      %dma_start3A_30 = arith.constant 0 : i32
      %dma_start3A_31 = tpu.memref_slice %arg5[%add3A_15, %dma_start3A_30] : memref<8192x768xf32, #tpu.memory_space<hbm>> -> memref<128x768xf32, #tpu.memory_space<hbm>>
      tpu.enqueue_dma source(%arg6 : memref<128x768xf32, #tpu.memory_space<vmem>>) target(%dma_start3A_31 : memref<128x768xf32, #tpu.memory_space<hbm>>) target_semaphore(%run_scoped3A : memref<!tpu.dma_semaphore, #tpu.memory_space<semaphore_mem>>)
      %dma_wait3A_32 = arith.constant 0 : i32
      %dma_wait3A_33 = tpu.memref_slice %arg5[%add3A_15, %dma_wait3A_32] : memref<8192x768xf32, #tpu.memory_space<hbm>> -> memref<128x768xf32, #tpu.memory_space<hbm>>
      %dma_wait3A_34 = arith.constant 0 : i32
      %dma_wait3A_35 = tpu.memref_slice %arg5[%add3A_15, %dma_wait3A_34] : memref<8192x768xf32, #tpu.memory_space<hbm>> -> memref<128x768xf32, #tpu.memory_space<hbm>>
      tpu.wait_dma2 semaphore(%run_scoped3A : memref<!tpu.dma_semaphore, #tpu.memory_space<semaphore_mem>>) src(%arg6 : memref<128x768xf32, #tpu.memory_space<vmem>>) dst(%dma_wait3A_35 : memref<128x768xf32, #tpu.memory_space<hbm>>)
      tpu.yield
    }) : () -> ()
    return
  }
}

#map = affine_map<(d0, d1) -> (0, 0)>
#map1 = affine_map<(d0, d1) -> (0)>
module attributes {stable_mosaic.version = 14 : i64} {
  func.func @_dispatch(%arg0: i32, %arg1: i32, %arg2: memref<8192x768xf32, #tpu.memory_space<hbm>>, %arg3: memref<8192xi32, #tpu.memory_space<hbm>>, %arg4: memref<8192xi32, #tpu.memory_space<hbm>>, %arg5: memref<64xi32, #tpu.memory_space<hbm>>, %arg6: memref<16384x768xf32, #tpu.memory_space<hbm>>, %arg7: memref<8192xi32, #tpu.memory_space<hbm>>, %arg8: memref<128x768xf32, #tpu.memory_space<vmem>>, %arg9: memref<128xi32, #tpu.memory_space<vmem>>, %arg10: memref<128xi32, #tpu.memory_space<vmem>>, %arg11: memref<64xi32, #tpu.memory_space<vmem>>, %arg12: memref<128xi32, #tpu.memory_space<vmem>>, %arg13: memref<!tpu.dma_semaphore, #tpu.memory_space<semaphore_mem>>) attributes {dimension_semantics = [#tpu.dimension_semantics<core_parallel>, #tpu.dimension_semantics<subcore_parallel>], iteration_bounds = array<i64: 2, 16>, scalar_prefetch = 0 : i64, scratch_operands = 6 : i64, tpu.core_type = #tpu.core_type<sc_vector_subcore>, window_params = [{transform_indices = #map}, {transform_indices = #map1}, {transform_indices = #map1}, {transform_indices = #map1}, {transform_indices = #map}, {transform_indices = #map1}]} {
    %mul3A = arith.constant 2 : i32
    %mul3A_0 = arith.muli %arg1, %mul3A : i32
    %add3A = arith.addi %mul3A_0, %arg0 : i32
    %mul3A_1 = arith.constant 256 : i32
    %mul3A_2 = arith.muli %add3A, %mul3A_1 : i32
    "tpu.region"() ({
      %run_scoped3A = tpu.sem_alloc : memref<!tpu.dma_semaphore, #tpu.memory_space<semaphore_mem>>
      tpu.enqueue_dma source(%arg5 : memref<64xi32, #tpu.memory_space<hbm>>) target(%arg11 : memref<64xi32, #tpu.memory_space<vmem>>) target_semaphore(%run_scoped3A : memref<!tpu.dma_semaphore, #tpu.memory_space<semaphore_mem>>)
      tpu.wait_dma2 semaphore(%run_scoped3A : memref<!tpu.dma_semaphore, #tpu.memory_space<semaphore_mem>>) src(%arg5 : memref<64xi32, #tpu.memory_space<hbm>>) dst(%arg11 : memref<64xi32, #tpu.memory_space<vmem>>)
      tpu.yield
    }) : () -> ()
    %add3A_3 = arith.constant 0 : i32
    %add3A_4 = arith.addi %mul3A_2, %add3A_3 : i32
    "tpu.region"() ({
      %run_scoped3A = tpu.sem_alloc : memref<!tpu.dma_semaphore, #tpu.memory_space<semaphore_mem>>
      %dma_start3A_142 = arith.constant 0 : i32
      %dma_start3A_143 = tpu.memref_slice %arg2[%add3A_4, %dma_start3A_142] : memref<8192x768xf32, #tpu.memory_space<hbm>> -> memref<128x768xf32, #tpu.memory_space<hbm>>
      %dma_start3A_144 = arith.constant 0 : i32
      %dma_start3A_145 = tpu.memref_slice %arg2[%add3A_4, %dma_start3A_144] : memref<8192x768xf32, #tpu.memory_space<hbm>> -> memref<128x768xf32, #tpu.memory_space<hbm>>
      tpu.enqueue_dma source(%dma_start3A_145 : memref<128x768xf32, #tpu.memory_space<hbm>>) target(%arg8 : memref<128x768xf32, #tpu.memory_space<vmem>>) target_semaphore(%run_scoped3A : memref<!tpu.dma_semaphore, #tpu.memory_space<semaphore_mem>>)
      %dma_wait3A_146 = arith.constant 0 : i32
      %dma_wait3A_147 = tpu.memref_slice %arg2[%add3A_4, %dma_wait3A_146] : memref<8192x768xf32, #tpu.memory_space<hbm>> -> memref<128x768xf32, #tpu.memory_space<hbm>>
      %dma_wait3A_148 = arith.constant 0 : i32
      %dma_wait3A_149 = tpu.memref_slice %arg2[%add3A_4, %dma_wait3A_148] : memref<8192x768xf32, #tpu.memory_space<hbm>> -> memref<128x768xf32, #tpu.memory_space<hbm>>
      tpu.wait_dma2 semaphore(%run_scoped3A : memref<!tpu.dma_semaphore, #tpu.memory_space<semaphore_mem>>) src(%dma_wait3A_149 : memref<128x768xf32, #tpu.memory_space<hbm>>) dst(%arg8 : memref<128x768xf32, #tpu.memory_space<vmem>>)
      tpu.yield
    }) : () -> ()
    "tpu.region"() ({
      %run_scoped3A = tpu.sem_alloc : memref<!tpu.dma_semaphore, #tpu.memory_space<semaphore_mem>>
      %dma_start3A_142 = tpu.memref_slice %arg3[%add3A_4] : memref<8192xi32, #tpu.memory_space<hbm>> -> memref<128xi32, #tpu.memory_space<hbm>>
      %dma_start3A_143 = tpu.memref_slice %arg3[%add3A_4] : memref<8192xi32, #tpu.memory_space<hbm>> -> memref<128xi32, #tpu.memory_space<hbm>>
      tpu.enqueue_dma source(%dma_start3A_143 : memref<128xi32, #tpu.memory_space<hbm>>) target(%arg9 : memref<128xi32, #tpu.memory_space<vmem>>) target_semaphore(%run_scoped3A : memref<!tpu.dma_semaphore, #tpu.memory_space<semaphore_mem>>)
      %dma_wait3A_144 = tpu.memref_slice %arg3[%add3A_4] : memref<8192xi32, #tpu.memory_space<hbm>> -> memref<128xi32, #tpu.memory_space<hbm>>
      %dma_wait3A_145 = tpu.memref_slice %arg3[%add3A_4] : memref<8192xi32, #tpu.memory_space<hbm>> -> memref<128xi32, #tpu.memory_space<hbm>>
      tpu.wait_dma2 semaphore(%run_scoped3A : memref<!tpu.dma_semaphore, #tpu.memory_space<semaphore_mem>>) src(%dma_wait3A_145 : memref<128xi32, #tpu.memory_space<hbm>>) dst(%arg9 : memref<128xi32, #tpu.memory_space<vmem>>)
      tpu.yield
    }) : () -> ()
    "tpu.region"() ({
      %run_scoped3A = tpu.sem_alloc : memref<!tpu.dma_semaphore, #tpu.memory_space<semaphore_mem>>
      %dma_start3A_142 = tpu.memref_slice %arg4[%add3A_4] : memref<8192xi32, #tpu.memory_space<hbm>> -> memref<128xi32, #tpu.memory_space<hbm>>
      %dma_start3A_143 = tpu.memref_slice %arg4[%add3A_4] : memref<8192xi32, #tpu.memory_space<hbm>> -> memref<128xi32, #tpu.memory_space<hbm>>
      tpu.enqueue_dma source(%dma_start3A_143 : memref<128xi32, #tpu.memory_space<hbm>>) target(%arg10 : memref<128xi32, #tpu.memory_space<vmem>>) target_semaphore(%run_scoped3A : memref<!tpu.dma_semaphore, #tpu.memory_space<semaphore_mem>>)
      %dma_wait3A_144 = tpu.memref_slice %arg4[%add3A_4] : memref<8192xi32, #tpu.memory_space<hbm>> -> memref<128xi32, #tpu.memory_space<hbm>>
      %dma_wait3A_145 = tpu.memref_slice %arg4[%add3A_4] : memref<8192xi32, #tpu.memory_space<hbm>> -> memref<128xi32, #tpu.memory_space<hbm>>
      tpu.wait_dma2 semaphore(%run_scoped3A : memref<!tpu.dma_semaphore, #tpu.memory_space<semaphore_mem>>) src(%dma_wait3A_145 : memref<128xi32, #tpu.memory_space<hbm>>) dst(%arg10 : memref<128xi32, #tpu.memory_space<vmem>>)
      tpu.yield
    }) : () -> ()
    %get3A = arith.constant 0 : index
    %get3A_5 = tpu.vector_load %arg9[%get3A] {strides = array<i32>} : memref<128xi32, #tpu.memory_space<vmem>>, vector<16xi32>,
    %get3A_6 = arith.constant 0 : index
    %get3A_7 = tpu.vector_load %arg10[%get3A_6] {strides = array<i32>} : memref<128xi32, #tpu.memory_space<vmem>>, vector<16xi32>,
    %gather3A = tpu.vector_load_idx %arg11[%get3A_5] : memref<64xi32, #tpu.memory_space<vmem>>[vector<16xi32>], vector<16xi32>,
    %add3A_8 = arith.addi %gather3A, %get3A_7 : vector<16xi32>
    %swap3A = arith.constant 0 : index
    %swap3A_9 = tpu.vector_load %arg12[%swap3A] {strides = array<i32>} : memref<128xi32, #tpu.memory_space<vmem>>, vector<16xi32>,
    tpu.vector_store %arg12[%swap3A], %add3A_8 {strides = array<i32>} : memref<128xi32, #tpu.memory_space<vmem>>, vector<16xi32>,
    %get3A_10 = arith.constant 16 : index
    %get3A_11 = tpu.vector_load %arg9[%get3A_10] {strides = array<i32>} : memref<128xi32, #tpu.memory_space<vmem>>, vector<16xi32>,
    %get3A_12 = arith.constant 16 : index
    %get3A_13 = tpu.vector_load %arg10[%get3A_12] {strides = array<i32>} : memref<128xi32, #tpu.memory_space<vmem>>, vector<16xi32>,
    %gather3A_14 = tpu.vector_load_idx %arg11[%get3A_11] : memref<64xi32, #tpu.memory_space<vmem>>[vector<16xi32>], vector<16xi32>,
    %add3A_15 = arith.addi %gather3A_14, %get3A_13 : vector<16xi32>
    %swap3A_16 = arith.constant 16 : index
    %swap3A_17 = tpu.vector_load %arg12[%swap3A_16] {strides = array<i32>} : memref<128xi32, #tpu.memory_space<vmem>>, vector<16xi32>,
    tpu.vector_store %arg12[%swap3A_16], %add3A_15 {strides = array<i32>} : memref<128xi32, #tpu.memory_space<vmem>>, vector<16xi32>,
    %get3A_18 = arith.constant 32 : index
    %get3A_19 = tpu.vector_load %arg9[%get3A_18] {strides = array<i32>} : memref<128xi32, #tpu.memory_space<vmem>>, vector<16xi32>,
    %get3A_20 = arith.constant 32 : index
    %get3A_21 = tpu.vector_load %arg10[%get3A_20] {strides = array<i32>} : memref<128xi32, #tpu.memory_space<vmem>>, vector<16xi32>,
    %gather3A_22 = tpu.vector_load_idx %arg11[%get3A_19] : memref<64xi32, #tpu.memory_space<vmem>>[vector<16xi32>], vector<16xi32>,
    %add3A_23 = arith.addi %gather3A_22, %get3A_21 : vector<16xi32>
    %swap3A_24 = arith.constant 32 : index
    %swap3A_25 = tpu.vector_load %arg12[%swap3A_24] {strides = array<i32>} : memref<128xi32, #tpu.memory_space<vmem>>, vector<16xi32>,
    tpu.vector_store %arg12[%swap3A_24], %add3A_23 {strides = array<i32>} : memref<128xi32, #tpu.memory_space<vmem>>, vector<16xi32>,
    %get3A_26 = arith.constant 48 : index
    %get3A_27 = tpu.vector_load %arg9[%get3A_26] {strides = array<i32>} : memref<128xi32, #tpu.memory_space<vmem>>, vector<16xi32>,
    %get3A_28 = arith.constant 48 : index
    %get3A_29 = tpu.vector_load %arg10[%get3A_28] {strides = array<i32>} : memref<128xi32, #tpu.memory_space<vmem>>, vector<16xi32>,
    %gather3A_30 = tpu.vector_load_idx %arg11[%get3A_27] : memref<64xi32, #tpu.memory_space<vmem>>[vector<16xi32>], vector<16xi32>,
    %add3A_31 = arith.addi %gather3A_30, %get3A_29 : vector<16xi32>
    %swap3A_32 = arith.constant 48 : index
    %swap3A_33 = tpu.vector_load %arg12[%swap3A_32] {strides = array<i32>} : memref<128xi32, #tpu.memory_space<vmem>>, vector<16xi32>,
    tpu.vector_store %arg12[%swap3A_32], %add3A_31 {strides = array<i32>} : memref<128xi32, #tpu.memory_space<vmem>>, vector<16xi32>,
    %get3A_34 = arith.constant 64 : index
    %get3A_35 = tpu.vector_load %arg9[%get3A_34] {strides = array<i32>} : memref<128xi32, #tpu.memory_space<vmem>>, vector<16xi32>,
    %get3A_36 = arith.constant 64 : index
    %get3A_37 = tpu.vector_load %arg10[%get3A_36] {strides = array<i32>} : memref<128xi32, #tpu.memory_space<vmem>>, vector<16xi32>,
    %gather3A_38 = tpu.vector_load_idx %arg11[%get3A_35] : memref<64xi32, #tpu.memory_space<vmem>>[vector<16xi32>], vector<16xi32>,
    %add3A_39 = arith.addi %gather3A_38, %get3A_37 : vector<16xi32>
    %swap3A_40 = arith.constant 64 : index
    %swap3A_41 = tpu.vector_load %arg12[%swap3A_40] {strides = array<i32>} : memref<128xi32, #tpu.memory_space<vmem>>, vector<16xi32>,
    tpu.vector_store %arg12[%swap3A_40], %add3A_39 {strides = array<i32>} : memref<128xi32, #tpu.memory_space<vmem>>, vector<16xi32>,
    %get3A_42 = arith.constant 80 : index
    %get3A_43 = tpu.vector_load %arg9[%get3A_42] {strides = array<i32>} : memref<128xi32, #tpu.memory_space<vmem>>, vector<16xi32>,
    %get3A_44 = arith.constant 80 : index
    %get3A_45 = tpu.vector_load %arg10[%get3A_44] {strides = array<i32>} : memref<128xi32, #tpu.memory_space<vmem>>, vector<16xi32>,
    %gather3A_46 = tpu.vector_load_idx %arg11[%get3A_43] : memref<64xi32, #tpu.memory_space<vmem>>[vector<16xi32>], vector<16xi32>,
    %add3A_47 = arith.addi %gather3A_46, %get3A_45 : vector<16xi32>
    %swap3A_48 = arith.constant 80 : index
    %swap3A_49 = tpu.vector_load %arg12[%swap3A_48] {strides = array<i32>} : memref<128xi32, #tpu.memory_space<vmem>>, vector<16xi32>,
    tpu.vector_store %arg12[%swap3A_48], %add3A_47 {strides = array<i32>} : memref<128xi32, #tpu.memory_space<vmem>>, vector<16xi32>,
    %get3A_50 = arith.constant 96 : index
    %get3A_51 = tpu.vector_load %arg9[%get3A_50] {strides = array<i32>} : memref<128xi32, #tpu.memory_space<vmem>>, vector<16xi32>,
    %get3A_52 = arith.constant 96 : index
    %get3A_53 = tpu.vector_load %arg10[%get3A_52] {strides = array<i32>} : memref<128xi32, #tpu.memory_space<vmem>>, vector<16xi32>,
    %gather3A_54 = tpu.vector_load_idx %arg11[%get3A_51] : memref<64xi32, #tpu.memory_space<vmem>>[vector<16xi32>], vector<16xi32>,
    %add3A_55 = arith.addi %gather3A_54, %get3A_53 : vector<16xi32>
    %swap3A_56 = arith.constant 96 : index
    %swap3A_57 = tpu.vector_load %arg12[%swap3A_56] {strides = array<i32>} : memref<128xi32, #tpu.memory_space<vmem>>, vector<16xi32>,
    tpu.vector_store %arg12[%swap3A_56], %add3A_55 {strides = array<i32>} : memref<128xi32, #tpu.memory_space<vmem>>, vector<16xi32>,
    %get3A_58 = arith.constant 112 : index
    %get3A_59 = tpu.vector_load %arg9[%get3A_58] {strides = array<i32>} : memref<128xi32, #tpu.memory_space<vmem>>, vector<16xi32>,
    %get3A_60 = arith.constant 112 : index
    %get3A_61 = tpu.vector_load %arg10[%get3A_60] {strides = array<i32>} : memref<128xi32, #tpu.memory_space<vmem>>, vector<16xi32>,
    %gather3A_62 = tpu.vector_load_idx %arg11[%get3A_59] : memref<64xi32, #tpu.memory_space<vmem>>[vector<16xi32>], vector<16xi32>,
    %add3A_63 = arith.addi %gather3A_62, %get3A_61 : vector<16xi32>
    %swap3A_64 = arith.constant 112 : index
    %swap3A_65 = tpu.vector_load %arg12[%swap3A_64] {strides = array<i32>} : memref<128xi32, #tpu.memory_space<vmem>>, vector<16xi32>,
    tpu.vector_store %arg12[%swap3A_64], %add3A_63 {strides = array<i32>} : memref<128xi32, #tpu.memory_space<vmem>>, vector<16xi32>,
    %dma_start3A = arith.constant 0 : i32
    %dma_start3A_66 = arith.constant 0 : i32
    %dma_start3A_67 = tpu.memref_slice %arg6[%dma_start3A, %dma_start3A_66] : memref<16384x768xf32, #tpu.memory_space<hbm>> -> memref<16384x768xf32, #tpu.memory_space<hbm>>
    tpu.enqueue_indirect_dma source(%arg8 : memref<128x768xf32, #tpu.memory_space<vmem>>) target(%dma_start3A_67 : memref<16384x768xf32, #tpu.memory_space<hbm>>) offsets(%arg12 : memref<128xi32, #tpu.memory_space<vmem>>) semaphore(%arg13 : memref<!tpu.dma_semaphore, #tpu.memory_space<semaphore_mem>>)
    %dma_wait3A = arith.constant 0 : i32
    %dma_wait3A_68 = arith.constant 0 : i32
    %dma_wait3A_69 = tpu.memref_slice %arg6[%dma_wait3A, %dma_wait3A_68] : memref<16384x768xf32, #tpu.memory_space<hbm>> -> memref<16384x768xf32, #tpu.memory_space<hbm>>
    tpu.wait_indirect_dma semaphore(%arg13 : memref<!tpu.dma_semaphore, #tpu.memory_space<semaphore_mem>>) src(%arg8 : memref<128x768xf32, #tpu.memory_space<vmem>>) dst(%dma_wait3A_69 : memref<16384x768xf32, #tpu.memory_space<hbm>>)
    "tpu.region"() ({
      %run_scoped3A = tpu.sem_alloc : memref<!tpu.dma_semaphore, #tpu.memory_space<semaphore_mem>>
      %dma_start3A_142 = tpu.memref_slice %arg7[%add3A_4] : memref<8192xi32, #tpu.memory_space<hbm>> -> memref<128xi32, #tpu.memory_space<hbm>>
      %dma_start3A_143 = tpu.memref_slice %arg7[%add3A_4] : memref<8192xi32, #tpu.memory_space<hbm>> -> memref<128xi32, #tpu.memory_space<hbm>>
      tpu.enqueue_dma source(%arg12 : memref<128xi32, #tpu.memory_space<vmem>>) target(%dma_start3A_143 : memref<128xi32, #tpu.memory_space<hbm>>) target_semaphore(%run_scoped3A : memref<!tpu.dma_semaphore, #tpu.memory_space<semaphore_mem>>)
      %dma_wait3A_144 = tpu.memref_slice %arg7[%add3A_4] : memref<8192xi32, #tpu.memory_space<hbm>> -> memref<128xi32, #tpu.memory_space<hbm>>
      %dma_wait3A_145 = tpu.memref_slice %arg7[%add3A_4] : memref<8192xi32, #tpu.memory_space<hbm>> -> memref<128xi32, #tpu.memory_space<hbm>>
      tpu.wait_dma2 semaphore(%run_scoped3A : memref<!tpu.dma_semaphore, #tpu.memory_space<semaphore_mem>>) src(%arg12 : memref<128xi32, #tpu.memory_space<vmem>>) dst(%dma_wait3A_145 : memref<128xi32, #tpu.memory_space<hbm>>)
      tpu.yield
    }) : () -> ()
    %add3A_70 = arith.constant 128 : i32
    %add3A_71 = arith.addi %mul3A_2, %add3A_70 : i32
    "tpu.region"() ({
      %run_scoped3A = tpu.sem_alloc : memref<!tpu.dma_semaphore, #tpu.memory_space<semaphore_mem>>
      %dma_start3A_142 = arith.constant 0 : i32
      %dma_start3A_143 = tpu.memref_slice %arg2[%add3A_71, %dma_start3A_142] : memref<8192x768xf32, #tpu.memory_space<hbm>> -> memref<128x768xf32, #tpu.memory_space<hbm>>
      %dma_start3A_144 = arith.constant 0 : i32
      %dma_start3A_145 = tpu.memref_slice %arg2[%add3A_71, %dma_start3A_144] : memref<8192x768xf32, #tpu.memory_space<hbm>> -> memref<128x768xf32, #tpu.memory_space<hbm>>
      tpu.enqueue_dma source(%dma_start3A_145 : memref<128x768xf32, #tpu.memory_space<hbm>>) target(%arg8 : memref<128x768xf32, #tpu.memory_space<vmem>>) target_semaphore(%run_scoped3A : memref<!tpu.dma_semaphore, #tpu.memory_space<semaphore_mem>>)
      %dma_wait3A_146 = arith.constant 0 : i32
      %dma_wait3A_147 = tpu.memref_slice %arg2[%add3A_71, %dma_wait3A_146] : memref<8192x768xf32, #tpu.memory_space<hbm>> -> memref<128x768xf32, #tpu.memory_space<hbm>>
      %dma_wait3A_148 = arith.constant 0 : i32
      %dma_wait3A_149 = tpu.memref_slice %arg2[%add3A_71, %dma_wait3A_148] : memref<8192x768xf32, #tpu.memory_space<hbm>> -> memref<128x768xf32, #tpu.memory_space<hbm>>
      tpu.wait_dma2 semaphore(%run_scoped3A : memref<!tpu.dma_semaphore, #tpu.memory_space<semaphore_mem>>) src(%dma_wait3A_149 : memref<128x768xf32, #tpu.memory_space<hbm>>) dst(%arg8 : memref<128x768xf32, #tpu.memory_space<vmem>>)
      tpu.yield
    }) : () -> ()
    "tpu.region"() ({
      %run_scoped3A = tpu.sem_alloc : memref<!tpu.dma_semaphore, #tpu.memory_space<semaphore_mem>>
      %dma_start3A_142 = tpu.memref_slice %arg3[%add3A_71] : memref<8192xi32, #tpu.memory_space<hbm>> -> memref<128xi32, #tpu.memory_space<hbm>>
      %dma_start3A_143 = tpu.memref_slice %arg3[%add3A_71] : memref<8192xi32, #tpu.memory_space<hbm>> -> memref<128xi32, #tpu.memory_space<hbm>>
      tpu.enqueue_dma source(%dma_start3A_143 : memref<128xi32, #tpu.memory_space<hbm>>) target(%arg9 : memref<128xi32, #tpu.memory_space<vmem>>) target_semaphore(%run_scoped3A : memref<!tpu.dma_semaphore, #tpu.memory_space<semaphore_mem>>)
      %dma_wait3A_144 = tpu.memref_slice %arg3[%add3A_71] : memref<8192xi32, #tpu.memory_space<hbm>> -> memref<128xi32, #tpu.memory_space<hbm>>
      %dma_wait3A_145 = tpu.memref_slice %arg3[%add3A_71] : memref<8192xi32, #tpu.memory_space<hbm>> -> memref<128xi32, #tpu.memory_space<hbm>>
      tpu.wait_dma2 semaphore(%run_scoped3A : memref<!tpu.dma_semaphore, #tpu.memory_space<semaphore_mem>>) src(%dma_wait3A_145 : memref<128xi32, #tpu.memory_space<hbm>>) dst(%arg9 : memref<128xi32, #tpu.memory_space<vmem>>)
      tpu.yield
    }) : () -> ()
    "tpu.region"() ({
      %run_scoped3A = tpu.sem_alloc : memref<!tpu.dma_semaphore, #tpu.memory_space<semaphore_mem>>
      %dma_start3A_142 = tpu.memref_slice %arg4[%add3A_71] : memref<8192xi32, #tpu.memory_space<hbm>> -> memref<128xi32, #tpu.memory_space<hbm>>
      %dma_start3A_143 = tpu.memref_slice %arg4[%add3A_71] : memref<8192xi32, #tpu.memory_space<hbm>> -> memref<128xi32, #tpu.memory_space<hbm>>
      tpu.enqueue_dma source(%dma_start3A_143 : memref<128xi32, #tpu.memory_space<hbm>>) target(%arg10 : memref<128xi32, #tpu.memory_space<vmem>>) target_semaphore(%run_scoped3A : memref<!tpu.dma_semaphore, #tpu.memory_space<semaphore_mem>>)
      %dma_wait3A_144 = tpu.memref_slice %arg4[%add3A_71] : memref<8192xi32, #tpu.memory_space<hbm>> -> memref<128xi32, #tpu.memory_space<hbm>>
      %dma_wait3A_145 = tpu.memref_slice %arg4[%add3A_71] : memref<8192xi32, #tpu.memory_space<hbm>> -> memref<128xi32, #tpu.memory_space<hbm>>
      tpu.wait_dma2 semaphore(%run_scoped3A : memref<!tpu.dma_semaphore, #tpu.memory_space<semaphore_mem>>) src(%dma_wait3A_145 : memref<128xi32, #tpu.memory_space<hbm>>) dst(%arg10 : memref<128xi32, #tpu.memory_space<vmem>>)
      tpu.yield
    }) : () -> ()
    %get3A_72 = arith.constant 0 : index
    %get3A_73 = tpu.vector_load %arg9[%get3A_72] {strides = array<i32>} : memref<128xi32, #tpu.memory_space<vmem>>, vector<16xi32>,
    %get3A_74 = arith.constant 0 : index
    %get3A_75 = tpu.vector_load %arg10[%get3A_74] {strides = array<i32>} : memref<128xi32, #tpu.memory_space<vmem>>, vector<16xi32>,
    %gather3A_76 = tpu.vector_load_idx %arg11[%get3A_73] : memref<64xi32, #tpu.memory_space<vmem>>[vector<16xi32>], vector<16xi32>,
    %add3A_77 = arith.addi %gather3A_76, %get3A_75 : vector<16xi32>
    %swap3A_78 = arith.constant 0 : index
    %swap3A_79 = tpu.vector_load %arg12[%swap3A_78] {strides = array<i32>} : memref<128xi32, #tpu.memory_space<vmem>>, vector<16xi32>,
    tpu.vector_store %arg12[%swap3A_78], %add3A_77 {strides = array<i32>} : memref<128xi32, #tpu.memory_space<vmem>>, vector<16xi32>,
    %get3A_80 = arith.constant 16 : index
    %get3A_81 = tpu.vector_load %arg9[%get3A_80] {strides = array<i32>} : memref<128xi32, #tpu.memory_space<vmem>>, vector<16xi32>,
    %get3A_82 = arith.constant 16 : index
    %get3A_83 = tpu.vector_load %arg10[%get3A_82] {strides = array<i32>} : memref<128xi32, #tpu.memory_space<vmem>>, vector<16xi32>,
    %gather3A_84 = tpu.vector_load_idx %arg11[%get3A_81] : memref<64xi32, #tpu.memory_space<vmem>>[vector<16xi32>], vector<16xi32>,
    %add3A_85 = arith.addi %gather3A_84, %get3A_83 : vector<16xi32>
    %swap3A_86 = arith.constant 16 : index
    %swap3A_87 = tpu.vector_load %arg12[%swap3A_86] {strides = array<i32>} : memref<128xi32, #tpu.memory_space<vmem>>, vector<16xi32>,
    tpu.vector_store %arg12[%swap3A_86], %add3A_85 {strides = array<i32>} : memref<128xi32, #tpu.memory_space<vmem>>, vector<16xi32>,
    %get3A_88 = arith.constant 32 : index
    %get3A_89 = tpu.vector_load %arg9[%get3A_88] {strides = array<i32>} : memref<128xi32, #tpu.memory_space<vmem>>, vector<16xi32>,
    %get3A_90 = arith.constant 32 : index
    %get3A_91 = tpu.vector_load %arg10[%get3A_90] {strides = array<i32>} : memref<128xi32, #tpu.memory_space<vmem>>, vector<16xi32>,
    %gather3A_92 = tpu.vector_load_idx %arg11[%get3A_89] : memref<64xi32, #tpu.memory_space<vmem>>[vector<16xi32>], vector<16xi32>,
    %add3A_93 = arith.addi %gather3A_92, %get3A_91 : vector<16xi32>
    %swap3A_94 = arith.constant 32 : index
    %swap3A_95 = tpu.vector_load %arg12[%swap3A_94] {strides = array<i32>} : memref<128xi32, #tpu.memory_space<vmem>>, vector<16xi32>,
    tpu.vector_store %arg12[%swap3A_94], %add3A_93 {strides = array<i32>} : memref<128xi32, #tpu.memory_space<vmem>>, vector<16xi32>,
    %get3A_96 = arith.constant 48 : index
    %get3A_97 = tpu.vector_load %arg9[%get3A_96] {strides = array<i32>} : memref<128xi32, #tpu.memory_space<vmem>>, vector<16xi32>,
    %get3A_98 = arith.constant 48 : index
    %get3A_99 = tpu.vector_load %arg10[%get3A_98] {strides = array<i32>} : memref<128xi32, #tpu.memory_space<vmem>>, vector<16xi32>,
    %gather3A_100 = tpu.vector_load_idx %arg11[%get3A_97] : memref<64xi32, #tpu.memory_space<vmem>>[vector<16xi32>], vector<16xi32>,
    %add3A_101 = arith.addi %gather3A_100, %get3A_99 : vector<16xi32>
    %swap3A_102 = arith.constant 48 : index
    %swap3A_103 = tpu.vector_load %arg12[%swap3A_102] {strides = array<i32>} : memref<128xi32, #tpu.memory_space<vmem>>, vector<16xi32>,
    tpu.vector_store %arg12[%swap3A_102], %add3A_101 {strides = array<i32>} : memref<128xi32, #tpu.memory_space<vmem>>, vector<16xi32>,
    %get3A_104 = arith.constant 64 : index
    %get3A_105 = tpu.vector_load %arg9[%get3A_104] {strides = array<i32>} : memref<128xi32, #tpu.memory_space<vmem>>, vector<16xi32>,
    %get3A_106 = arith.constant 64 : index
    %get3A_107 = tpu.vector_load %arg10[%get3A_106] {strides = array<i32>} : memref<128xi32, #tpu.memory_space<vmem>>, vector<16xi32>,
    %gather3A_108 = tpu.vector_load_idx %arg11[%get3A_105] : memref<64xi32, #tpu.memory_space<vmem>>[vector<16xi32>], vector<16xi32>,
    %add3A_109 = arith.addi %gather3A_108, %get3A_107 : vector<16xi32>
    %swap3A_110 = arith.constant 64 : index
    %swap3A_111 = tpu.vector_load %arg12[%swap3A_110] {strides = array<i32>} : memref<128xi32, #tpu.memory_space<vmem>>, vector<16xi32>,
    tpu.vector_store %arg12[%swap3A_110], %add3A_109 {strides = array<i32>} : memref<128xi32, #tpu.memory_space<vmem>>, vector<16xi32>,
    %get3A_112 = arith.constant 80 : index
    %get3A_113 = tpu.vector_load %arg9[%get3A_112] {strides = array<i32>} : memref<128xi32, #tpu.memory_space<vmem>>, vector<16xi32>,
    %get3A_114 = arith.constant 80 : index
    %get3A_115 = tpu.vector_load %arg10[%get3A_114] {strides = array<i32>} : memref<128xi32, #tpu.memory_space<vmem>>, vector<16xi32>,
    %gather3A_116 = tpu.vector_load_idx %arg11[%get3A_113] : memref<64xi32, #tpu.memory_space<vmem>>[vector<16xi32>], vector<16xi32>,
    %add3A_117 = arith.addi %gather3A_116, %get3A_115 : vector<16xi32>
    %swap3A_118 = arith.constant 80 : index
    %swap3A_119 = tpu.vector_load %arg12[%swap3A_118] {strides = array<i32>} : memref<128xi32, #tpu.memory_space<vmem>>, vector<16xi32>,
    tpu.vector_store %arg12[%swap3A_118], %add3A_117 {strides = array<i32>} : memref<128xi32, #tpu.memory_space<vmem>>, vector<16xi32>,
    %get3A_120 = arith.constant 96 : index
    %get3A_121 = tpu.vector_load %arg9[%get3A_120] {strides = array<i32>} : memref<128xi32, #tpu.memory_space<vmem>>, vector<16xi32>,
    %get3A_122 = arith.constant 96 : index
    %get3A_123 = tpu.vector_load %arg10[%get3A_122] {strides = array<i32>} : memref<128xi32, #tpu.memory_space<vmem>>, vector<16xi32>,
    %gather3A_124 = tpu.vector_load_idx %arg11[%get3A_121] : memref<64xi32, #tpu.memory_space<vmem>>[vector<16xi32>], vector<16xi32>,
    %add3A_125 = arith.addi %gather3A_124, %get3A_123 : vector<16xi32>
    %swap3A_126 = arith.constant 96 : index
    %swap3A_127 = tpu.vector_load %arg12[%swap3A_126] {strides = array<i32>} : memref<128xi32, #tpu.memory_space<vmem>>, vector<16xi32>,
    tpu.vector_store %arg12[%swap3A_126], %add3A_125 {strides = array<i32>} : memref<128xi32, #tpu.memory_space<vmem>>, vector<16xi32>,
    %get3A_128 = arith.constant 112 : index
    %get3A_129 = tpu.vector_load %arg9[%get3A_128] {strides = array<i32>} : memref<128xi32, #tpu.memory_space<vmem>>, vector<16xi32>,
    %get3A_130 = arith.constant 112 : index
    %get3A_131 = tpu.vector_load %arg10[%get3A_130] {strides = array<i32>} : memref<128xi32, #tpu.memory_space<vmem>>, vector<16xi32>,
    %gather3A_132 = tpu.vector_load_idx %arg11[%get3A_129] : memref<64xi32, #tpu.memory_space<vmem>>[vector<16xi32>], vector<16xi32>,
    %add3A_133 = arith.addi %gather3A_132, %get3A_131 : vector<16xi32>
    %swap3A_134 = arith.constant 112 : index
    %swap3A_135 = tpu.vector_load %arg12[%swap3A_134] {strides = array<i32>} : memref<128xi32, #tpu.memory_space<vmem>>, vector<16xi32>,
    tpu.vector_store %arg12[%swap3A_134], %add3A_133 {strides = array<i32>} : memref<128xi32, #tpu.memory_space<vmem>>, vector<16xi32>,
    %dma_start3A_136 = arith.constant 0 : i32
    %dma_start3A_137 = arith.constant 0 : i32
    %dma_start3A_138 = tpu.memref_slice %arg6[%dma_start3A_136, %dma_start3A_137] : memref<16384x768xf32, #tpu.memory_space<hbm>> -> memref<16384x768xf32, #tpu.memory_space<hbm>>
    tpu.enqueue_indirect_dma source(%arg8 : memref<128x768xf32, #tpu.memory_space<vmem>>) target(%dma_start3A_138 : memref<16384x768xf32, #tpu.memory_space<hbm>>) offsets(%arg12 : memref<128xi32, #tpu.memory_space<vmem>>) semaphore(%arg13 : memref<!tpu.dma_semaphore, #tpu.memory_space<semaphore_mem>>)
    %dma_wait3A_139 = arith.constant 0 : i32
    %dma_wait3A_140 = arith.constant 0 : i32
    %dma_wait3A_141 = tpu.memref_slice %arg6[%dma_wait3A_139, %dma_wait3A_140] : memref<16384x768xf32, #tpu.memory_space<hbm>> -> memref<16384x768xf32, #tpu.memory_space<hbm>>
    tpu.wait_indirect_dma semaphore(%arg13 : memref<!tpu.dma_semaphore, #tpu.memory_space<semaphore_mem>>) src(%arg8 : memref<128x768xf32, #tpu.memory_space<vmem>>) dst(%dma_wait3A_141 : memref<16384x768xf32, #tpu.memory_space<hbm>>)
    "tpu.region"() ({
      %run_scoped3A = tpu.sem_alloc : memref<!tpu.dma_semaphore, #tpu.memory_space<semaphore_mem>>
      %dma_start3A_142 = tpu.memref_slice %arg7[%add3A_71] : memref<8192xi32, #tpu.memory_space<hbm>> -> memref<128xi32, #tpu.memory_space<hbm>>
      %dma_start3A_143 = tpu.memref_slice %arg7[%add3A_71] : memref<8192xi32, #tpu.memory_space<hbm>> -> memref<128xi32, #tpu.memory_space<hbm>>
      tpu.enqueue_dma source(%arg12 : memref<128xi32, #tpu.memory_space<vmem>>) target(%dma_start3A_143 : memref<128xi32, #tpu.memory_space<hbm>>) target_semaphore(%run_scoped3A : memref<!tpu.dma_semaphore, #tpu.memory_space<semaphore_mem>>)
      %dma_wait3A_144 = tpu.memref_slice %arg7[%add3A_71] : memref<8192xi32, #tpu.memory_space<hbm>> -> memref<128xi32, #tpu.memory_space<hbm>>
      %dma_wait3A_145 = tpu.memref_slice %arg7[%add3A_71] : memref<8192xi32, #tpu.memory_space<hbm>> -> memref<128xi32, #tpu.memory_space<hbm>>
      tpu.wait_dma2 semaphore(%run_scoped3A : memref<!tpu.dma_semaphore, #tpu.memory_space<semaphore_mem>>) src(%arg12 : memref<128xi32, #tpu.memory_space<vmem>>) dst(%dma_wait3A_145 : memref<128xi32, #tpu.memory_space<hbm>>)
      tpu.yield
    }) : () -> ()
    return
  }
}

module attributes {stable_mosaic.version = 14 : i64} {
  func.func @_router_body(%arg0: i32, %arg1: memref<512x768xf32, #tpu.memory_space<vmem>>, %arg2: memref<768x64xf32, #tpu.memory_space<vmem>>, %arg3: memref<64xf32, #tpu.memory_space<vmem>>, %arg4: memref<64x64xf32, #tpu.memory_space<vmem>>, %arg5: memref<512xi32, #tpu.memory_space<vmem>>, %arg6: memref<512x64xf32, #tpu.memory_space<vmem>>, %arg7: memref<512xf32, #tpu.memory_space<vmem>>, %arg8: memref<512xi32, #tpu.memory_space<vmem>>, %arg9: memref<64xi32, #tpu.memory_space<vmem>>, %arg10: memref<136xi32, #tpu.memory_space<vmem>>, %arg11: memref<1x64xf32, #tpu.memory_space<vmem>>) attributes {dimension_semantics = [#tpu.dimension_semantics<arbitrary>], iteration_bounds = array<i64: 16>, scalar_prefetch = 0 : i64, scratch_operands = 1 : i64, tpu.core_type = #tpu.core_type<tc>, window_params = [{transform_indices = @transform_0, window_bounds = array<i64: 512, 768>}, {pipeline_mode = #tpu.pipeline_mode<synchronous>, transform_indices = @transform_1, window_bounds = array<i64: 768, 64>}, {pipeline_mode = #tpu.pipeline_mode<synchronous>, transform_indices = @transform_2, window_bounds = array<i64: 64>}, {pipeline_mode = #tpu.pipeline_mode<synchronous>, transform_indices = @transform_3, window_bounds = array<i64: 64, 64>}, {transform_indices = @transform_4, window_bounds = array<i64: 512>}, {transform_indices = @transform_5, window_bounds = array<i64: 512, 64>}, {transform_indices = @transform_6, window_bounds = array<i64: 512>}, {transform_indices = @transform_7, window_bounds = array<i64: 512>}, {pipeline_mode = #tpu.pipeline_mode<synchronous>, transform_indices = @transform_8, window_bounds = array<i64: 64>}, {pipeline_mode = #tpu.pipeline_mode<synchronous>, transform_indices = @transform_9, window_bounds = array<i64: 136>}]} {
    %eq3A = arith.constant 0 : i32
    %eq3A_0 = arith.cmpi eq, %arg0, %eq3A : i32
    %convert_element_type3A = arith.extui %eq3A_0 : i1 to i32
    %cond3A = arith.constant 0 : i32
    %cond3A_1 = arith.cmpi ne, %convert_element_type3A, %cond3A : i32
    scf.if %cond3A_1 {
      %broadcast_in_dim3A_104 = arith.constant 0.000000e+00 : f32
      %broadcast_in_dim3A_105 = vector.broadcast %broadcast_in_dim3A_104 : f32 to vector<1x64xf32>
      %swap3A_106 = arith.constant 0 : index
      %swap3A_107 = arith.constant 0 : index
      %swap3A_108 = vector.load %arg11[%swap3A_106, %swap3A_107] : memref<1x64xf32, #tpu.memory_space<vmem>>, vector<1x64xf32>
      tpu.vector_store %arg11[%swap3A_106, %swap3A_107], %broadcast_in_dim3A_105 {strides = array<i32>} : memref<1x64xf32, #tpu.memory_space<vmem>>, vector<1x64xf32>,
    } else {
    }
    %get3A = arith.constant 0 : index
    %get3A_2 = arith.constant 0 : index
    %get3A_3 = vector.load %arg1[%get3A, %get3A_2] : memref<512x768xf32, #tpu.memory_space<vmem>>, vector<512x768xf32>
    %get3A_4 = arith.constant 0 : index
    %get3A_5 = arith.constant 0 : index
    %get3A_6 = vector.load %arg2[%get3A_4, %get3A_5] : memref<768x64xf32, #tpu.memory_space<vmem>>, vector<768x64xf32>
    %dot_general3A = arith.constant dense<0.000000e+00> : vector<512x64xf32>
    %dot_general3A_7 = tpu.matmul %get3A_3, %get3A_6, %dot_general3A {dimension_numbers = #tpu.dot_dimension_numbers<[1], [0], [0], [1], [0, 0, 1, 1], [], []>, transpose_lhs_hint = false} : vector<512x768xf32>, vector<768x64xf32>, vector<512x64xf32> -> vector<512x64xf32>
    %get3A_8 = arith.constant 0 : index
    %get3A_9 = vector.load %arg3[%get3A_8] : memref<64xf32, #tpu.memory_space<vmem>>, vector<64xf32>
    %reshape3A = vector.shape_cast %get3A_9 : vector<64xf32> to vector<1x64xf32>
    %add3A = vector.broadcast %reshape3A : vector<1x64xf32> to vector<512x64xf32>
    %add3A_10 = arith.addf %dot_general3A_7, %add3A : vector<512x64xf32>
    %get3A_11 = arith.constant 0 : index
    %get3A_12 = arith.constant 0 : index
    %get3A_13 = vector.load %arg4[%get3A_11, %get3A_12] : memref<64x64xf32, #tpu.memory_space<vmem>>, vector<64x64xf32>
    %dot_general3A_14 = arith.constant dense<0.000000e+00> : vector<512x64xf32>
    %dot_general3A_15 = tpu.matmul %add3A_10, %get3A_13, %dot_general3A_14 {dimension_numbers = #tpu.dot_dimension_numbers<[1], [0], [0], [1], [0, 0, 1, 1], [], []>, transpose_lhs_hint = false} : vector<512x64xf32>, vector<64x64xf32>, vector<512x64xf32> -> vector<512x64xf32>
    %div3A = arith.constant 5.000000e+00 : f32
    %div3A_16 = vector.broadcast %div3A : f32 to vector<512x64xf32>
    %div3A_17 = arith.divf %dot_general3A_15, %div3A_16 : vector<512x64xf32>
    %max3A = arith.constant 0.000000e+00 : f32
    %max3A_18 = vector.broadcast %max3A : f32 to vector<512x64xf32>
    %max3A_19 = arith.maximumf %div3A_17, %max3A_18 : vector<512x64xf32>
    %sub3A = arith.subf %div3A_17, %max3A_19 : vector<512x64xf32>
    %exp3A = math.exp %sub3A : vector<512x64xf32>
    %neg3A = arith.constant 0.000000e+00 : f32
    %neg3A_20 = vector.broadcast %neg3A : f32 to vector<512x64xf32>
    %neg3A_21 = arith.subf %neg3A_20, %max3A_19 : vector<512x64xf32>
    %exp3A_22 = math.exp %neg3A_21 : vector<512x64xf32>
    %add3A_23 = arith.addf %exp3A_22, %exp3A : vector<512x64xf32>
    %div3A_24 = arith.divf %exp3A, %add3A_23 : vector<512x64xf32>
    %swap3A = arith.constant 0 : index
    %swap3A_25 = arith.constant 0 : index
    %swap3A_26 = vector.load %arg6[%swap3A, %swap3A_25] : memref<512x64xf32, #tpu.memory_space<vmem>>, vector<512x64xf32>
    tpu.vector_store %arg6[%swap3A, %swap3A_25], %div3A_24 {strides = array<i32>} : memref<512x64xf32, #tpu.memory_space<vmem>>, vector<512x64xf32>,
    %reduce_max3A = arith.constant dense<0xFF800000> : vector<512xf32>
    %reduce_max3A_27 = vector.multi_reduction <maximumf>, %div3A_24, %reduce_max3A [1] : vector<512x64xf32> to vector<512xf32>
    %broadcast_in_dim3A = vector.shape_cast %reduce_max3A_27 : vector<512xf32> to vector<512x1xf32>
    %add3A_28 = arith.constant 1.000000e-10 : f32
    %add3A_29 = vector.broadcast %add3A_28 : f32 to vector<512x1xf32>
    %add3A_30 = arith.addf %broadcast_in_dim3A, %add3A_29 : vector<512x1xf32>
    %div3A_31 = arith.divf %broadcast_in_dim3A, %add3A_30 : vector<512x1xf32>
    %iota3A = tpu.iota {dimensions = array<i32: 1>} : vector<512x64xi32>
    %get3A_32 = arith.constant 0 : index
    %get3A_33 = vector.load %arg5[%get3A_32] : memref<512xi32, #tpu.memory_space<vmem>>, vector<512xi32>
    %reshape3A_34 = vector.shape_cast %get3A_33 : vector<512xi32> to vector<512x1xi32>
    %eq3A_35 = vector.broadcast %reshape3A_34 : vector<512x1xi32> to vector<512x64xi32>
    %eq3A_36 = arith.cmpi eq, %iota3A, %eq3A_35 : vector<512x64xi32>
    %convert_element_type3A_37 = arith.extui %eq3A_36 : vector<512x64xi1> to vector<512x64xi32>
    %convert_element_type3A_38 = arith.sitofp %convert_element_type3A_37 : vector<512x64xi32> to vector<512x64xf32>
    %iota3A_39 = tpu.iota {dimensions = array<i32: 0>} : vector<512x512xi32>
    %iota3A_40 = tpu.iota {dimensions = array<i32: 1>} : vector<512x512xi32>
    %lt3A = arith.cmpi slt, %iota3A_40, %iota3A_39 : vector<512x512xi32>
    %convert_element_type3A_41 = arith.extui %lt3A : vector<512x512xi1> to vector<512x512xi32>
    %convert_element_type3A_42 = arith.sitofp %convert_element_type3A_41 : vector<512x512xi32> to vector<512x512xf32>
    %dot_general3A_43 = arith.constant dense<0.000000e+00> : vector<512x64xf32>
    %dot_general3A_44 = tpu.matmul %convert_element_type3A_42, %convert_element_type3A_38, %dot_general3A_43 {dimension_numbers = #tpu.dot_dimension_numbers<[1], [0], [0], [1], [0, 0, 1, 1], [], []>, transpose_lhs_hint = false} : vector<512x512xf32>, vector<512x64xf32>, vector<512x64xf32> -> vector<512x64xf32>
    %broadcast_in_dim3A_45 = arith.constant 1.000000e+00 : f32
    %broadcast_in_dim3A_46 = vector.broadcast %broadcast_in_dim3A_45 : f32 to vector<64x1xf32>
    %mul3A = arith.mulf %dot_general3A_44, %convert_element_type3A_38 : vector<512x64xf32>
    %mul3A_47 = arith.constant 3.906250e-03 : f32
    %mul3A_48 = vector.broadcast %mul3A_47 : f32 to vector<512x64xf32>
    %mul3A_49 = arith.mulf %mul3A, %mul3A_48 : vector<512x64xf32>
    %floor3A = math.floor %mul3A_49 : vector<512x64xf32>
    %mul3A_50 = arith.constant 2.560000e+02 : f32
    %mul3A_51 = vector.broadcast %mul3A_50 : f32 to vector<512x64xf32>
    %mul3A_52 = arith.mulf %floor3A, %mul3A_51 : vector<512x64xf32>
    %sub3A_53 = arith.subf %mul3A, %mul3A_52 : vector<512x64xf32>
    %dot_general3A_54 = arith.constant dense<0.000000e+00> : vector<512x1xf32>
    %dot_general3A_55 = tpu.matmul %mul3A_52, %broadcast_in_dim3A_46, %dot_general3A_54 {dimension_numbers = #tpu.dot_dimension_numbers<[1], [0], [0], [1], [0, 0, 1, 1], [], []>, transpose_lhs_hint = false} : vector<512x64xf32>, vector<64x1xf32>, vector<512x1xf32> -> vector<512x1xf32>
    %dot_general3A_56 = arith.constant dense<0.000000e+00> : vector<512x1xf32>
    %dot_general3A_57 = tpu.matmul %sub3A_53, %broadcast_in_dim3A_46, %dot_general3A_56 {dimension_numbers = #tpu.dot_dimension_numbers<[1], [0], [0], [1], [0, 0, 1, 1], [], []>, transpose_lhs_hint = false} : vector<512x64xf32>, vector<64x1xf32>, vector<512x1xf32> -> vector<512x1xf32>
    %add3A_58 = arith.addf %dot_general3A_55, %dot_general3A_57 : vector<512x1xf32>
    %get3A_59 = arith.constant 0 : index
    %get3A_60 = arith.constant 0 : index
    %get3A_61 = vector.load %arg11[%get3A_59, %get3A_60] : memref<1x64xf32, #tpu.memory_space<vmem>>, vector<1x64xf32>
    %mul3A_62 = arith.constant 3.906250e-03 : f32
    %mul3A_63 = vector.broadcast %mul3A_62 : f32 to vector<1x64xf32>
    %mul3A_64 = arith.mulf %get3A_61, %mul3A_63 : vector<1x64xf32>
    %floor3A_65 = math.floor %mul3A_64 : vector<1x64xf32>
    %mul3A_66 = arith.constant 2.560000e+02 : f32
    %mul3A_67 = vector.broadcast %mul3A_66 : f32 to vector<1x64xf32>
    %mul3A_68 = arith.mulf %floor3A_65, %mul3A_67 : vector<1x64xf32>
    %get3A_69 = arith.constant 0 : index
    %get3A_70 = arith.constant 0 : index
    %get3A_71 = vector.load %arg11[%get3A_69, %get3A_70] : memref<1x64xf32, #tpu.memory_space<vmem>>, vector<1x64xf32>
    %sub3A_72 = arith.subf %get3A_71, %mul3A_68 : vector<1x64xf32>
    %mul3A_73 = vector.broadcast %mul3A_68 : vector<1x64xf32> to vector<512x64xf32>
    %mul3A_74 = arith.mulf %convert_element_type3A_38, %mul3A_73 : vector<512x64xf32>
    %dot_general3A_75 = arith.constant dense<0.000000e+00> : vector<512x1xf32>
    %dot_general3A_76 = tpu.matmul %mul3A_74, %broadcast_in_dim3A_46, %dot_general3A_75 {dimension_numbers = #tpu.dot_dimension_numbers<[1], [0], [0], [1], [0, 0, 1, 1], [], []>, transpose_lhs_hint = false} : vector<512x64xf32>, vector<64x1xf32>, vector<512x1xf32> -> vector<512x1xf32>
    %mul3A_77 = vector.broadcast %sub3A_72 : vector<1x64xf32> to vector<512x64xf32>
    %mul3A_78 = arith.mulf %convert_element_type3A_38, %mul3A_77 : vector<512x64xf32>
    %dot_general3A_79 = arith.constant dense<0.000000e+00> : vector<512x1xf32>
    %dot_general3A_80 = tpu.matmul %mul3A_78, %broadcast_in_dim3A_46, %dot_general3A_79 {dimension_numbers = #tpu.dot_dimension_numbers<[1], [0], [0], [1], [0, 0, 1, 1], [], []>, transpose_lhs_hint = false} : vector<512x64xf32>, vector<64x1xf32>, vector<512x1xf32> -> vector<512x1xf32>
    %add3A_81 = arith.addf %dot_general3A_76, %dot_general3A_80 : vector<512x1xf32>
    %add3A_82 = arith.addf %add3A_58, %add3A_81 : vector<512x1xf32>
    %get3A_83 = arith.constant 0 : index
    %get3A_84 = arith.constant 0 : index
    %get3A_85 = vector.load %arg11[%get3A_83, %get3A_84] : memref<1x64xf32, #tpu.memory_space<vmem>>, vector<1x64xf32>
    %reduce_sum3A = arith.constant dense<0.000000e+00> : vector<64xf32>
    %reduce_sum3A_86 = vector.multi_reduction <add>, %convert_element_type3A_38, %reduce_sum3A [0] : vector<512x64xf32> to vector<64xf32>
    %broadcast_in_dim3A_87 = vector.shape_cast %reduce_sum3A_86 : vector<64xf32> to vector<1x64xf32>
    %add3A_88 = arith.addf %get3A_85, %broadcast_in_dim3A_87 : vector<1x64xf32>
    %swap3A_89 = arith.constant 0 : index
    %swap3A_90 = arith.constant 0 : index
    %swap3A_91 = vector.load %arg11[%swap3A_89, %swap3A_90] : memref<1x64xf32, #tpu.memory_space<vmem>>, vector<1x64xf32>
    tpu.vector_store %arg11[%swap3A_89, %swap3A_90], %add3A_88 {strides = array<i32>} : memref<1x64xf32, #tpu.memory_space<vmem>>, vector<1x64xf32>,
    %reshape3A_92 = vector.shape_cast %div3A_31 : vector<512x1xf32> to vector<512xf32>
    %swap3A_93 = arith.constant 0 : index
    %swap3A_94 = vector.load %arg7[%swap3A_93] : memref<512xf32, #tpu.memory_space<vmem>>, vector<512xf32>
    tpu.vector_store %arg7[%swap3A_93], %reshape3A_92 {strides = array<i32>} : memref<512xf32, #tpu.memory_space<vmem>>, vector<512xf32>,
    %convert_element_type3A_95 = arith.fptosi %add3A_82 : vector<512x1xf32> to vector<512x1xi32>
    %reshape3A_96 = vector.shape_cast %convert_element_type3A_95 : vector<512x1xi32> to vector<512xi32>
    %swap3A_97 = arith.constant 0 : index
    %swap3A_98 = vector.load %arg8[%swap3A_97] : memref<512xi32, #tpu.memory_space<vmem>>, vector<512xi32>
    tpu.vector_store %arg8[%swap3A_97], %reshape3A_96 {strides = array<i32>} : memref<512xi32, #tpu.memory_space<vmem>>, vector<512xi32>,
    %eq3A_99 = arith.constant 15 : i32
    %eq3A_100 = arith.cmpi eq, %arg0, %eq3A_99 : i32
    %convert_element_type3A_101 = arith.extui %eq3A_100 : i1 to i32
    %cond3A_102 = arith.constant 0 : i32
    %cond3A_103 = arith.cmpi ne, %convert_element_type3A_101, %cond3A_102 : i32
    scf.if %cond3A_103 {
      %get3A_104 = arith.constant 0 : index
      %get3A_105 = arith.constant 0 : index
      %get3A_106 = vector.load %arg11[%get3A_104, %get3A_105] : memref<1x64xf32, #tpu.memory_space<vmem>>, vector<1x64xf32>
      %add3A_107 = arith.constant 1.270000e+02 : f32
      %add3A_108 = vector.broadcast %add3A_107 : f32 to vector<1x64xf32>
      %add3A_109 = arith.addf %get3A_106, %add3A_108 : vector<1x64xf32>
      %div3A_110 = arith.constant 1.280000e+02 : f32
      %div3A_111 = vector.broadcast %div3A_110 : f32 to vector<1x64xf32>
      %div3A_112 = arith.divf %add3A_109, %div3A_111 : vector<1x64xf32>
      %floor3A_113 = math.floor %div3A_112 : vector<1x64xf32>
      %mul3A_114 = arith.constant 1.280000e+02 : f32
      %mul3A_115 = vector.broadcast %mul3A_114 : f32 to vector<1x64xf32>
      %mul3A_116 = arith.mulf %floor3A_113, %mul3A_115 : vector<1x64xf32>
      %iota3A_117 = tpu.iota {dimensions = array<i32: 0>} : vector<64x64xi32>
      %iota3A_118 = tpu.iota {dimensions = array<i32: 1>} : vector<64x64xi32>
      %lt3A_119 = arith.cmpi slt, %iota3A_117, %iota3A_118 : vector<64x64xi32>
      %convert_element_type3A_120 = arith.extui %lt3A_119 : vector<64x64xi1> to vector<64x64xi32>
      %convert_element_type3A_121 = arith.sitofp %convert_element_type3A_120 : vector<64x64xi32> to vector<64x64xf32>
      %dot_general3A_122 = arith.constant dense<0.000000e+00> : vector<1x64xf32>
      %dot_general3A_123 = tpu.matmul %mul3A_116, %convert_element_type3A_121, %dot_general3A_122 {dimension_numbers = #tpu.dot_dimension_numbers<[1], [0], [0], [1], [0, 0, 1, 1], [], []>, transpose_lhs_hint = false} : vector<1x64xf32>, vector<64x64xf32>, vector<1x64xf32> -> vector<1x64xf32>
      %convert_element_type3A_124 = arith.fptosi %dot_general3A_123 : vector<1x64xf32> to vector<1x64xi32>
      %reshape3A_125 = vector.shape_cast %convert_element_type3A_124 : vector<1x64xi32> to vector<64xi32>
      %swap3A_126 = arith.constant 0 : index
      %swap3A_127 = vector.load %arg9[%swap3A_126] : memref<64xi32, #tpu.memory_space<vmem>>, vector<64xi32>
      tpu.vector_store %arg9[%swap3A_126], %reshape3A_125 {strides = array<i32>} : memref<64xi32, #tpu.memory_space<vmem>>, vector<64xi32>,
      %iota3A_128 = tpu.iota {dimensions = array<i32: 0>} : vector<128x64xi32>
      %mul3A_129 = arith.constant 128 : i32
      %mul3A_130 = vector.broadcast %mul3A_129 : i32 to vector<128x64xi32>
      %mul3A_131 = arith.muli %iota3A_128, %mul3A_130 : vector<128x64xi32>
      %le3A = vector.broadcast %convert_element_type3A_124 : vector<1x64xi32> to vector<128x64xi32>
      %le3A_132 = arith.cmpi sle, %le3A, %mul3A_131 : vector<128x64xi32>
      %convert_element_type3A_133 = arith.extui %le3A_132 : vector<128x64xi1> to vector<128x64xi32>
      %reduce_sum3A_134 = arith.constant dense<0> : vector<128xi32>
      %reduce_sum3A_135 = vector.multi_reduction <add>, %convert_element_type3A_133, %reduce_sum3A_134 [1] : vector<128x64xi32> to vector<128xi32>
      %sub3A_136 = arith.constant 1 : i32
      %sub3A_137 = vector.broadcast %sub3A_136 : i32 to vector<128xi32>
      %sub3A_138 = arith.subi %reduce_sum3A_135, %sub3A_137 : vector<128xi32>
      %reduce_sum3A_139 = vector.shape_cast %mul3A_116 : vector<1x64xf32> to vector<1x1x64xf32>
      %reduce_sum3A_140 = arith.constant dense<0.000000e+00> : vector<1xf32>
      %reduce_sum3A_141 = vector.multi_reduction <add>, %reduce_sum3A_139, %reduce_sum3A_140 [1, 2] : vector<1x1x64xf32> to vector<1xf32>
      %reduce_sum3A_142 = vector.shape_cast %reduce_sum3A_141 : vector<1xf32> to vector<1x1x1xf32>
      %reduce_sum3A_143 = vector.extract %reduce_sum3A_142[0, 0, 0] : f32 from vector<1x1x1xf32>
      %div3A_144 = arith.constant 1.280000e+02 : f32
      %div3A_145 = arith.divf %reduce_sum3A_143, %div3A_144 : f32
      %convert_element_type3A_146 = arith.fptosi %div3A_145 : f32 to i32
      %broadcast_in_dim3A_147 = vector.broadcast %convert_element_type3A_146 : i32 to vector<8xi32>
      %concatenate3A = tpu.concatenate %sub3A_138, %broadcast_in_dim3A_147 in 0 : vector<128xi32>, vector<8xi32> -> vector<136xi32>
      %swap3A_148 = arith.constant 0 : index
      %swap3A_149 = vector.load %arg10[%swap3A_148] : memref<136xi32, #tpu.memory_space<vmem>>, vector<136xi32>
      tpu.vector_store %arg10[%swap3A_148], %concatenate3A {strides = array<i32>} : memref<136xi32, #tpu.memory_space<vmem>>, vector<136xi32>,
    } else {
    }
    return
  }
  func.func @transform_0(%arg0: i32) -> (i32, i32) {
    %c0_i32 = arith.constant 0 : i32
    %c0_i32_0 = arith.constant 0 : i32
    return %arg0, %c0_i32 : i32, i32
  }
  func.func @transform_1(%arg0: i32) -> (i32, i32) {
    %c0_i32 = arith.constant 0 : i32
    %c0_i32_0 = arith.constant 0 : i32
    %c0_i32_1 = arith.constant 0 : i32
    return %c0_i32, %c0_i32_0 : i32, i32
  }
  func.func @transform_2(%arg0: i32) -> i32 {
    %c0_i32 = arith.constant 0 : i32
    %c0_i32_0 = arith.constant 0 : i32
    return %c0_i32 : i32
  }
  func.func @transform_3(%arg0: i32) -> (i32, i32) {
    %c0_i32 = arith.constant 0 : i32
    %c0_i32_0 = arith.constant 0 : i32
    %c0_i32_1 = arith.constant 0 : i32
    return %c0_i32, %c0_i32_0 : i32, i32
  }
  func.func @transform_4(%arg0: i32) -> i32 {
    %c0_i32 = arith.constant 0 : i32
    return %arg0 : i32
  }
  func.func @transform_5(%arg0: i32) -> (i32, i32) {
    %c0_i32 = arith.constant 0 : i32
    %c0_i32_0 = arith.constant 0 : i32
    return %arg0, %c0_i32 : i32, i32
  }
  func.func @transform_6(%arg0: i32) -> i32 {
    %c0_i32 = arith.constant 0 : i32
    return %arg0 : i32
  }
  func.func @transform_7(%arg0: i32) -> i32 {
    %c0_i32 = arith.constant 0 : i32
    return %arg0 : i32
  }
  func.func @transform_8(%arg0: i32) -> i32 {
    %c0_i32 = arith.constant 0 : i32
    %c0_i32_0 = arith.constant 0 : i32
    return %c0_i32 : i32
  }
  func.func @transform_9(%arg0: i32) -> i32 {
    %c0_i32 = arith.constant 0 : i32
    %c0_i32_0 = arith.constant 0 : i32
    return %c0_i32 : i32
  }
}

module attributes {stable_mosaic.version = 14 : i64} {
  func.func @_expert_body(%arg0: i32, %arg1: memref<136xi32, #tpu.memory_space<smem>>, %arg2: memref<128x768xf32, #tpu.memory_space<vmem>>, %arg3: memref<1x768x768xf32, #tpu.memory_space<vmem>>, %arg4: memref<1x1x768xf32, #tpu.memory_space<vmem>>, %arg5: memref<1x768x768xf32, #tpu.memory_space<vmem>>, %arg6: memref<1x1x768xf32, #tpu.memory_space<vmem>>, %arg7: memref<128x768xf32, #tpu.memory_space<vmem>>) attributes {dimension_semantics = [#tpu.dimension_semantics<arbitrary>], iteration_bounds = array<i64: 128>, scalar_prefetch = 1 : i64, scratch_operands = 0 : i64, tpu.core_type = #tpu.core_type<tc>, window_params = [{transform_indices = @transform_0, window_bounds = array<i64: 128, 768>}, {transform_indices = @transform_1, window_bounds = array<i64: 1, 768, 768>}, {transform_indices = @transform_2, window_bounds = array<i64: 1, 1, 768>}, {transform_indices = @transform_3, window_bounds = array<i64: 1, 768, 768>}, {transform_indices = @transform_4, window_bounds = array<i64: 1, 1, 768>}, {transform_indices = @transform_5, window_bounds = array<i64: 128, 768>}]} {
    %get3A = arith.constant 128 : index
    %get3A_0 = memref.load %arg1[%get3A] : memref<136xi32, #tpu.memory_space<smem>>
    %lt3A = arith.cmpi slt, %arg0, %get3A_0 : i32
    %convert_element_type3A = arith.extui %lt3A : i1 to i32
    %cond3A = arith.constant 0 : i32
    %cond3A_1 = arith.cmpi ne, %convert_element_type3A, %cond3A : i32
    scf.if %cond3A_1 {
      %get3A_2 = arith.constant 0 : index
      %get3A_3 = arith.constant 0 : index
      %get3A_4 = vector.load %arg2[%get3A_2, %get3A_3] : memref<128x768xf32, #tpu.memory_space<vmem>>, vector<128x768xf32>
      %get3A_5 = arith.constant 0 : index
      %get3A_6 = arith.constant 0 : index
      %get3A_7 = arith.constant 0 : index
      %get3A_8 = vector.load %arg3[%get3A_5, %get3A_6, %get3A_7] : memref<1x768x768xf32, #tpu.memory_space<vmem>>, vector<1x768x768xf32>
      %get3A_9 = vector.shape_cast %get3A_8 : vector<1x768x768xf32> to vector<768x768xf32>
      %dot_general3A = arith.constant dense<0.000000e+00> : vector<128x768xf32>
      %dot_general3A_10 = tpu.matmul %get3A_4, %get3A_9, %dot_general3A {dimension_numbers = #tpu.dot_dimension_numbers<[1], [0], [0], [1], [0, 0, 1, 1], [], []>, transpose_lhs_hint = false} : vector<128x768xf32>, vector<768x768xf32>, vector<128x768xf32> -> vector<128x768xf32>
      %get3A_11 = arith.constant 0 : index
      %get3A_12 = arith.constant 0 : index
      %get3A_13 = arith.constant 0 : index
      %get3A_14 = vector.load %arg4[%get3A_11, %get3A_12, %get3A_13] : memref<1x1x768xf32, #tpu.memory_space<vmem>>, vector<1x1x768xf32>
      %get3A_15 = vector.shape_cast %get3A_14 : vector<1x1x768xf32> to vector<1x768xf32>
      %add3A = vector.broadcast %get3A_15 : vector<1x768xf32> to vector<128x768xf32>
      %add3A_16 = arith.addf %dot_general3A_10, %add3A : vector<128x768xf32>
      %max3A = arith.constant 0.000000e+00 : f32
      %max3A_17 = vector.broadcast %max3A : f32 to vector<128x768xf32>
      %max3A_18 = arith.maximumf %add3A_16, %max3A_17 : vector<128x768xf32>
      %get3A_19 = arith.constant 0 : index
      %get3A_20 = arith.constant 0 : index
      %get3A_21 = arith.constant 0 : index
      %get3A_22 = vector.load %arg5[%get3A_19, %get3A_20, %get3A_21] : memref<1x768x768xf32, #tpu.memory_space<vmem>>, vector<1x768x768xf32>
      %get3A_23 = vector.shape_cast %get3A_22 : vector<1x768x768xf32> to vector<768x768xf32>
      %dot_general3A_24 = arith.constant dense<0.000000e+00> : vector<128x768xf32>
      %dot_general3A_25 = tpu.matmul %max3A_18, %get3A_23, %dot_general3A_24 {dimension_numbers = #tpu.dot_dimension_numbers<[1], [0], [0], [1], [0, 0, 1, 1], [], []>, transpose_lhs_hint = false} : vector<128x768xf32>, vector<768x768xf32>, vector<128x768xf32> -> vector<128x768xf32>
      %get3A_26 = arith.constant 0 : index
      %get3A_27 = arith.constant 0 : index
      %get3A_28 = arith.constant 0 : index
      %get3A_29 = vector.load %arg6[%get3A_26, %get3A_27, %get3A_28] : memref<1x1x768xf32, #tpu.memory_space<vmem>>, vector<1x1x768xf32>
      %get3A_30 = vector.shape_cast %get3A_29 : vector<1x1x768xf32> to vector<1x768xf32>
      %add3A_31 = vector.broadcast %get3A_30 : vector<1x768xf32> to vector<128x768xf32>
      %add3A_32 = arith.addf %dot_general3A_25, %add3A_31 : vector<128x768xf32>
      %swap3A = arith.constant 0 : index
      %swap3A_33 = arith.constant 0 : index
      %swap3A_34 = vector.load %arg7[%swap3A, %swap3A_33] : memref<128x768xf32, #tpu.memory_space<vmem>>, vector<128x768xf32>
      tpu.vector_store %arg7[%swap3A, %swap3A_33], %add3A_32 {strides = array<i32>} : memref<128x768xf32, #tpu.memory_space<vmem>>, vector<128x768xf32>,
    } else {
    }
    return
  }
  func.func @transform_0(%arg0: i32, %arg1: memref<136xi32, #tpu.memory_space<smem>>) -> (i32, i32) {
    %c0_i32 = arith.constant 0 : i32
    %c0_i32_0 = arith.constant 0 : i32
    return %arg0, %c0_i32 : i32, i32
  }
  func.func @transform_1(%arg0: i32, %arg1: memref<136xi32, #tpu.memory_space<smem>>) -> (i32, i32, i32) {
    %get3A = arith.index_cast %arg0 : i32 to index
    %get3A_0 = memref.load %arg1[%get3A] : memref<136xi32, #tpu.memory_space<smem>>
    %c0_i32 = arith.constant 0 : i32
    %c0_i32_1 = arith.constant 0 : i32
    %c0_i32_2 = arith.constant 0 : i32
    return %get3A_0, %c0_i32, %c0_i32_1 : i32, i32, i32
  }
  func.func @transform_2(%arg0: i32, %arg1: memref<136xi32, #tpu.memory_space<smem>>) -> (i32, i32, i32) {
    %get3A = arith.index_cast %arg0 : i32 to index
    %get3A_0 = memref.load %arg1[%get3A] : memref<136xi32, #tpu.memory_space<smem>>
    %c0_i32 = arith.constant 0 : i32
    %c0_i32_1 = arith.constant 0 : i32
    %c0_i32_2 = arith.constant 0 : i32
    return %get3A_0, %c0_i32, %c0_i32_1 : i32, i32, i32
  }
  func.func @transform_3(%arg0: i32, %arg1: memref<136xi32, #tpu.memory_space<smem>>) -> (i32, i32, i32) {
    %get3A = arith.index_cast %arg0 : i32 to index
    %get3A_0 = memref.load %arg1[%get3A] : memref<136xi32, #tpu.memory_space<smem>>
    %c0_i32 = arith.constant 0 : i32
    %c0_i32_1 = arith.constant 0 : i32
    %c0_i32_2 = arith.constant 0 : i32
    return %get3A_0, %c0_i32, %c0_i32_1 : i32, i32, i32
  }
  func.func @transform_4(%arg0: i32, %arg1: memref<136xi32, #tpu.memory_space<smem>>) -> (i32, i32, i32) {
    %get3A = arith.index_cast %arg0 : i32 to index
    %get3A_0 = memref.load %arg1[%get3A] : memref<136xi32, #tpu.memory_space<smem>>
    %c0_i32 = arith.constant 0 : i32
    %c0_i32_1 = arith.constant 0 : i32
    %c0_i32_2 = arith.constant 0 : i32
    return %get3A_0, %c0_i32, %c0_i32_1 : i32, i32, i32
  }
  func.func @transform_5(%arg0: i32, %arg1: memref<136xi32, #tpu.memory_space<smem>>) -> (i32, i32) {
    %c0_i32 = arith.constant 0 : i32
    %c0_i32_0 = arith.constant 0 : i32
    return %arg0, %c0_i32 : i32, i32
  }
}

</mosaic_0001>

<sc_bundles>
// kernel: kernel.6.cloned.1.call-start
scs
__scs_entry_jumppad:
0x0: {  	(pc) =	sbr.rel $0x88, $3  }
0x1: {  	(tag) =	ssettag $0x0;
	lr =	simm.s32 $0x1  }
0x2: {  	[smem:$0x3F99] =	sst lr;
	_ =	strace $0xD0000000  }
0x3: {  	_ = 	snop  }
0x4: {  	_ = 	snop  }
0x5: {  	_ = 	snop  }
0x6: {  	_ = 	snop  }
0x7: {  	_ = 	snop  }
__scs_overlays_trampoline_lowered:
0x8: {  	[smem:$0x3FA8] =	sst s0  }
0x9: {  	[smem:$0x3FA9] =	sst s1  }
0xa: {  	[smem:$0x3FAA] =	sst s2  }
0xb: {  	[smem:$0x3FAB] =	sst s3  }
0xc: {  	[smem:$0x3FAC] =	sst s4  }
0xd: {  	[smem:$0x3FAD] =	sst s5  }
0xe: {  	[smem:$0x3FAE] =	sst s6  }
0xf: {  	[smem:$0x3FAF] =	sst s7  }
0x10: {  	[smem:$0x3FB0] =	sst s8  }
0x11: {  	[smem:$0x3FB1] =	sst s9;
	s0 =	simm.s32 @!p0 $0x0  }
0x12: {  	s1 =	sld [smem:$0x3F97];
	s0 =	simm.s32 @p0 $0x1  }
0x13: {  	[smem:$0x3FB2] =	sst s0;
	s0 =	simm.s32 @!p1 $0x0  }
0x14: {  	s2 =	sld [smem:$0x3F96];
	s0 =	simm.s32 @p1 $0x1  }
0x15: {  	[smem:$0x3FB3] =	sst s0;
	s0 =	simm.s32 @!p2 $0x0  }
0x16: {  	s3 =	sld [smem:$0x3FDB];
	s0 =	simm.s32 @p2 $0x1  }
0x17: {  	s4 =	simm.s32 $0x1BF5;
	[smem:$0x3FB5] =	sst s0  }
0x18: {  	s0 =	sld [smem:$0x3F98];
	_ =	swait.ge [sflag:s4], $0x0  }
0x19: {  	s7 =	sld [smem:$0x3F99]  }
0x1a: {  	s8 =	sadd.s32 $0xFFFFE003, lr  }
0x1b: {  	s9 =	sadd.s32 $0xFFFFFEF7, lr;
	s5 =	simm.s32 $0xFFFFFFFF;
	p2 =	slt.u32 s8, $0xFFFFF086  }
0x1c: {  	p1 =	slt.u32 s9, $0xF7A;
	s5 =	simm.s32 @!p2 $0x0  }
0x1d: {  	s5 =	simm.s32 @p1 $0x1;
	p0 =	seq.s32 s7, s2  }
0x1e: {  	s7 =	smul.u32 @!p0 $0xF7A, s2;
	p2 =	seq.s32 @!p0 s5, $0x0  }
0x1f: {  	s9 =	smul.u32 $0xF7A, s1;
	s8 =	simm.s32 @!p0 $0x1BF5;
	p2 =	por !p2, p0  }
0x20: {  	[sflag:s8] =	ssyncset.s32 @!p0 $0xFFFFF086;
	s6 =	sadd.s32 @!p0 s3, s7;
	s7 =	simm.s32 @!p0 $0x108  }
0x21: {  	s3 =	sadd.s32 s3, s9;
	s6 =	sadd.s32 @!p0 $0x88, s6;
	s7 =	simm.s32 @p2 $0x1082  }
0x22: {  	[simem:s7], [sflag:s8] =	dma.local @!p0 [hbm:s6], $0xF7A  }
0x23: {  	s9 =	sor.u32 $0xD0000000, s2;
	s6 =	simm.s32 $0x108;
	_ =	swait.ge @!p0 [sflag:s8], $0x0  }
0x24: {  	s3 =	sadd.s32 $0x88, s3;
	s6 =	simm.s32 @!p1 $0x1082;
	[sflag:s4] =	ssyncset.s32 $0xFFFFF086  }
0x25: {  	[simem:s6], [sflag:s4] =	dma.local [hbm:s3], $0xF7A  }
0x26: {  	[smem:$0x3F99] =	sst s1;
	(tag) =	ssettag s2;
	_ =	strace s9  }
0x27: {  	s1 =	sld [smem:$0x3FA9]  }
0x28: {  	s2 =	sld [smem:$0x3FAA]  }
0x29: {  	s4 =	sld [smem:$0x3FAC]  }
0x2a: {  	p0 =	seq.s32 s5, $0x0;
	s5 =	sld [smem:$0x3FAD]  }
0x2b: {  	s6 =	sld [smem:$0x3FAE]  }
0x2c: {  	s7 =	sld [smem:$0x3FAF]  }
0x2d: {  	s3 =	simm.s32 $0x108;
	s8 =	sld [smem:$0x3FB0]  }
0x2e: {  	s3 =	simm.s32 @!p0 $0x1082;
	s9 =	sld [smem:$0x3FB1]  }
0x2f: {  	lr =	sadd.s32 s0, s3;
	s0 =	sld [smem:$0x3FA8]  }
0x30: {  	s3 =	sld [smem:$0x3FAB]  }
0x31: {  	[smem:$0x3FB4] =	sst s10  }
0x32: {  	s10 =	sld [smem:$0x3FB2];
	_ =	sdelay $0x3  }
0x33: {  	p0 =	seq.s32 s10, $0x1;
	s10 =	sld [smem:$0x3FB4];
	_ =	sdelay $0x3  }
0x34: {  	[smem:$0x3FB4] =	sst s10  }
0x35: {  	s10 =	sld [smem:$0x3FB3];
	_ =	sdelay $0x3  }
0x36: {  	p1 =	seq.s32 s10, $0x1;
	s10 =	sld [smem:$0x3FB4];
	_ =	sdelay $0x3  }
0x37: {  	[smem:$0x3FB4] =	sst s10  }
0x38: {  	s10 =	sld [smem:$0x3FB5]  }
0x39: {  	_ = 	snop;
	(pc) =	sbr.ind lr, $3  }
0x3a: {  	_ = 	snop  }
0x3b: {  	_ = 	snop  }
0x3c: {  	p2 =	seq.s32 s10, $0x1;
	s10 =	sld [smem:$0x3FB4]  }
0x3d: {  	_ =	shalt  }
0x3e: {  	_ =	shalt  }
0x3f: {  	_ =	shalt  }
0x40: {  	_ =	shalt  }
0x41: {  	_ =	shalt  }
0x42: {  	_ =	shalt  }
0x43: {  	_ =	shalt  }
0x44: {  	_ =	shalt  }
0x45: {  	_ =	shalt  }
0x46: {  	_ =	shalt  }
0x47: {  	_ =	shalt  }
0x48: {  	_ =	shalt  }
0x49: {  	_ =	shalt  }
0x4a: {  	_ =	shalt  }
0x4b: {  	_ =	shalt  }
0x4c: {  	_ =	shalt  }
0x4d: {  	_ =	shalt  }
0x4e: {  	_ =	shalt  }
0x4f: {  	_ =	shalt  }
0x50: {  	_ =	shalt  }
0x51: {  	_ =	shalt  }
0x52: {  	_ =	shalt  }
0x53: {  	_ =	shalt  }
0x54: {  	_ =	shalt  }
0x55: {  	_ =	shalt  }
0x56: {  	_ =	shalt  }
0x57: {  	_ =	shalt  }
0x58: {  	_ =	shalt  }
0x59: {  	_ =	shalt  }
0x5a: {  	_ =	shalt  }
0x5b: {  	_ =	shalt  }
0x5c: {  	_ =	shalt  }
0x5d: {  	_ =	shalt  }
0x5e: {  	_ =	shalt  }
0x5f: {  	_ =	shalt  }
0x60: {  	_ =	shalt  }
0x61: {  	_ =	shalt  }
0x62: {  	_ =	shalt  }
0x63: {  	_ =	shalt  }
0x64: {  	_ =	shalt  }
0x65: {  	_ =	shalt  }
0x66: {  	_ =	shalt  }
0x67: {  	_ =	shalt  }
0x68: {  	_ =	shalt  }
0x69: {  	_ =	shalt  }
0x6a: {  	_ =	shalt  }
0x6b: {  	_ =	shalt  }
0x6c: {  	_ =	shalt  }
0x6d: {  	_ =	shalt  }
0x6e: {  	_ =	shalt  }
0x6f: {  	_ =	shalt  }
0x70: {  	_ =	shalt  }
0x71: {  	_ =	shalt  }
0x72: {  	_ =	shalt  }
0x73: {  	_ =	shalt  }
0x74: {  	_ =	shalt  }
0x75: {  	_ =	shalt  }
0x76: {  	_ =	shalt  }
0x77: {  	_ =	shalt  }
0x78: {  	_ =	shalt  }
0x79: {  	_ =	shalt  }
0x7a: {  	_ =	shalt  }
0x7b: {  	_ =	shalt  }
0x7c: {  	_ =	shalt  }
0x7d: {  	_ =	shalt  }
0x7e: {  	_ =	shalt  }
0x7f: {  	_ =	shalt  }
0x80: {  	_ =	shalt  }
0x81: {  	_ =	shalt  }
0x82: {  	_ =	shalt  }
0x83: {  	_ =	shalt  }
0x84: {  	_ =	shalt  }
0x85: {  	_ =	shalt  }
0x86: {  	_ =	shalt  }
0x87: {  	_ =	shalt  }
.Lfunc_end0:
.L_simem_size_0:
called_computation_lowered:
.L_overlay_start_0:
0x88: {  	s2 =	sld [smem:$0x3FD9]  }
0x89: {  	s3 =	sld [smem:$0x3FFE];
	_ =	sdelay $0x1  }
0x8a: {  	s1 =	srdreg.scid  }
0x8b: {  	s0 =	sand.u32 $0x1, s1  }
0x8c: {  	s14 =	sshll.u32 s0, $0xA;
	s2 =	sadd.s32 s3, s2  }
0x8d: {  	s2 =	sadd.s32 s2, s14  }
0x8e: {  	[smem:$0x3FC0] =	sst s2  }
0x8f: {  	_ = 	snop  }
0x90: {  	s2 =	sld [smem:$0x3FD0];
	_ =	sdelay $0x2  }
0x91: {  	s4 =	simm.s32 $0xA;
	s5 =	simm.s32 $0x10;
	s15 =	sld [smem:$0x3FC9]  }
0x92: {  	[smem:s5], [sflag:s4] =	dma.local [hbm:s2], $0x1  }
0x93: {  	_ =	swait.eq [sflag:s4], $0x1  }
0x94: {  	s16 =	sld [smem:$0x10];
	[sflag:s4] =	ssyncset.done $0x0  }
0x95: {  	s17 =	sld [smem:$0x11];
	[sflag:s4] =	ssyncadd.s32 $0xFFFFFFFF  }
0x96: {  	s18 =	sld [smem:$0x12];
	(tm) =	ssettm $0x1  }
0x97: {  	s6 =	sld [smem:$0x3FFB];
	_ =	sdelay $0x3  }
0x98: {  	_ =	strace s6  }
0x99: {  	s6 =	sld [smem:$0x3FFC];
	_ =	sdelay $0x3  }
0x9a: {  	_ =	strace s6  }
0x9b: {  	s6 =	sld [smem:$0x3FFD];
	_ =	sdelay $0x3  }
0x9c: {  	_ =	strace s6  }
0x9d: {  	_ =	strace $0x8FFFFFFF  }
0x9e: {  	s19 =	sld [smem:$0x3FDB];
	_ =	sdelay $0x1  }
0x9f: {  	s7 =	simm.s32 $_scs_section_size  }
0xa0: {  	s8 =	simm.s32 $_size__tile_overlayer_lowered;
	s9 =	simm.s32 $_tile_overlayer_lowered  }
0xa1: {  	s22 =	simm.s32 $0x1BFF;
	s21 =	sshll.u32 s9, $0x1;
	s6 =	sadd.s32 s7, s19  }
0xa2: {  	s10 =	simm.s32 $0x0;
	s20 =	sshll.u32 s8, $0x1;
	s8 =	sadd.s32 s21, s6  }
0xa3: {  	[timem:s10], [sflag:s22] =	dma.local [hbm:s8], s20  }
0xa4: {  	_ =	swait.ge [sflag:s22], s20  }
0xa5: {  	s7 =	ssub.s32 $0x0, s20;
	[sflag:s22] =	ssyncset.done $0x0  }
0xa6: {  	[sflag:s22] =	ssyncadd.s32 s7;
	_ =	sdelay $0x1  }
0xa7: {  	s23 =	simm.s32 $0x1B8B  }
0xa8: {  	_ =	swait.ge [sflag:s23], $0x1  }
0xa9: {  	[sflag:s23] =	ssyncset.done $0x0  }
0xaa: {  	s25 =	simm.s32 $0x1B8E;
	s24 =	sld [smem:$0x3FFE];
	[sflag:s23] =	ssyncadd.s32 $0xFFFFFFFF  }
0xab: {  	s26 =	simm.s32 $execute0_lowered;
	[smem:$0x3FD2] =	sst s25  }
0xac: {  	s8 =	sshll.u32 s26, $0x1;
	_ =	strace $0x80000046;
	[dreg:$0x1] =	wrdreg $0xFFFFFFFF  }
0xad: {  	s28 =	simm.s32 $_size_execute0_lowered;
	s6 =	sadd.s32 s6, s8;
	[dreg:$0x0] =	wrdreg $0x0  }
0xae: {  	s8 =	sshll.u32 s28, $0x1;
	[dreg:$0x2] =	wrdreg s6  }
0xaf: {  	[dreg:$0x3] =	wrdreg s8  }
0xb0: {  	[dreg:$0x4] =	wrdreg $0xC0  }
0xb1: {  	_ =	task [dreg:s10], $0x5FFFF  }
0xb2: {  	[dreg:$0x1] =	wrdreg $0xFFFFFFFF  }
0xb3: {  	[dreg:$0x0] =	wrdreg $0x60  }
0xb4: {  	[dreg:$0x2] =	wrdreg s15  }
0xb5: {  	[dreg:$0x3] =	wrdreg s18  }
0xb6: {  	[dreg:$0x4] =	wrdreg s16  }
0xb7: {  	[dreg:$0x5] =	wrdreg s17  }
0xb8: {  	[dreg:$0x6] =	wrdreg s24  }
0xb9: {  	[dreg:$0x7] =	wrdreg $0x9  }
0xba: {  	_ =	task.clear_ibuf [dreg:s10], $0x8FFFF;
	_ =	strace $0x90000046  }
0xbb: {  	s29 =	simm.s32 $0x9;
	_ =	strace $0x80000048  }
0xbc: {  	_ =	swait.ge [sflag:s29], $0x1  }
0xbd: {  	[sflag:s29] =	ssyncadd.s32 $0xFFFFFFFF  }
0xbe: {  	_ =	strace $0x90000048  }
0xbf: {  	_ =	sfence  }
0xc0: {  	s30 =	sld [smem:$0x0];
	_ =	sdelay $0x2  }
0xc1: {  	s31 =	sshll.u32 s1, $0xD;
	s1 =	sshrl.u32 s1, $0x2  }
0xc2: {  	s3 =	sand.u32 $0x4000, s31;
	s1 =	sadd.s32 s1, s30  }
0xc3: {  	s0 =	sor.u32 s3, s0;
	s1 =	sshll.u32 s1, $0x11  }
0xc4: {  	s0 =	sor.u32 s1, s0  }
0xc5: {  	s0 =	sadd.s32 $0x8F2B, s0  }
0xc6: {  	[sflag:s0] =	ssyncadd.remote.s32 $0x1  }
0xc7: {  	_ =	sfence.sel $0xFFFF  }
0xc8: {  	[dreg:$0x0] =	wrdreg $0xFFFFFFFF;
	(pc) =	sbr.abs _section_cstart, $3  }
0xc9: {  	[dreg:$0x1] =	wrdreg $0xFFFFFFFF  }
0xca: {  	_ =	task.clear_ibuf [dreg:s10], $0x2FFFF;
	_ =	strace $0x9FFFFFFF  }
0xcb: {  	(tm) =	ssettm $0x7FFFFFFF  }
tec
execute0_lowered:
.L_overlay_start_1:
0x0: {  	(tag) =	ssettag $0x1  }
0x1: {  	s0 =	rddreg [dreg:$0x0]  }
0x2: {  	s1 =	rddreg [dreg:$0x1]  }
0x3: {  	s4 =	rddreg [dreg:$0x2];
	s2 =	srdreg.scid  }
0x4: {  	s3 =	rddreg [dreg:$0x3];
	s6 =	stileid.u32  }
0x5: {  	s19 =	rddreg [dreg:$0x4];
	s13 =	simm.s32 $0x18000;
	s14 =	simm.s32 $0x18080  }
0x6: {  	s15 =	simm.s32 $0x800;
	s16 =	simm.s32 $0x1000;
	s28 =	simm.s32 $0x6800  }
0x7: {  	s29 =	simm.s32 $0x7000;
	s30 =	simm.s32 $0x7800;
	s31 =	simm.s32 $0x8000  }
0x8: {  	s11 =	simm.s32 $0xA000;
	s5 =	sand.u32 $0x1, s2;
	[dreg:$0x6] =	wrdreg s3  }
0x9: {  	s17 =	sshll.u32 s6, $0x6;
	s2 =	simm.s32 $0x0;
	s8 =	sadd.s32 $0x1A0400, s19  }
0xa: {  	s18 =	sshll.u32 s5, $0x5;
	[smem:$0x7FF] =	sst s2;
	s5 =	ssub.s32 $0x2, s5  }
0xb: {  	s3 =	sor.u32 s18, s17;
	_ =	strace $0x80000047;
	s24 =	sshrl.u32 s5, $0x1  }
0xc: {  	s17 =	simm.s32 $0x1800;
	s18 =	simm.s32 $0x2000;
	s20 =	sadd.s32 s1, s3  }
0xd: {  	s7 =	smul.u32 $0x300, s3;
	s21 =	sadd.s32 s4, s3;
	[dreg:$0x8] =	wrdreg s20  }
0xe: {  	s9 =	sor.u32 $0x10, s3;
	s22 =	sadd.s32 s8, s3;
	[dreg:$0x9] =	wrdreg s21  }
0xf: {  	s3 =	sadd.s32 $0x20400, s19;
	s10 =	smul.u32 $0x300, s9;
	[dreg:$0xa] =	wrdreg s22  }
0x10: {  	s23 =	sadd.s32 s1, s9;
	s25 =	sadd.s32 s4, s9;
	s1 =	ssub.s32 s5, s24  }
0x11: {  	s26 =	sadd.s32 s8, s9;
	s4 =	sadd.s32 $0x20500, s19;
	s5 =	sadd.s32 $0x20600, s19  }
0x12: {  	s8 =	simm.s32 $0x2;
	s19 =	simm.s32 $0x2800;
	s20 =	simm.s32 $0x3000  }
0x13: {  	s21 =	simm.s32 $0x3800;
	s22 =	simm.s32 $0x4000;
	[dreg:$0xc] =	wrdreg s23  }
0x14: {  	s24 =	simm.s32 $0x5000;
	s9 =	simm.s32 $0x9800;
	[dreg:$0xd] =	wrdreg s25  }
0x15: {  	s7 =	sadd.s32 s0, s7;
	[dreg:$0xe] =	wrdreg s26;
	s6 =	smax.u32 s1, $0x1  }
0x16: {  	v2 =	vlaneseq.u32;
	s23 =	simm.s32 $0x4800;
	s25 =	simm.s32 $0x5800;
	s26 =	simm.s32 $0x6000  }
0x17: {  	vm0 =	vmmov $0xffff;
	v1 =	vshrl.u32 v2, $0x3;
	s1 =	simm.s32 $0x8800;
	[dreg:$0x7] =	wrdreg s7;
	s0 =	sadd.s32 s0, s10  }
0x18: {  	v0 =	vand.u32 $0x7, v2;
	v2 =	vor.u32 $0x8, v2;
	v1 =	vmul.u32 $0x8, v1;
	s7 =	simm.s32 $0x18100;
	s10 =	simm.s32 $0x1;
	[dreg:$0xb] =	wrdreg s0  }
.LBB2_1:
0x19: {  	s12 =	rddreg [dreg:$0x6]  }
0x1a: {  	[tilespmem:s7], [sflag:$0x2] =	stream.linear.gather [hbm4b:s12+s2], $0x80, $0x38;
	[tilespmem:$0x18200] =	vst v63  }
0x1b: {  	_ =	swait.ge [sflag:s8], $0x80  }
0x1c: {  	[sflag:s8] =	ssyncset.done $0x0  }
0x1d: {  	s0 =	rddreg [dreg:$0x7];
	[sflag:s8] =	ssyncadd.s32 $0xFFFFFF80  }
0x1e: {  	[tilespmem:s2], [sflag:$0x2] =	stream.linear.gather [hbm4b:s0+s2], $0x18000, $0x38;
	[tilespmem:$0x18200] =	vst v63  }
0x1f: {  	_ =	swait.ge [sflag:s8], $0x18000  }
0x20: {  	[sflag:s8] =	ssyncset.done $0x0  }
0x21: {  	s0 =	rddreg [dreg:$0x8];
	[sflag:s8] =	ssyncadd.s32 $0xFFFE8000  }
0x22: {  	[tilespmem:s13], [sflag:$0x2] =	stream.linear.gather [hbm4b:s0+s2], $0x80, $0x38;
	[tilespmem:$0x18200] =	vst v63  }
0x23: {  	_ =	swait.ge [sflag:s8], $0x80  }
0x24: {  	[sflag:s8] =	ssyncset.done $0x0  }
0x25: {  	s0 =	rddreg [dreg:$0x9];
	[sflag:s8] =	ssyncadd.s32 $0xFFFFFF80  }
0x26: {  	[tilespmem:s14], [sflag:$0x2] =	stream.linear.gather [hbm4b:s0+s2], $0x80, $0x38;
	[tilespmem:$0x18200] =	vst v63  }
0x27: {  	_ =	swait.ge [sflag:s8], $0x80  }
0x28: {  	[sflag:s8] =	ssyncset.done $0x0  }
0x29: {  	[sflag:s8] =	ssyncadd.s32 $0xFFFFFF80  }
0x2a: {  	v3 =	vld [tilespmem:$0x18000];
	_ =	sdelay $0x5  }
0x2b: {  	v4 =	vld [tilespmem:$0x18080]  }
0x2c: {  	v5 =	vld [tilespmem:$0x18010]  }
0x2d: {  	v3 =	vld.idx.msk [tilespmem:v3+s7+$0x0], $0xffff;
	_ =	sdelay $0x4  }
0x2e: {  	v20 =	vld [tilespmem:$0x18090];
	v3 =	vadd.s32 v4, v3  }
0x2f: {  	v6 =	vld [tilespmem:$0x18020];
	[tilespmem:$0x18180] =	vst v3  }
0x30: {  	v5 =	vld.idx.msk [tilespmem:v5+s7+$0x0], $0xffff;
	_ =	sdelay $0x4  }
0x31: {  	v21 =	vld [tilespmem:$0x180A0];
	v4 =	vadd.s32 v20, v5  }
0x32: {  	v22 =	vld [tilespmem:$0x18030];
	[tilespmem:$0x18190] =	vst v4  }
0x33: {  	v6 =	vld.idx.msk [tilespmem:v6+s7+$0x0], $0xffff;
	_ =	sdelay $0x4  }
0x34: {  	v23 =	vld [tilespmem:$0x180B0];
	v5 =	vadd.s32 v21, v6  }
0x35: {  	v24 =	vld [tilespmem:$0x18040];
	[tilespmem:$0x181A0] =	vst v5  }
0x36: {  	v4 =	vld.idx.msk [tilespmem:v22+s7+$0x0], $0xffff;
	_ =	sdelay $0x4  }
0x37: {  	v25 =	vld [tilespmem:$0x180C0];
	v4 =	vadd.s32 v23, v4  }
0x38: {  	v26 =	vld [tilespmem:$0x18050];
	[tilespmem:$0x181B0] =	vst v4  }
0x39: {  	v5 =	vld.idx.msk [tilespmem:v24+s7+$0x0], $0xffff;
	_ =	sdelay $0x4  }
0x3a: {  	v27 =	vld [tilespmem:$0x180D0];
	v5 =	vadd.s32 v25, v5  }
0x3b: {  	v28 =	vld [tilespmem:$0x18060];
	[tilespmem:$0x181C0] =	vst v5  }
0x3c: {  	v4 =	vld.idx.msk [tilespmem:v26+s7+$0x0], $0xffff;
	_ =	sdelay $0x4  }
0x3d: {  	v29 =	vld [tilespmem:$0x180E0];
	v4 =	vadd.s32 v27, v4  }
0x3e: {  	v30 =	vld [tilespmem:$0x18070];
	[tilespmem:$0x181D0] =	vst v4  }
0x3f: {  	v5 =	vld.idx.msk [tilespmem:v28+s7+$0x0], $0xffff;
	_ =	sdelay $0x2  }
0x40: {  	v7 =	vshrl.u32 v3, $0x3  }
0x41: {  	v7 =	vmul.u32 $0x30, v7  }
0x42: {  	v3 =	vand.u32 $0x7, v3;
	v5 =	vadd.s32 v29, v5  }
0x43: {  	v31 =	vld [tilespmem:$0x180F0];
	v3 =	vor.u32 v3, v7;
	[tilespmem:$0x181E0] =	vst v5  }
0x44: {  	v32 =	vperm.xlane v3, v0;
	v4 =	vld.idx.msk [tilespmem:v30+s7+$0x0], $0xffff;
	_ =	sdelay $0x1  }
0x45: {  	v6 =	vadd.s32 v1, v32;
	_ =	sdelay $0x2  }
0x46: {  	v4 =	vadd.s32 v31, v4  }
0x47: {  	v3 =	vperm.xlane v3, v2;
	[tilespmem:$0x181F0] =	vst v4  }
0x48: {  	[hbm4b:s3+s2] =	stream.indirect_vreg.scatter [tilespmem:s2], [sflag:$0x1], $0x80, v6, vm0, $0xb8;
	[tilespmem:$0x18200] =	vst v63  }
0x49: {  	v3 =	vadd.s32 v1, v3  }
0x4a: {  	[hbm4b:s4+s2] =	stream.indirect_vreg.scatter [tilespmem:s15], [sflag:$0x1], $0x80, v6, vm0, $0xb8;
	[tilespmem:$0x18200] =	vst v63  }
0x4b: {  	_ = 	snop  }
0x4c: {  	[hbm4b:s5+s2] =	stream.indirect_vreg.scatter [tilespmem:s16], [sflag:$0x1], $0x80, v6, vm0, $0xb8;
	[tilespmem:$0x18200] =	vst v63  }
0x4d: {  	_ = 	snop  }
0x4e: {  	[hbm4b:s3+s2] =	stream.indirect_vreg.scatter [tilespmem:s17], [sflag:$0x1], $0x80, v3, vm0, $0xb8;
	[tilespmem:$0x18200] =	vst v63  }
0x4f: {  	_ = 	snop  }
0x50: {  	[hbm4b:s4+s2] =	stream.indirect_vreg.scatter [tilespmem:s18], [sflag:$0x1], $0x80, v3, vm0, $0xb8;
	[tilespmem:$0x18200] =	vst v63  }
0x51: {  	_ = 	snop  }
0x52: {  	[hbm4b:s5+s2] =	stream.indirect_vreg.scatter [tilespmem:s19], [sflag:$0x1], $0x80, v3, vm0, $0xb8;
	[tilespmem:$0x18200] =	vst v63  }
0x53: {  	v3 =	vld [tilespmem:$0x18190];
	_ =	sdelay $0x4  }
0x54: {  	v33 =	vshrl.u32 v3, $0x3  }
0x55: {  	v4 =	vmul.u32 $0x30, v33  }
0x56: {  	v3 =	vand.u32 $0x7, v3  }
0x57: {  	v3 =	vor.u32 v3, v4  }
0x58: {  	v4 =	vperm.xlane v3, v0;
	_ =	sdelay $0x1  }
0x59: {  	v4 =	vadd.s32 v1, v4;
	_ =	sdelay $0x3  }
0x5a: {  	v3 =	vperm.xlane v3, v2  }
0x5b: {  	[hbm4b:s3+s2] =	stream.indirect_vreg.scatter [tilespmem:s20], [sflag:$0x1], $0x80, v4, vm0, $0xb8;
	[tilespmem:$0x18200] =	vst v63  }
0x5c: {  	v3 =	vadd.s32 v1, v3  }
0x5d: {  	[hbm4b:s4+s2] =	stream.indirect_vreg.scatter [tilespmem:s21], [sflag:$0x1], $0x80, v4, vm0, $0xb8;
	[tilespmem:$0x18200] =	vst v63  }
0x5e: {  	_ = 	snop  }
0x5f: {  	[hbm4b:s5+s2] =	stream.indirect_vreg.scatter [tilespmem:s22], [sflag:$0x1], $0x80, v4, vm0, $0xb8;
	[tilespmem:$0x18200] =	vst v63  }
0x60: {  	_ = 	snop  }
0x61: {  	[hbm4b:s3+s2] =	stream.indirect_vreg.scatter [tilespmem:s23], [sflag:$0x1], $0x80, v3, vm0, $0xb8;
	[tilespmem:$0x18200] =	vst v63  }
0x62: {  	_ = 	snop  }
0x63: {  	[hbm4b:s4+s2] =	stream.indirect_vreg.scatter [tilespmem:s24], [sflag:$0x1], $0x80, v3, vm0, $0xb8;
	[tilespmem:$0x18200] =	vst v63  }
0x64: {  	_ = 	snop  }
0x65: {  	[hbm4b:s5+s2] =	stream.indirect_vreg.scatter [tilespmem:s25], [sflag:$0x1], $0x80, v3, vm0, $0xb8;
	[tilespmem:$0x18200] =	vst v63  }
0x66: {  	v3 =	vld [tilespmem:$0x181A0];
	_ =	sdelay $0x4  }
0x67: {  	v34 =	vshrl.u32 v3, $0x3  }
0x68: {  	v4 =	vmul.u32 $0x30, v34  }
0x69: {  	v3 =	vand.u32 $0x7, v3  }
0x6a: {  	v3 =	vor.u32 v3, v4  }
0x6b: {  	v4 =	vperm.xlane v3, v0;
	_ =	sdelay $0x1  }
0x6c: {  	v4 =	vadd.s32 v1, v4;
	_ =	sdelay $0x3  }
0x6d: {  	v3 =	vperm.xlane v3, v2  }
0x6e: {  	[hbm4b:s3+s2] =	stream.indirect_vreg.scatter [tilespmem:s26], [sflag:$0x1], $0x80, v4, vm0, $0xb8;
	[tilespmem:$0x18200] =	vst v63  }
0x6f: {  	v3 =	vadd.s32 v1, v3  }
0x70: {  	[hbm4b:s4+s2] =	stream.indirect_vreg.scatter [tilespmem:s28], [sflag:$0x1], $0x80, v4, vm0, $0xb8;
	[tilespmem:$0x18200] =	vst v63  }
0x71: {  	_ = 	snop  }
0x72: {  	[hbm4b:s5+s2] =	stream.indirect_vreg.scatter [tilespmem:s29], [sflag:$0x1], $0x80, v4, vm0, $0xb8;
	[tilespmem:$0x18200] =	vst v63  }
0x73: {  	_ = 	snop  }
0x74: {  	[hbm4b:s3+s2] =	stream.indirect_vreg.scatter [tilespmem:s30], [sflag:$0x1], $0x80, v3, vm0, $0xb8;
	[tilespmem:$0x18200] =	vst v63  }
0x75: {  	_ = 	snop  }
0x76: {  	[hbm4b:s4+s2] =	stream.indirect_vreg.scatter [tilespmem:s31], [sflag:$0x1], $0x80, v3, vm0, $0xb8;
	[tilespmem:$0x18200] =	vst v63  }
0x77: {  	_ = 	snop  }
0x78: {  	[hbm4b:s5+s2] =	stream.indirect_vreg.scatter [tilespmem:s1], [sflag:$0x1], $0x80, v3, vm0, $0xb8;
	[tilespmem:$0x18200] =	vst v63  }
0x79: {  	v3 =	vld [tilespmem:$0x181B0];
	_ =	sdelay $0x4  }
0x7a: {  	v35 =	vshrl.u32 v3, $0x3  }
0x7b: {  	v4 =	vmul.u32 $0x30, v35  }
0x7c: {  	v3 =	vand.u32 $0x7, v3  }
0x7d: {  	v3 =	vor.u32 v3, v4  }
0x7e: {  	v4 =	vperm.xlane v3, v0;
	_ =	sdelay $0x1  }
0x7f: {  	v4 =	vadd.s32 v1, v4;
	_ =	sdelay $0x3  }
0x80: {  	s0 =	simm.s32 $0x9000;
	v3 =	vperm.xlane v3, v2  }
0x81: {  	[hbm4b:s3+s2] =	stream.indirect_vreg.scatter [tilespmem:s0], [sflag:$0x1], $0x80, v4, vm0, $0xb8;
	[tilespmem:$0x18200] =	vst v63  }
0x82: {  	v3 =	vadd.s32 v1, v3  }
0x83: {  	[hbm4b:s4+s2] =	stream.indirect_vreg.scatter [tilespmem:s9], [sflag:$0x1], $0x80, v4, vm0, $0xb8;
	[tilespmem:$0x18200] =	vst v63  }
0x84: {  	_ = 	snop  }
0x85: {  	[hbm4b:s5+s2] =	stream.indirect_vreg.scatter [tilespmem:s11], [sflag:$0x1], $0x80, v4, vm0, $0xb8;
	[tilespmem:$0x18200] =	vst v63  }
0x86: {  	s0 =	simm.s32 $0xA800  }
0x87: {  	[hbm4b:s3+s2] =	stream.indirect_vreg.scatter [tilespmem:s0], [sflag:$0x1], $0x80, v3, vm0, $0xb8;
	[tilespmem:$0x18200] =	vst v63  }
0x88: {  	s0 =	simm.s32 $0xB000  }
0x89: {  	[hbm4b:s4+s2] =	stream.indirect_vreg.scatter [tilespmem:s0], [sflag:$0x1], $0x80, v3, vm0, $0xb8;
	[tilespmem:$0x18200] =	vst v63  }
0x8a: {  	s0 =	simm.s32 $0xB800  }
0x8b: {  	[hbm4b:s5+s2] =	stream.indirect_vreg.scatter [tilespmem:s0], [sflag:$0x1], $0x80, v3, vm0, $0xb8;
	[tilespmem:$0x18200] =	vst v63  }
0x8c: {  	v3 =	vld [tilespmem:$0x181C0];
	_ =	sdelay $0x4  }
0x8d: {  	v36 =	vshrl.u32 v3, $0x3  }
0x8e: {  	v4 =	vmul.u32 $0x30, v36  }
0x8f: {  	v3 =	vand.u32 $0x7, v3  }
0x90: {  	v3 =	vor.u32 v3, v4  }
0x91: {  	v4 =	vperm.xlane v3, v0;
	_ =	sdelay $0x1  }
0x92: {  	v4 =	vadd.s32 v1, v4;
	_ =	sdelay $0x3  }
0x93: {  	s0 =	simm.s32 $0xC000;
	v3 =	vperm.xlane v3, v2  }
0x94: {  	[hbm4b:s3+s2] =	stream.indirect_vreg.scatter [tilespmem:s0], [sflag:$0x1], $0x80, v4, vm0, $0xb8;
	[tilespmem:$0x18200] =	vst v63  }
0x95: {  	v3 =	vadd.s32 v1, v3;
	s0 =	simm.s32 $0xC800  }
0x96: {  	[hbm4b:s4+s2] =	stream.indirect_vreg.scatter [tilespmem:s0], [sflag:$0x1], $0x80, v4, vm0, $0xb8;
	[tilespmem:$0x18200] =	vst v63  }
0x97: {  	s0 =	simm.s32 $0xD000  }
0x98: {  	[hbm4b:s5+s2] =	stream.indirect_vreg.scatter [tilespmem:s0], [sflag:$0x1], $0x80, v4, vm0, $0xb8;
	[tilespmem:$0x18200] =	vst v63  }
0x99: {  	s0 =	simm.s32 $0xD800  }
0x9a: {  	[hbm4b:s3+s2] =	stream.indirect_vreg.scatter [tilespmem:s0], [sflag:$0x1], $0x80, v3, vm0, $0xb8;
	[tilespmem:$0x18200] =	vst v63  }
0x9b: {  	s0 =	simm.s32 $0xE000  }
0x9c: {  	[hbm4b:s4+s2] =	stream.indirect_vreg.scatter [tilespmem:s0], [sflag:$0x1], $0x80, v3, vm0, $0xb8;
	[tilespmem:$0x18200] =	vst v63  }
0x9d: {  	s0 =	simm.s32 $0xE800  }
0x9e: {  	[hbm4b:s5+s2] =	stream.indirect_vreg.scatter [tilespmem:s0], [sflag:$0x1], $0x80, v3, vm0, $0xb8;
	[tilespmem:$0x18200] =	vst v63  }
0x9f: {  	v3 =	vld [tilespmem:$0x181D0];
	_ =	sdelay $0x4  }
0xa0: {  	v37 =	vshrl.u32 v3, $0x3  }
0xa1: {  	v4 =	vmul.u32 $0x30, v37  }
0xa2: {  	v3 =	vand.u32 $0x7, v3  }
0xa3: {  	v3 =	vor.u32 v3, v4  }
0xa4: {  	v4 =	vperm.xlane v3, v0;
	_ =	sdelay $0x1  }
0xa5: {  	v4 =	vadd.s32 v1, v4;
	_ =	sdelay $0x3  }
0xa6: {  	s0 =	simm.s32 $0xF000;
	v3 =	vperm.xlane v3, v2  }
0xa7: {  	[hbm4b:s3+s2] =	stream.indirect_vreg.scatter [tilespmem:s0], [sflag:$0x1], $0x80, v4, vm0, $0xb8;
	[tilespmem:$0x18200] =	vst v63  }
0xa8: {  	v3 =	vadd.s32 v1, v3;
	s0 =	simm.s32 $0xF800  }
0xa9: {  	[hbm4b:s4+s2] =	stream.indirect_vreg.scatter [tilespmem:s0], [sflag:$0x1], $0x80, v4, vm0, $0xb8;
	[tilespmem:$0x18200] =	vst v63  }
0xaa: {  	s0 =	simm.s32 $0x10000  }
0xab: {  	[hbm4b:s5+s2] =	stream.indirect_vreg.scatter [tilespmem:s0], [sflag:$0x1], $0x80, v4, vm0, $0xb8;
	[tilespmem:$0x18200] =	vst v63  }
0xac: {  	s0 =	simm.s32 $0x10800  }
0xad: {  	[hbm4b:s3+s2] =	stream.indirect_vreg.scatter [tilespmem:s0], [sflag:$0x1], $0x80, v3, vm0, $0xb8;
	[tilespmem:$0x18200] =	vst v63  }
0xae: {  	s0 =	simm.s32 $0x11000  }
0xaf: {  	[hbm4b:s4+s2] =	stream.indirect_vreg.scatter [tilespmem:s0], [sflag:$0x1], $0x80, v3, vm0, $0xb8;
	[tilespmem:$0x18200] =	vst v63  }
0xb0: {  	s0 =	simm.s32 $0x11800  }
0xb1: {  	[hbm4b:s5+s2] =	stream.indirect_vreg.scatter [tilespmem:s0], [sflag:$0x1], $0x80, v3, vm0, $0xb8;
	[tilespmem:$0x18200] =	vst v63  }
0xb2: {  	v3 =	vld [tilespmem:$0x181E0];
	_ =	sdelay $0x4  }
0xb3: {  	v38 =	vshrl.u32 v3, $0x3  }
0xb4: {  	v4 =	vmul.u32 $0x30, v38  }
0xb5: {  	v3 =	vand.u32 $0x7, v3  }
0xb6: {  	v3 =	vor.u32 v3, v4  }
0xb7: {  	v4 =	vperm.xlane v3, v0;
	_ =	sdelay $0x1  }
0xb8: {  	v4 =	vadd.s32 v1, v4;
	_ =	sdelay $0x3  }
0xb9: {  	s0 =	simm.s32 $0x12000;
	v3 =	vperm.xlane v3, v2  }
0xba: {  	[hbm4b:s3+s2] =	stream.indirect_vreg.scatter [tilespmem:s0], [sflag:$0x1], $0x80, v4, vm0, $0xb8;
	[tilespmem:$0x18200] =	vst v63  }
0xbb: {  	v3 =	vadd.s32 v1, v3;
	s0 =	simm.s32 $0x12800  }
0xbc: {  	[hbm4b:s4+s2] =	stream.indirect_vreg.scatter [tilespmem:s0], [sflag:$0x1], $0x80, v4, vm0, $0xb8;
	[tilespmem:$0x18200] =	vst v63  }
0xbd: {  	s0 =	simm.s32 $0x13000  }
0xbe: {  	[hbm4b:s5+s2] =	stream.indirect_vreg.scatter [tilespmem:s0], [sflag:$0x1], $0x80, v4, vm0, $0xb8;
	[tilespmem:$0x18200] =	vst v63  }
0xbf: {  	s0 =	simm.s32 $0x13800  }
0xc0: {  	[hbm4b:s3+s2] =	stream.indirect_vreg.scatter [tilespmem:s0], [sflag:$0x1], $0x80, v3, vm0, $0xb8;
	[tilespmem:$0x18200] =	vst v63  }
0xc1: {  	s0 =	simm.s32 $0x14000  }
0xc2: {  	[hbm4b:s4+s2] =	stream.indirect_vreg.scatter [tilespmem:s0], [sflag:$0x1], $0x80, v3, vm0, $0xb8;
	[tilespmem:$0x18200] =	vst v63  }
0xc3: {  	s0 =	simm.s32 $0x14800  }
0xc4: {  	[hbm4b:s5+s2] =	stream.indirect_vreg.scatter [tilespmem:s0], [sflag:$0x1], $0x80, v3, vm0, $0xb8;
	[tilespmem:$0x18200] =	vst v63  }
0xc5: {  	v3 =	vld [tilespmem:$0x181F0];
	_ =	sdelay $0x4  }
0xc6: {  	v39 =	vshrl.u32 v3, $0x3  }
0xc7: {  	v4 =	vmul.u32 $0x30, v39  }
0xc8: {  	v3 =	vand.u32 $0x7, v3  }
0xc9: {  	v3 =	vor.u32 v3, v4  }
0xca: {  	v4 =	vperm.xlane v3, v0;
	_ =	sdelay $0x1  }
0xcb: {  	v4 =	vadd.s32 v1, v4;
	_ =	sdelay $0x3  }
0xcc: {  	s0 =	simm.s32 $0x15000;
	v3 =	vperm.xlane v3, v2  }
0xcd: {  	[hbm4b:s3+s2] =	stream.indirect_vreg.scatter [tilespmem:s0], [sflag:$0x1], $0x80, v4, vm0, $0xb8;
	[tilespmem:$0x18200] =	vst v63  }
0xce: {  	v3 =	vadd.s32 v1, v3;
	s0 =	simm.s32 $0x15800  }
0xcf: {  	[hbm4b:s4+s2] =	stream.indirect_vreg.scatter [tilespmem:s0], [sflag:$0x1], $0x80, v4, vm0, $0xb8;
	[tilespmem:$0x18200] =	vst v63  }
0xd0: {  	s0 =	simm.s32 $0x16000  }
0xd1: {  	[hbm4b:s5+s2] =	stream.indirect_vreg.scatter [tilespmem:s0], [sflag:$0x1], $0x80, v4, vm0, $0xb8;
	[tilespmem:$0x18200] =	vst v63  }
0xd2: {  	s0 =	simm.s32 $0x16800  }
0xd3: {  	[hbm4b:s3+s2] =	stream.indirect_vreg.scatter [tilespmem:s0], [sflag:$0x1], $0x80, v3, vm0, $0xb8;
	[tilespmem:$0x18200] =	vst v63  }
0xd4: {  	s0 =	simm.s32 $0x17000  }
0xd5: {  	[hbm4b:s4+s2] =	stream.indirect_vreg.scatter [tilespmem:s0], [sflag:$0x1], $0x80, v3, vm0, $0xb8;
	[tilespmem:$0x18200] =	vst v63  }
0xd6: {  	s0 =	simm.s32 $0x17800  }
0xd7: {  	[hbm4b:s5+s2] =	stream.indirect_vreg.scatter [tilespmem:s0], [sflag:$0x1], $0x80, v3, vm0, $0xb8;
	[tilespmem:$0x18200] =	vst v63  }
0xd8: {  	_ =	swait.ge [sflag:s10], $0x18000  }
0xd9: {  	[sflag:s10] =	ssyncset.done $0x0  }
0xda: {  	s0 =	simm.s32 $0x18180;
	s12 =	rddreg [dreg:$0xa];
	[sflag:s10] =	ssyncadd.s32 $0xFFFE8000  }
0xdb: {  	[hbm4b:s12+s2] =	stream.linear.scatter [tilespmem:s0], [sflag:$0x2], $0x80, $0x38;
	[tilespmem:$0x18200] =	vst v63  }
0xdc: {  	_ =	swait.ge [sflag:s8], $0x80  }
0xdd: {  	[sflag:s8] =	ssyncset.done $0x0  }
0xde: {  	s0 =	rddreg [dreg:$0xb];
	[sflag:s8] =	ssyncadd.s32 $0xFFFFFF80  }
0xdf: {  	[tilespmem:s2], [sflag:$0x2] =	stream.linear.gather [hbm4b:s0+s2], $0x18000, $0x38;
	[tilespmem:$0x18200] =	vst v63  }
0xe0: {  	_ =	swait.ge [sflag:s8], $0x18000  }
0xe1: {  	[sflag:s8] =	ssyncset.done $0x0  }
0xe2: {  	s0 =	rddreg [dreg:$0xc];
	[sflag:s8] =	ssyncadd.s32 $0xFFFE8000  }
0xe3: {  	[tilespmem:s13], [sflag:$0x2] =	stream.linear.gather [hbm4b:s0+s2], $0x80, $0x38;
	[tilespmem:$0x18200] =	vst v63  }
0xe4: {  	_ =	swait.ge [sflag:s8], $0x80  }
0xe5: {  	[sflag:s8] =	ssyncset.done $0x0  }
0xe6: {  	s0 =	rddreg [dreg:$0xd];
	[sflag:s8] =	ssyncadd.s32 $0xFFFFFF80  }
0xe7: {  	[tilespmem:s14], [sflag:$0x2] =	stream.linear.gather [hbm4b:s0+s2], $0x80, $0x38;
	[tilespmem:$0x18200] =	vst v63  }
0xe8: {  	_ =	swait.ge [sflag:s8], $0x80  }
0xe9: {  	[sflag:s8] =	ssyncset.done $0x0  }
0xea: {  	[sflag:s8] =	ssyncadd.s32 $0xFFFFFF80  }
0xeb: {  	v3 =	vld [tilespmem:$0x18000];
	_ =	sdelay $0x5  }
0xec: {  	v40 =	vld [tilespmem:$0x18080]  }
0xed: {  	v41 =	vld [tilespmem:$0x18010]  }
0xee: {  	v3 =	vld.idx.msk [tilespmem:v3+s7+$0x0], $0xffff;
	_ =	sdelay $0x4  }
0xef: {  	v42 =	vld [tilespmem:$0x18090];
	v3 =	vadd.s32 v40, v3  }
0xf0: {  	v43 =	vld [tilespmem:$0x18020];
	[tilespmem:$0x18180] =	vst v3  }
0xf1: {  	v5 =	vld.idx.msk [tilespmem:v41+s7+$0x0], $0xffff;
	_ =	sdelay $0x4  }
0xf2: {  	v44 =	vld [tilespmem:$0x180A0];
	v4 =	vadd.s32 v42, v5  }
0xf3: {  	v45 =	vld [tilespmem:$0x18030];
	[tilespmem:$0x18190] =	vst v4  }
0xf4: {  	v6 =	vld.idx.msk [tilespmem:v43+s7+$0x0], $0xffff;
	_ =	sdelay $0x4  }
0xf5: {  	v46 =	vld [tilespmem:$0x180B0];
	v5 =	vadd.s32 v44, v6  }
0xf6: {  	v47 =	vld [tilespmem:$0x18040];
	[tilespmem:$0x181A0] =	vst v5  }
0xf7: {  	v4 =	vld.idx.msk [tilespmem:v45+s7+$0x0], $0xffff;
	_ =	sdelay $0x4  }
0xf8: {  	v48 =	vld [tilespmem:$0x180C0];
	v4 =	vadd.s32 v46, v4  }
0xf9: {  	v49 =	vld [tilespmem:$0x18050];
	[tilespmem:$0x181B0] =	vst v4  }
0xfa: {  	v5 =	vld.idx.msk [tilespmem:v47+s7+$0x0], $0xffff;
	_ =	sdelay $0x4  }
0xfb: {  	v50 =	vld [tilespmem:$0x180D0];
	v5 =	vadd.s32 v48, v5  }
0xfc: {  	v51 =	vld [tilespmem:$0x18060];
	[tilespmem:$0x181C0] =	vst v5  }
0xfd: {  	v4 =	vld.idx.msk [tilespmem:v49+s7+$0x0], $0xffff;
	_ =	sdelay $0x4  }
0xfe: {  	v52 =	vld [tilespmem:$0x180E0];
	v4 =	vadd.s32 v50, v4  }
0xff: {  	v53 =	vld [tilespmem:$0x18070];
	[tilespmem:$0x181D0] =	vst v4  }
0x100: {  	v5 =	vld.idx.msk [tilespmem:v51+s7+$0x0], $0xffff;
	_ =	sdelay $0x2  }
0x101: {  	v54 =	vshrl.u32 v3, $0x3  }
0x102: {  	v7 =	vmul.u32 $0x30, v54  }
0x103: {  	v3 =	vand.u32 $0x7, v3;
	v5 =	vadd.s32 v52, v5  }
0x104: {  	v55 =	vld [tilespmem:$0x180F0];
	v3 =	vor.u32 v3, v7;
	[tilespmem:$0x181E0] =	vst v5  }
0x105: {  	v56 =	vperm.xlane v3, v0;
	v4 =	vld.idx.msk [tilespmem:v53+s7+$0x0], $0xffff;
	_ =	sdelay $0x1  }
0x106: {  	v6 =	vadd.s32 v1, v56;
	_ =	sdelay $0x2  }
0x107: {  	v4 =	vadd.s32 v55, v4  }
0x108: {  	v3 =	vperm.xlane v3, v2;
	[tilespmem:$0x181F0] =	vst v4  }
0x109: {  	[hbm4b:s3+s2] =	stream.indirect_vreg.scatter [tilespmem:s2], [sflag:$0x1], $0x80, v6, vm0, $0xb8;
	[tilespmem:$0x18200] =	vst v63  }
0x10a: {  	v3 =	vadd.s32 v1, v3  }
0x10b: {  	[hbm4b:s4+s2] =	stream.indirect_vreg.scatter [tilespmem:s15], [sflag:$0x1], $0x80, v6, vm0, $0xb8;
	[tilespmem:$0x18200] =	vst v63  }
0x10c: {  	_ = 	snop  }
0x10d: {  	[hbm4b:s5+s2] =	stream.indirect_vreg.scatter [tilespmem:s16], [sflag:$0x1], $0x80, v6, vm0, $0xb8;
	[tilespmem:$0x18200] =	vst v63  }
0x10e: {  	_ = 	snop  }
0x10f: {  	[hbm4b:s3+s2] =	stream.indirect_vreg.scatter [tilespmem:s17], [sflag:$0x1], $0x80, v3, vm0, $0xb8;
	[tilespmem:$0x18200] =	vst v63  }
0x110: {  	_ = 	snop  }
0x111: {  	[hbm4b:s4+s2] =	stream.indirect_vreg.scatter [tilespmem:s18], [sflag:$0x1], $0x80, v3, vm0, $0xb8;
	[tilespmem:$0x18200] =	vst v63  }
0x112: {  	_ = 	snop  }
0x113: {  	[hbm4b:s5+s2] =	stream.indirect_vreg.scatter [tilespmem:s19], [sflag:$0x1], $0x80, v3, vm0, $0xb8;
	[tilespmem:$0x18200] =	vst v63  }
0x114: {  	v3 =	vld [tilespmem:$0x18190];
	_ =	sdelay $0x4  }
0x115: {  	v57 =	vshrl.u32 v3, $0x3  }
0x116: {  	v4 =	vmul.u32 $0x30, v57  }
0x117: {  	v3 =	vand.u32 $0x7, v3  }
0x118: {  	v3 =	vor.u32 v3, v4  }
0x119: {  	v4 =	vperm.xlane v3, v0;
	_ =	sdelay $0x1  }
0x11a: {  	v4 =	vadd.s32 v1, v4;
	_ =	sdelay $0x3  }
0x11b: {  	v3 =	vperm.xlane v3, v2  }
0x11c: {  	[hbm4b:s3+s2] =	stream.indirect_vreg.scatter [tilespmem:s20], [sflag:$0x1], $0x80, v4, vm0, $0xb8;
	[tilespmem:$0x18200] =	vst v63  }
0x11d: {  	v3 =	vadd.s32 v1, v3  }
0x11e: {  	[hbm4b:s4+s2] =	stream.indirect_vreg.scatter [tilespmem:s21], [sflag:$0x1], $0x80, v4, vm0, $0xb8;
	[tilespmem:$0x18200] =	vst v63  }
0x11f: {  	_ = 	snop  }
0x120: {  	[hbm4b:s5+s2] =	stream.indirect_vreg.scatter [tilespmem:s22], [sflag:$0x1], $0x80, v4, vm0, $0xb8;
	[tilespmem:$0x18200] =	vst v63  }
0x121: {  	_ = 	snop  }
0x122: {  	[hbm4b:s3+s2] =	stream.indirect_vreg.scatter [tilespmem:s23], [sflag:$0x1], $0x80, v3, vm0, $0xb8;
	[tilespmem:$0x18200] =	vst v63  }
0x123: {  	_ = 	snop  }
0x124: {  	[hbm4b:s4+s2] =	stream.indirect_vreg.scatter [tilespmem:s24], [sflag:$0x1], $0x80, v3, vm0, $0xb8;
	[tilespmem:$0x18200] =	vst v63  }
0x125: {  	_ = 	snop  }
0x126: {  	[hbm4b:s5+s2] =	stream.indirect_vreg.scatter [tilespmem:s25], [sflag:$0x1], $0x80, v3, vm0, $0xb8;
	[tilespmem:$0x18200] =	vst v63  }
0x127: {  	v3 =	vld [tilespmem:$0x181A0];
	_ =	sdelay $0x4  }
0x128: {  	v58 =	vshrl.u32 v3, $0x3  }
0x129: {  	v4 =	vmul.u32 $0x30, v58  }
0x12a: {  	v3 =	vand.u32 $0x7, v3  }
0x12b: {  	v3 =	vor.u32 v3, v4  }
0x12c: {  	v4 =	vperm.xlane v3, v0;
	_ =	sdelay $0x1  }
0x12d: {  	v4 =	vadd.s32 v1, v4;
	_ =	sdelay $0x3  }
0x12e: {  	v3 =	vperm.xlane v3, v2  }
0x12f: {  	[hbm4b:s3+s2] =	stream.indirect_vreg.scatter [tilespmem:s26], [sflag:$0x1], $0x80, v4, vm0, $0xb8;
	[tilespmem:$0x18200] =	vst v63  }
0x130: {  	v3 =	vadd.s32 v1, v3  }
0x131: {  	[hbm4b:s4+s2] =	stream.indirect_vreg.scatter [tilespmem:s28], [sflag:$0x1], $0x80, v4, vm0, $0xb8;
	[tilespmem:$0x18200] =	vst v63  }
0x132: {  	_ = 	snop  }
0x133: {  	[hbm4b:s5+s2] =	stream.indirect_vreg.scatter [tilespmem:s29], [sflag:$0x1], $0x80, v4, vm0, $0xb8;
	[tilespmem:$0x18200] =	vst v63  }
0x134: {  	_ = 	snop  }
0x135: {  	[hbm4b:s3+s2] =	stream.indirect_vreg.scatter [tilespmem:s30], [sflag:$0x1], $0x80, v3, vm0, $0xb8;
	[tilespmem:$0x18200] =	vst v63  }
0x136: {  	_ = 	snop  }
0x137: {  	[hbm4b:s4+s2] =	stream.indirect_vreg.scatter [tilespmem:s31], [sflag:$0x1], $0x80, v3, vm0, $0xb8;
	[tilespmem:$0x18200] =	vst v63  }
0x138: {  	_ = 	snop  }
0x139: {  	[hbm4b:s5+s2] =	stream.indirect_vreg.scatter [tilespmem:s1], [sflag:$0x1], $0x80, v3, vm0, $0xb8;
	[tilespmem:$0x18200] =	vst v63  }
0x13a: {  	v3 =	vld [tilespmem:$0x181B0];
	_ =	sdelay $0x4  }
0x13b: {  	v59 =	vshrl.u32 v3, $0x3  }
0x13c: {  	v4 =	vmul.u32 $0x30, v59  }
0x13d: {  	v3 =	vand.u32 $0x7, v3  }
0x13e: {  	v3 =	vor.u32 v3, v4  }
0x13f: {  	v4 =	vperm.xlane v3, v0;
	_ =	sdelay $0x1  }
0x140: {  	v4 =	vadd.s32 v1, v4;
	_ =	sdelay $0x3  }
0x141: {  	s12 =	simm.s32 $0x9000;
	v3 =	vperm.xlane v3, v2  }
0x142: {  	[hbm4b:s3+s2] =	stream.indirect_vreg.scatter [tilespmem:s12], [sflag:$0x1], $0x80, v4, vm0, $0xb8;
	[tilespmem:$0x18200] =	vst v63  }
0x143: {  	v3 =	vadd.s32 v1, v3  }
0x144: {  	[hbm4b:s4+s2] =	stream.indirect_vreg.scatter [tilespmem:s9], [sflag:$0x1], $0x80, v4, vm0, $0xb8;
	[tilespmem:$0x18200] =	vst v63  }
0x145: {  	_ = 	snop  }
0x146: {  	[hbm4b:s5+s2] =	stream.indirect_vreg.scatter [tilespmem:s11], [sflag:$0x1], $0x80, v4, vm0, $0xb8;
	[tilespmem:$0x18200] =	vst v63  }
0x147: {  	s12 =	simm.s32 $0xA800  }
0x148: {  	[hbm4b:s3+s2] =	stream.indirect_vreg.scatter [tilespmem:s12], [sflag:$0x1], $0x80, v3, vm0, $0xb8;
	[tilespmem:$0x18200] =	vst v63  }
0x149: {  	s12 =	simm.s32 $0xB000  }
0x14a: {  	[hbm4b:s4+s2] =	stream.indirect_vreg.scatter [tilespmem:s12], [sflag:$0x1], $0x80, v3, vm0, $0xb8;
	[tilespmem:$0x18200] =	vst v63  }
0x14b: {  	s12 =	simm.s32 $0xB800  }
0x14c: {  	[hbm4b:s5+s2] =	stream.indirect_vreg.scatter [tilespmem:s12], [sflag:$0x1], $0x80, v3, vm0, $0xb8;
	[tilespmem:$0x18200] =	vst v63  }
0x14d: {  	v3 =	vld [tilespmem:$0x181C0];
	_ =	sdelay $0x4  }
0x14e: {  	v60 =	vshrl.u32 v3, $0x3  }
0x14f: {  	v4 =	vmul.u32 $0x30, v60  }
0x150: {  	v3 =	vand.u32 $0x7, v3  }
0x151: {  	v3 =	vor.u32 v3, v4  }
0x152: {  	v4 =	vperm.xlane v3, v0;
	_ =	sdelay $0x1  }
0x153: {  	v4 =	vadd.s32 v1, v4;
	_ =	sdelay $0x3  }
0x154: {  	s12 =	simm.s32 $0xC000;
	v3 =	vperm.xlane v3, v2  }
0x155: {  	[hbm4b:s3+s2] =	stream.indirect_vreg.scatter [tilespmem:s12], [sflag:$0x1], $0x80, v4, vm0, $0xb8;
	[tilespmem:$0x18200] =	vst v63  }
0x156: {  	v3 =	vadd.s32 v1, v3;
	s12 =	simm.s32 $0xC800  }
0x157: {  	[hbm4b:s4+s2] =	stream.indirect_vreg.scatter [tilespmem:s12], [sflag:$0x1], $0x80, v4, vm0, $0xb8;
	[tilespmem:$0x18200] =	vst v63  }
0x158: {  	s12 =	simm.s32 $0xD000  }
0x159: {  	[hbm4b:s5+s2] =	stream.indirect_vreg.scatter [tilespmem:s12], [sflag:$0x1], $0x80, v4, vm0, $0xb8;
	[tilespmem:$0x18200] =	vst v63  }
0x15a: {  	s12 =	simm.s32 $0xD800  }
0x15b: {  	[hbm4b:s3+s2] =	stream.indirect_vreg.scatter [tilespmem:s12], [sflag:$0x1], $0x80, v3, vm0, $0xb8;
	[tilespmem:$0x18200] =	vst v63  }
0x15c: {  	s12 =	simm.s32 $0xE000  }
0x15d: {  	[hbm4b:s4+s2] =	stream.indirect_vreg.scatter [tilespmem:s12], [sflag:$0x1], $0x80, v3, vm0, $0xb8;
	[tilespmem:$0x18200] =	vst v63  }
0x15e: {  	s12 =	simm.s32 $0xE800  }
0x15f: {  	[hbm4b:s5+s2] =	stream.indirect_vreg.scatter [tilespmem:s12], [sflag:$0x1], $0x80, v3, vm0, $0xb8;
	[tilespmem:$0x18200] =	vst v63  }
0x160: {  	v3 =	vld [tilespmem:$0x181D0];
	_ =	sdelay $0x4  }
0x161: {  	v61 =	vshrl.u32 v3, $0x3  }
0x162: {  	v4 =	vmul.u32 $0x30, v61  }
0x163: {  	v3 =	vand.u32 $0x7, v3  }
0x164: {  	v3 =	vor.u32 v3, v4  }
0x165: {  	v4 =	vperm.xlane v3, v0;
	_ =	sdelay $0x1  }
0x166: {  	v4 =	vadd.s32 v1, v4;
	_ =	sdelay $0x3  }
0x167: {  	s12 =	simm.s32 $0xF000;
	v3 =	vperm.xlane v3, v2  }
0x168: {  	[hbm4b:s3+s2] =	stream.indirect_vreg.scatter [tilespmem:s12], [sflag:$0x1], $0x80, v4, vm0, $0xb8;
	[tilespmem:$0x18200] =	vst v63  }
0x169: {  	v3 =	vadd.s32 v1, v3;
	s12 =	simm.s32 $0xF800  }
0x16a: {  	[hbm4b:s4+s2] =	stream.indirect_vreg.scatter [tilespmem:s12], [sflag:$0x1], $0x80, v4, vm0, $0xb8;
	[tilespmem:$0x18200] =	vst v63  }
0x16b: {  	s12 =	simm.s32 $0x10000  }
0x16c: {  	[hbm4b:s5+s2] =	stream.indirect_vreg.scatter [tilespmem:s12], [sflag:$0x1], $0x80, v4, vm0, $0xb8;
	[tilespmem:$0x18200] =	vst v63  }
0x16d: {  	s12 =	simm.s32 $0x10800  }
0x16e: {  	[hbm4b:s3+s2] =	stream.indirect_vreg.scatter [tilespmem:s12], [sflag:$0x1], $0x80, v3, vm0, $0xb8;
	[tilespmem:$0x18200] =	vst v63  }
0x16f: {  	s12 =	simm.s32 $0x11000  }
0x170: {  	[hbm4b:s4+s2] =	stream.indirect_vreg.scatter [tilespmem:s12], [sflag:$0x1], $0x80, v3, vm0, $0xb8;
	[tilespmem:$0x18200] =	vst v63  }
0x171: {  	s12 =	simm.s32 $0x11800  }
0x172: {  	[hbm4b:s5+s2] =	stream.indirect_vreg.scatter [tilespmem:s12], [sflag:$0x1], $0x80, v3, vm0, $0xb8;
	[tilespmem:$0x18200] =	vst v63  }
0x173: {  	v3 =	vld [tilespmem:$0x181E0];
	_ =	sdelay $0x4  }
0x174: {  	v62 =	vshrl.u32 v3, $0x3  }
0x175: {  	v4 =	vmul.u32 $0x30, v62  }
0x176: {  	v3 =	vand.u32 $0x7, v3  }
0x177: {  	v3 =	vor.u32 v3, v4  }
0x178: {  	v4 =	vperm.xlane v3, v0;
	_ =	sdelay $0x1  }
0x179: {  	v4 =	vadd.s32 v1, v4;
	_ =	sdelay $0x3  }
0x17a: {  	s12 =	simm.s32 $0x12000;
	v3 =	vperm.xlane v3, v2  }
0x17b: {  	[hbm4b:s3+s2] =	stream.indirect_vreg.scatter [tilespmem:s12], [sflag:$0x1], $0x80, v4, vm0, $0xb8;
	[tilespmem:$0x18200] =	vst v63  }
0x17c: {  	v3 =	vadd.s32 v1, v3;
	s12 =	simm.s32 $0x12800  }
0x17d: {  	[hbm4b:s4+s2] =	stream.indirect_vreg.scatter [tilespmem:s12], [sflag:$0x1], $0x80, v4, vm0, $0xb8;
	[tilespmem:$0x18200] =	vst v63  }
0x17e: {  	s12 =	simm.s32 $0x13000  }
0x17f: {  	[hbm4b:s5+s2] =	stream.indirect_vreg.scatter [tilespmem:s12], [sflag:$0x1], $0x80, v4, vm0, $0xb8;
	[tilespmem:$0x18200] =	vst v63  }
0x180: {  	s12 =	simm.s32 $0x13800  }
0x181: {  	[hbm4b:s3+s2] =	stream.indirect_vreg.scatter [tilespmem:s12], [sflag:$0x1], $0x80, v3, vm0, $0xb8;
	[tilespmem:$0x18200] =	vst v63  }
0x182: {  	s12 =	simm.s32 $0x14000  }
0x183: {  	[hbm4b:s4+s2] =	stream.indirect_vreg.scatter [tilespmem:s12], [sflag:$0x1], $0x80, v3, vm0, $0xb8;
	[tilespmem:$0x18200] =	vst v63  }
0x184: {  	s12 =	simm.s32 $0x14800  }
0x185: {  	[hbm4b:s5+s2] =	stream.indirect_vreg.scatter [tilespmem:s12], [sflag:$0x1], $0x80, v3, vm0, $0xb8;
	[tilespmem:$0x18200] =	vst v63  }
0x186: {  	v3 =	vld [tilespmem:$0x181F0];
	_ =	sdelay $0x4  }
0x187: {  	v63 =	vshrl.u32 v3, $0x3  }
0x188: {  	v4 =	vmul.u32 $0x30, v63  }
0x189: {  	v3 =	vand.u32 $0x7, v3  }
0x18a: {  	v3 =	vor.u32 v3, v4  }
0x18b: {  	v4 =	vperm.xlane v3, v0;
	_ =	sdelay $0x1  }
0x18c: {  	v4 =	vadd.s32 v1, v4;
	_ =	sdelay $0x3  }
0x18d: {  	s12 =	simm.s32 $0x15000;
	v3 =	vperm.xlane v3, v2  }
0x18e: {  	[hbm4b:s3+s2] =	stream.indirect_vreg.scatter [tilespmem:s12], [sflag:$0x1], $0x80, v4, vm0, $0xb8;
	[tilespmem:$0x18200] =	vst v63  }
0x18f: {  	v3 =	vadd.s32 v1, v3;
	s12 =	simm.s32 $0x15800  }
0x190: {  	[hbm4b:s4+s2] =	stream.indirect_vreg.scatter [tilespmem:s12], [sflag:$0x1], $0x80, v4, vm0, $0xb8;
	[tilespmem:$0x18200] =	vst v63  }
0x191: {  	s12 =	simm.s32 $0x16000  }
0x192: {  	[hbm4b:s5+s2] =	stream.indirect_vreg.scatter [tilespmem:s12], [sflag:$0x1], $0x80, v4, vm0, $0xb8;
	[tilespmem:$0x18200] =	vst v63  }
0x193: {  	s12 =	simm.s32 $0x16800  }
0x194: {  	[hbm4b:s3+s2] =	stream.indirect_vreg.scatter [tilespmem:s12], [sflag:$0x1], $0x80, v3, vm0, $0xb8;
	[tilespmem:$0x18200] =	vst v63  }
0x195: {  	s12 =	simm.s32 $0x17000  }
0x196: {  	[hbm4b:s4+s2] =	stream.indirect_vreg.scatter [tilespmem:s12], [sflag:$0x1], $0x80, v3, vm0, $0xb8;
	[tilespmem:$0x18200] =	vst v63  }
0x197: {  	s12 =	simm.s32 $0x17800  }
0x198: {  	[hbm4b:s5+s2] =	stream.indirect_vreg.scatter [tilespmem:s12], [sflag:$0x1], $0x80, v3, vm0, $0xb8;
	[tilespmem:$0x18200] =	vst v63  }
0x199: {  	_ =	swait.ge [sflag:s10], $0x18000  }
0x19a: {  	p0 =	sne.s32 s6, $0x1;
	s0 =	simm.s32 $0x18180;
	[sflag:s10] =	ssyncset.done $0x0  }
.Ltmp0:
0x19b: {  	s12 =	rddreg [dreg:$0xe];
	[sflag:s10] =	ssyncadd.s32 $0xFFFE8000;
	(pc) =	sbr.rel @p0 .LBB2_1-.Ltmp0, $4  }
0x19c: {  	[hbm4b:s12+s2] =	stream.linear.scatter [tilespmem:s0], [sflag:$0x2], $0x80, $0x38;
	[tilespmem:$0x18200] =	vst v63  }
0x19d: {  	_ =	swait.ge [sflag:s8], $0x80  }
0x19e: {  	[sflag:s8] =	ssyncset.done $0x0  }
0x19f: {  	s6 =	sadd.s32 $0xFFFFFFFF, s6;
	[sflag:s8] =	ssyncadd.s32 $0xFFFFFF80  }
0x1a0: {  	_ =	sfence.sel $0x180000  }
0x1a1: {  	[bflag:$0x0] =	sbarrier.arrive $0xFFFF  }
0x1a2: {  	_ =	strace $0x90000047  }
0x1a3: {  	s0 =	stileid.u32;
	[bflag:$0x2] =	sbarrier.arrive $0xFFFF  }
0x1a4: {  	p0 =	sne.s32 s0, $0x0;
	s0 =	rddreg [dreg:$0x5]  }
0x1a5: {  	s0 =	sadd.s32 @!p0 $0x100000, s0  }
0x1a6: {  	[sflag:s0] =	ssyncadd.tile.s32 @!p0 $0x1;
	_ =	shalt  }
.Lfunc_end2:
_tile_overlayer_lowered:
.L_overlay_start_2:
0x1a7: {  	(tag) =	ssettag $0x2  }
0x1a8: {  	s0 =	rddreg [dreg:$0x0];
	s2 =	stileid.u32  }
0x1a9: {  	s1 =	rddreg [dreg:$0x1];
	p0 =	sne.s32 s2, $0x0  }
0x1aa: {  	s3 =	rddreg [dreg:$0x2];
	[bflag:$0x3] =	sbarrier.arrive $0xFFFF;
	s2 =	simm.s32 @!p0 $0x1C02  }
0x1ab: {  	[timem:s3], [sflag:s2] =	dma.local @!p0 [hbm:s0], s1  }
0x1ac: {  	s0 =	simm.s32 @!p0 $0x2  }
0x1ad: {  	_ =	swait.ge @!p0 [sflag:s0], s1  }
0x1ae: {  	s1 =	ssub.s32 @!p0 $0x0, s1;
	[sflag:s0] =	ssyncset.done @!p0 $0x0  }
0x1af: {  	[sflag:s0] =	ssyncadd.s32 @!p0 s1  }
0x1b0: {  	[bflag:$0x3] =	sbarrier.arrive $0xFFFF  }
0x1b1: {  	_ =	shalt  }

// kernel: kernel.9.cloned.1.call-start
scs
__scs_entry_jumppad:
0x0: {  	(pc) =	sbr.rel $0x88, $3  }
0x1: {  	(tag) =	ssettag $0x0;
	lr =	simm.s32 $0x1  }
0x2: {  	[smem:$0x3F99] =	sst lr;
	_ =	strace $0xD0000000  }
0x3: {  	_ = 	snop  }
0x4: {  	_ = 	snop  }
0x5: {  	_ = 	snop  }
0x6: {  	_ = 	snop  }
0x7: {  	_ = 	snop  }
__scs_overlays_trampoline_lowered:
0x8: {  	[smem:$0x3FA8] =	sst s0  }
0x9: {  	[smem:$0x3FA9] =	sst s1  }
0xa: {  	[smem:$0x3FAA] =	sst s2  }
0xb: {  	[smem:$0x3FAB] =	sst s3  }
0xc: {  	[smem:$0x3FAC] =	sst s4  }
0xd: {  	[smem:$0x3FAD] =	sst s5  }
0xe: {  	[smem:$0x3FAE] =	sst s6  }
0xf: {  	[smem:$0x3FAF] =	sst s7  }
0x10: {  	[smem:$0x3FB0] =	sst s8  }
0x11: {  	[smem:$0x3FB1] =	sst s9;
	s0 =	simm.s32 @!p0 $0x0  }
0x12: {  	s1 =	sld [smem:$0x3F97];
	s0 =	simm.s32 @p0 $0x1  }
0x13: {  	[smem:$0x3FB2] =	sst s0;
	s0 =	simm.s32 @!p1 $0x0  }
0x14: {  	s2 =	sld [smem:$0x3F96];
	s0 =	simm.s32 @p1 $0x1  }
0x15: {  	[smem:$0x3FB3] =	sst s0;
	s0 =	simm.s32 @!p2 $0x0  }
0x16: {  	s3 =	sld [smem:$0x3FDB];
	s0 =	simm.s32 @p2 $0x1  }
0x17: {  	s4 =	simm.s32 $0x1BF5;
	[smem:$0x3FB5] =	sst s0  }
0x18: {  	s0 =	sld [smem:$0x3F98];
	_ =	swait.ge [sflag:s4], $0x0  }
0x19: {  	s7 =	sld [smem:$0x3F99]  }
0x1a: {  	s8 =	sadd.s32 $0xFFFFE003, lr  }
0x1b: {  	s9 =	sadd.s32 $0xFFFFFEF7, lr;
	s5 =	simm.s32 $0xFFFFFFFF;
	p2 =	slt.u32 s8, $0xFFFFF086  }
0x1c: {  	p1 =	slt.u32 s9, $0xF7A;
	s5 =	simm.s32 @!p2 $0x0  }
0x1d: {  	s5 =	simm.s32 @p1 $0x1;
	p0 =	seq.s32 s7, s2  }
0x1e: {  	s7 =	smul.u32 @!p0 $0xF7A, s2;
	p2 =	seq.s32 @!p0 s5, $0x0  }
0x1f: {  	s9 =	smul.u32 $0xF7A, s1;
	s8 =	simm.s32 @!p0 $0x1BF5;
	p2 =	por !p2, p0  }
0x20: {  	[sflag:s8] =	ssyncset.s32 @!p0 $0xFFFFF086;
	s6 =	sadd.s32 @!p0 s3, s7;
	s7 =	simm.s32 @!p0 $0x108  }
0x21: {  	s3 =	sadd.s32 s3, s9;
	s6 =	sadd.s32 @!p0 $0x88, s6;
	s7 =	simm.s32 @p2 $0x1082  }
0x22: {  	[simem:s7], [sflag:s8] =	dma.local @!p0 [hbm:s6], $0xF7A  }
0x23: {  	s9 =	sor.u32 $0xD0000000, s2;
	s6 =	simm.s32 $0x108;
	_ =	swait.ge @!p0 [sflag:s8], $0x0  }
0x24: {  	s3 =	sadd.s32 $0x88, s3;
	s6 =	simm.s32 @!p1 $0x1082;
	[sflag:s4] =	ssyncset.s32 $0xFFFFF086  }
0x25: {  	[simem:s6], [sflag:s4] =	dma.local [hbm:s3], $0xF7A  }
0x26: {  	[smem:$0x3F99] =	sst s1;
	(tag) =	ssettag s2;
	_ =	strace s9  }
0x27: {  	s1 =	sld [smem:$0x3FA9]  }
0x28: {  	s2 =	sld [smem:$0x3FAA]  }
0x29: {  	s4 =	sld [smem:$0x3FAC]  }
0x2a: {  	p0 =	seq.s32 s5, $0x0;
	s5 =	sld [smem:$0x3FAD]  }
0x2b: {  	s6 =	sld [smem:$0x3FAE]  }
0x2c: {  	s7 =	sld [smem:$0x3FAF]  }
0x2d: {  	s3 =	simm.s32 $0x108;
	s8 =	sld [smem:$0x3FB0]  }
0x2e: {  	s3 =	simm.s32 @!p0 $0x1082;
	s9 =	sld [smem:$0x3FB1]  }
0x2f: {  	lr =	sadd.s32 s0, s3;
	s0 =	sld [smem:$0x3FA8]  }
0x30: {  	s3 =	sld [smem:$0x3FAB]  }
0x31: {  	[smem:$0x3FB4] =	sst s10  }
0x32: {  	s10 =	sld [smem:$0x3FB2];
	_ =	sdelay $0x3  }
0x33: {  	p0 =	seq.s32 s10, $0x1;
	s10 =	sld [smem:$0x3FB4];
	_ =	sdelay $0x3  }
0x34: {  	[smem:$0x3FB4] =	sst s10  }
0x35: {  	s10 =	sld [smem:$0x3FB3];
	_ =	sdelay $0x3  }
0x36: {  	p1 =	seq.s32 s10, $0x1;
	s10 =	sld [smem:$0x3FB4];
	_ =	sdelay $0x3  }
0x37: {  	[smem:$0x3FB4] =	sst s10  }
0x38: {  	s10 =	sld [smem:$0x3FB5]  }
0x39: {  	_ = 	snop;
	(pc) =	sbr.ind lr, $3  }
0x3a: {  	_ = 	snop  }
0x3b: {  	_ = 	snop  }
0x3c: {  	p2 =	seq.s32 s10, $0x1;
	s10 =	sld [smem:$0x3FB4]  }
0x3d: {  	_ =	shalt  }
0x3e: {  	_ =	shalt  }
0x3f: {  	_ =	shalt  }
0x40: {  	_ =	shalt  }
0x41: {  	_ =	shalt  }
0x42: {  	_ =	shalt  }
0x43: {  	_ =	shalt  }
0x44: {  	_ =	shalt  }
0x45: {  	_ =	shalt  }
0x46: {  	_ =	shalt  }
0x47: {  	_ =	shalt  }
0x48: {  	_ =	shalt  }
0x49: {  	_ =	shalt  }
0x4a: {  	_ =	shalt  }
0x4b: {  	_ =	shalt  }
0x4c: {  	_ =	shalt  }
0x4d: {  	_ =	shalt  }
0x4e: {  	_ =	shalt  }
0x4f: {  	_ =	shalt  }
0x50: {  	_ =	shalt  }
0x51: {  	_ =	shalt  }
0x52: {  	_ =	shalt  }
0x53: {  	_ =	shalt  }
0x54: {  	_ =	shalt  }
0x55: {  	_ =	shalt  }
0x56: {  	_ =	shalt  }
0x57: {  	_ =	shalt  }
0x58: {  	_ =	shalt  }
0x59: {  	_ =	shalt  }
0x5a: {  	_ =	shalt  }
0x5b: {  	_ =	shalt  }
0x5c: {  	_ =	shalt  }
0x5d: {  	_ =	shalt  }
0x5e: {  	_ =	shalt  }
0x5f: {  	_ =	shalt  }
0x60: {  	_ =	shalt  }
0x61: {  	_ =	shalt  }
0x62: {  	_ =	shalt  }
0x63: {  	_ =	shalt  }
0x64: {  	_ =	shalt  }
0x65: {  	_ =	shalt  }
0x66: {  	_ =	shalt  }
0x67: {  	_ =	shalt  }
0x68: {  	_ =	shalt  }
0x69: {  	_ =	shalt  }
0x6a: {  	_ =	shalt  }
0x6b: {  	_ =	shalt  }
0x6c: {  	_ =	shalt  }
0x6d: {  	_ =	shalt  }
0x6e: {  	_ =	shalt  }
0x6f: {  	_ =	shalt  }
0x70: {  	_ =	shalt  }
0x71: {  	_ =	shalt  }
0x72: {  	_ =	shalt  }
0x73: {  	_ =	shalt  }
0x74: {  	_ =	shalt  }
0x75: {  	_ =	shalt  }
0x76: {  	_ =	shalt  }
0x77: {  	_ =	shalt  }
0x78: {  	_ =	shalt  }
0x79: {  	_ =	shalt  }
0x7a: {  	_ =	shalt  }
0x7b: {  	_ =	shalt  }
0x7c: {  	_ =	shalt  }
0x7d: {  	_ =	shalt  }
0x7e: {  	_ =	shalt  }
0x7f: {  	_ =	shalt  }
0x80: {  	_ =	shalt  }
0x81: {  	_ =	shalt  }
0x82: {  	_ =	shalt  }
0x83: {  	_ =	shalt  }
0x84: {  	_ =	shalt  }
0x85: {  	_ =	shalt  }
0x86: {  	_ =	shalt  }
0x87: {  	_ =	shalt  }
.Lfunc_end0:
.L_simem_size_0:
called_computation.1_lowered:
.L_overlay_start_0:
0x88: {  	s2 =	sld [smem:$0x3FD9]  }
0x89: {  	s3 =	sld [smem:$0x3FFE];
	_ =	sdelay $0x1  }
0x8a: {  	s1 =	srdreg.scid  }
0x8b: {  	s0 =	sand.u32 $0x1, s1  }
0x8c: {  	s14 =	sshll.u32 s0, $0xA;
	s2 =	sadd.s32 s3, s2  }
0x8d: {  	s2 =	sadd.s32 s2, s14  }
0x8e: {  	[smem:$0x3FC0] =	sst s2  }
0x8f: {  	_ = 	snop  }
0x90: {  	s2 =	sld [smem:$0x3FD0];
	_ =	sdelay $0x2  }
0x91: {  	s15 =	simm.s32 $0xA;
	s4 =	simm.s32 $0x10  }
0x92: {  	[smem:s4], [sflag:s15] =	dma.local [hbm:s2], $0x1  }
0x93: {  	_ =	swait.eq [sflag:s15], $0x1  }
0x94: {  	[sflag:s15] =	ssyncset.done $0x0  }
0x95: {  	[sflag:s15] =	ssyncadd.s32 $0xFFFFFFFF  }
0x96: {  	s16 =	sld [smem:$0x10];
	(tm) =	ssettm $0x1  }
0x97: {  	s17 =	sld [smem:$0x3FFB];
	_ =	sdelay $0x3  }
0x98: {  	_ =	strace s17  }
0x99: {  	s3 =	sld [smem:$0x3FFC];
	_ =	sdelay $0x3  }
0x9a: {  	_ =	strace s3  }
0x9b: {  	s3 =	sld [smem:$0x3FFD];
	_ =	sdelay $0x3  }
0x9c: {  	_ =	strace s3  }
0x9d: {  	_ =	strace $0x8FFFFFFF  }
0x9e: {  	s18 =	sld [smem:$0x3FDB];
	_ =	sdelay $0x1  }
0x9f: {  	s19 =	simm.s32 $_scs_section_size  }
0xa0: {  	s5 =	simm.s32 $_size__tile_overlayer_lowered;
	s6 =	simm.s32 $_tile_overlayer_lowered  }
0xa1: {  	s22 =	simm.s32 $0x1BFF;
	s21 =	sshll.u32 s6, $0x1;
	s3 =	sadd.s32 s19, s18  }
0xa2: {  	s7 =	simm.s32 $0x0;
	s20 =	sshll.u32 s5, $0x1;
	s5 =	sadd.s32 s21, s3  }
0xa3: {  	[timem:s7], [sflag:s22] =	dma.local [hbm:s5], s20  }
0xa4: {  	_ =	swait.ge [sflag:s22], s20  }
0xa5: {  	s4 =	ssub.s32 $0x0, s20;
	[sflag:s22] =	ssyncset.done $0x0  }
0xa6: {  	[sflag:s22] =	ssyncadd.s32 s4;
	_ =	sdelay $0x1  }
0xa7: {  	s23 =	simm.s32 $0x1B8B  }
0xa8: {  	_ =	swait.ge [sflag:s23], $0x1  }
0xa9: {  	[sflag:s23] =	ssyncset.done $0x0  }
0xaa: {  	s25 =	simm.s32 $0x1B8E;
	s24 =	sld [smem:$0x3FFE];
	[sflag:s23] =	ssyncadd.s32 $0xFFFFFFFF  }
0xab: {  	s26 =	simm.s32 $execute0_lowered;
	[smem:$0x3FD2] =	sst s25  }
0xac: {  	s5 =	sshll.u32 s26, $0x1;
	_ =	strace $0x80000049;
	[dreg:$0x1] =	wrdreg $0xFFFFFFFF  }
0xad: {  	s28 =	simm.s32 $_size_execute0_lowered;
	s3 =	sadd.s32 s3, s5;
	[dreg:$0x0] =	wrdreg $0x0  }
0xae: {  	s5 =	sshll.u32 s28, $0x1;
	[dreg:$0x2] =	wrdreg s3  }
0xaf: {  	[dreg:$0x3] =	wrdreg s5  }
0xb0: {  	[dreg:$0x4] =	wrdreg $0xC0  }
0xb1: {  	_ =	task [dreg:s7], $0x5FFFF  }
0xb2: {  	[dreg:$0x1] =	wrdreg $0xFFFFFFFF  }
0xb3: {  	[dreg:$0x0] =	wrdreg $0x60  }
0xb4: {  	[dreg:$0x2] =	wrdreg s24  }
0xb5: {  	[dreg:$0x3] =	wrdreg s16  }
0xb6: {  	[dreg:$0x4] =	wrdreg $0x9  }
0xb7: {  	_ =	task.clear_ibuf [dreg:s7], $0x5FFFF;
	_ =	strace $0x90000049  }
0xb8: {  	s29 =	simm.s32 $0x9;
	_ =	strace $0x8000004B  }
0xb9: {  	_ =	swait.ge [sflag:s29], $0x1  }
0xba: {  	[sflag:s29] =	ssyncadd.s32 $0xFFFFFFFF  }
0xbb: {  	_ =	strace $0x9000004B  }
0xbc: {  	_ =	sfence  }
0xbd: {  	s30 =	sld [smem:$0x0];
	_ =	sdelay $0x2  }
0xbe: {  	s31 =	sshll.u32 s1, $0xD;
	s1 =	sshrl.u32 s1, $0x2  }
0xbf: {  	s3 =	sand.u32 $0x4000, s31;
	s1 =	sadd.s32 s1, s30  }
0xc0: {  	s0 =	sor.u32 s3, s0;
	s1 =	sshll.u32 s1, $0x11  }
0xc1: {  	s0 =	sor.u32 s1, s0  }
0xc2: {  	s0 =	sadd.s32 $0x8F2B, s0  }
0xc3: {  	[sflag:s0] =	ssyncadd.remote.s32 $0x1  }
0xc4: {  	_ =	sfence.sel $0xFFFF  }
0xc5: {  	[dreg:$0x0] =	wrdreg $0xFFFFFFFF;
	(pc) =	sbr.abs _section_cstart, $3  }
0xc6: {  	[dreg:$0x1] =	wrdreg $0xFFFFFFFF  }
0xc7: {  	_ =	task.clear_ibuf [dreg:s7], $0x2FFFF;
	_ =	strace $0x9FFFFFFF  }
0xc8: {  	(tm) =	ssettm $0x7FFFFFFF  }
0xc9: {  	_ =	shalt  }
tec
execute0_lowered:
.L_overlay_start_1:
0x0: {  	(tag) =	ssettag $0x1  }
0x1: {  	s0 =	rddreg [dreg:$0x0]  }
0x2: {  	s2 =	rddreg [dreg:$0x1]  }
0x3: {  	s1 =	simm.s32 $0x0;
	s4 =	srdreg.scid;
	s6 =	stileid.u32  }
0x4: {  	s14 =	simm.s32 $0x2;
	s15 =	simm.s32 $0x18080;
	s12 =	simm.s32 $0x10000  }
0x5: {  	s28 =	simm.s32 $0x12800;
	s29 =	simm.s32 $0x13000;
	s30 =	simm.s32 $0x13800  }
0x6: {  	s31 =	simm.s32 $0x14000;
	s13 =	simm.s32 $0x16000;
	s16 =	simm.s32 $0x17000  }
0x7: {  	s17 =	simm.s32 $0x17800;
	s18 =	simm.s32 $0x1;
	[smem:$0x7FF] =	sst s1  }
0x8: {  	s3 =	sadd.s32 $0x1A0800, s0;
	s4 =	sand.u32 $0x1, s4;
	s6 =	sshll.u32 s6, $0x6  }
0x9: {  	s8 =	sadd.s32 $0x1A0400, s0;
	s20 =	sadd.s32 $0x20000, s0;
	s5 =	ssub.s32 $0x2, s4  }
0xa: {  	_ =	strace $0x8000004A;
	s4 =	sshll.u32 s4, $0x5;
	s7 =	sshrl.u32 s5, $0x1  }
0xb: {  	s4 =	sor.u32 s4, s6;
	s6 =	simm.s32 $0x16800;
	s9 =	ssub.s32 s5, s7  }
0xc: {  	s21 =	sadd.s32 s8, s4;
	s5 =	sadd.s32 $0x1A0900, s0;
	s10 =	smul.u32 $0x300, s4  }
0xd: {  	s11 =	sor.u32 $0x10, s4;
	s4 =	sadd.s32 s20, s4;
	[dreg:$0x3] =	wrdreg s21  }
0xe: {  	s7 =	sadd.s32 $0x1A0A00, s0;
	[dreg:$0x4] =	wrdreg s4;
	s22 =	smul.u32 $0x300, s11  }
0xf: {  	s24 =	sadd.s32 s8, s11;
	s25 =	sadd.s32 s20, s11;
	s26 =	smax.u32 s9, $0x1  }
0x10: {  	s21 =	simm.s32 $0xE800;
	s11 =	simm.s32 $0xF000;
	[dreg:$0x6] =	wrdreg s24  }
0x11: {  	s4 =	simm.s32 $0x15800;
	s8 =	simm.s32 $0x0;
	[dreg:$0x7] =	wrdreg s25  }
0x12: {  	s23 =	sadd.s32 s2, s10;
	[dreg:$0x9] =	wrdreg s26;
	s24 =	simm.s32 $0x11000  }
0x13: {  	v2 =	vlaneseq.u32;
	s25 =	simm.s32 $0x11800;
	s26 =	simm.s32 $0x12000;
	[dreg:$0x5] =	wrdreg s23  }
0x14: {  	vm0 =	vmmov $0xffff;
	v1 =	vshrl.u32 v2, $0x3;
	s0 =	sadd.s32 s2, s22;
	s22 =	simm.s32 $0xF800;
	s23 =	simm.s32 $0x10800  }
0x15: {  	v0 =	vand.u32 $0x7, v2;
	v2 =	vor.u32 $0x8, v2;
	v1 =	vmul.u32 $0x8, v1;
	s2 =	simm.s32 $0x15000;
	[dreg:$0x8] =	wrdreg s0;
	s0 =	simm.s32 $0x14800  }
.LBB2_1:
0x16: {  	s9 =	rddreg [dreg:$0x3];
	s10 =	simm.s32 $0x18000  }
0x17: {  	[tilespmem:s10], [sflag:$0x2] =	stream.linear.gather [hbm4b:s9+s1], $0x80, $0x38;
	[tilespmem:$0x18100] =	vst v63  }
0x18: {  	_ =	swait.ge [sflag:s14], $0x80  }
0x19: {  	[sflag:s14] =	ssyncset.done $0x0  }
0x1a: {  	s19 =	rddreg [dreg:$0x4];
	[sflag:s14] =	ssyncadd.s32 $0xFFFFFF80  }
0x1b: {  	[tilespmem:s15], [sflag:$0x2] =	stream.linear.gather [hbm4b:s19+s1], $0x80, $0x38;
	[tilespmem:$0x18100] =	vst v63  }
0x1c: {  	_ =	swait.ge [sflag:s14], $0x80  }
0x1d: {  	[sflag:s14] =	ssyncset.done $0x0  }
0x1e: {  	[sflag:s14] =	ssyncadd.s32 $0xFFFFFF80  }
0x1f: {  	v3 =	vld [tilespmem:$0x18000];
	_ =	sdelay $0x4  }
0x20: {  	v4 =	vshrl.u32 v3, $0x3  }
0x21: {  	v4 =	vmul.u32 $0x30, v4  }
0x22: {  	v3 =	vand.u32 $0x7, v3  }
0x23: {  	v3 =	vor.u32 v3, v4  }
0x24: {  	v4 =	vperm.xlane v3, v0;
	_ =	sdelay $0x1  }
0x25: {  	v4 =	vadd.s32 v1, v4;
	_ =	sdelay $0x3  }
0x26: {  	v3 =	vperm.xlane v3, v2  }
0x27: {  	[tilespmem:s1], [sflag:$0x1] =	stream.indirect_vreg.gather [hbm4b:s3+s1], $0x80, v4, vm0, $0xb8;
	[tilespmem:$0x18100] =	vst v63  }
0x28: {  	s20 =	simm.s32 $0x800;
	v3 =	vadd.s32 v1, v3  }
0x29: {  	[tilespmem:s20], [sflag:$0x1] =	stream.indirect_vreg.gather [hbm4b:s5+s1], $0x80, v4, vm0, $0xb8;
	[tilespmem:$0x18100] =	vst v63  }
0x2a: {  	s10 =	simm.s32 $0x1000  }
0x2b: {  	[tilespmem:s10], [sflag:$0x1] =	stream.indirect_vreg.gather [hbm4b:s7+s1], $0x80, v4, vm0, $0xb8;
	[tilespmem:$0x18100] =	vst v63  }
0x2c: {  	s19 =	simm.s32 $0x1800  }
0x2d: {  	[tilespmem:s19], [sflag:$0x1] =	stream.indirect_vreg.gather [hbm4b:s3+s1], $0x80, v3, vm0, $0xb8;
	[tilespmem:$0x18100] =	vst v63  }
0x2e: {  	s20 =	simm.s32 $0x2000  }
0x2f: {  	[tilespmem:s20], [sflag:$0x1] =	stream.indirect_vreg.gather [hbm4b:s5+s1], $0x80, v3, vm0, $0xb8;
	[tilespmem:$0x18100] =	vst v63  }
0x30: {  	s10 =	simm.s32 $0x2800  }
0x31: {  	[tilespmem:s10], [sflag:$0x1] =	stream.indirect_vreg.gather [hbm4b:s7+s1], $0x80, v3, vm0, $0xb8;
	[tilespmem:$0x18100] =	vst v63  }
0x32: {  	v3 =	vld [tilespmem:$0x18010];
	_ =	sdelay $0x4  }
0x33: {  	v57 =	vshrl.u32 v3, $0x3  }
0x34: {  	v4 =	vmul.u32 $0x30, v57  }
0x35: {  	v3 =	vand.u32 $0x7, v3  }
0x36: {  	v3 =	vor.u32 v3, v4  }
0x37: {  	v4 =	vperm.xlane v3, v0;
	_ =	sdelay $0x1  }
0x38: {  	v4 =	vadd.s32 v1, v4;
	_ =	sdelay $0x3  }
0x39: {  	s19 =	simm.s32 $0x3000;
	v3 =	vperm.xlane v3, v2  }
0x3a: {  	[tilespmem:s19], [sflag:$0x1] =	stream.indirect_vreg.gather [hbm4b:s3+s1], $0x80, v4, vm0, $0xb8;
	[tilespmem:$0x18100] =	vst v63  }
0x3b: {  	s20 =	simm.s32 $0x3800;
	v3 =	vadd.s32 v1, v3  }
0x3c: {  	[tilespmem:s20], [sflag:$0x1] =	stream.indirect_vreg.gather [hbm4b:s5+s1], $0x80, v4, vm0, $0xb8;
	[tilespmem:$0x18100] =	vst v63  }
0x3d: {  	s10 =	simm.s32 $0x4000  }
0x3e: {  	[tilespmem:s10], [sflag:$0x1] =	stream.indirect_vreg.gather [hbm4b:s7+s1], $0x80, v4, vm0, $0xb8;
	[tilespmem:$0x18100] =	vst v63  }
0x3f: {  	s19 =	simm.s32 $0x4800  }
0x40: {  	[tilespmem:s19], [sflag:$0x1] =	stream.indirect_vreg.gather [hbm4b:s3+s1], $0x80, v3, vm0, $0xb8;
	[tilespmem:$0x18100] =	vst v63  }
0x41: {  	s20 =	simm.s32 $0x5000  }
0x42: {  	[tilespmem:s20], [sflag:$0x1] =	stream.indirect_vreg.gather [hbm4b:s5+s1], $0x80, v3, vm0, $0xb8;
	[tilespmem:$0x18100] =	vst v63  }
0x43: {  	s10 =	simm.s32 $0x5800  }
0x44: {  	[tilespmem:s10], [sflag:$0x1] =	stream.indirect_vreg.gather [hbm4b:s7+s1], $0x80, v3, vm0, $0xb8;
	[tilespmem:$0x18100] =	vst v63  }
0x45: {  	v3 =	vld [tilespmem:$0x18020];
	_ =	sdelay $0x4  }
0x46: {  	v58 =	vshrl.u32 v3, $0x3  }
0x47: {  	v4 =	vmul.u32 $0x30, v58  }
0x48: {  	v3 =	vand.u32 $0x7, v3  }
0x49: {  	v3 =	vor.u32 v3, v4  }
0x4a: {  	v4 =	vperm.xlane v3, v0;
	_ =	sdelay $0x1  }
0x4b: {  	v4 =	vadd.s32 v1, v4;
	_ =	sdelay $0x3  }
0x4c: {  	s19 =	simm.s32 $0x6000;
	v3 =	vperm.xlane v3, v2  }
0x4d: {  	[tilespmem:s19], [sflag:$0x1] =	stream.indirect_vreg.gather [hbm4b:s3+s1], $0x80, v4, vm0, $0xb8;
	[tilespmem:$0x18100] =	vst v63  }
0x4e: {  	s20 =	simm.s32 $0x6800;
	v3 =	vadd.s32 v1, v3  }
0x4f: {  	[tilespmem:s20], [sflag:$0x1] =	stream.indirect_vreg.gather [hbm4b:s5+s1], $0x80, v4, vm0, $0xb8;
	[tilespmem:$0x18100] =	vst v63  }
0x50: {  	s10 =	simm.s32 $0x7000  }
0x51: {  	[tilespmem:s10], [sflag:$0x1] =	stream.indirect_vreg.gather [hbm4b:s7+s1], $0x80, v4, vm0, $0xb8;
	[tilespmem:$0x18100] =	vst v63  }
0x52: {  	s19 =	simm.s32 $0x7800  }
0x53: {  	[tilespmem:s19], [sflag:$0x1] =	stream.indirect_vreg.gather [hbm4b:s3+s1], $0x80, v3, vm0, $0xb8;
	[tilespmem:$0x18100] =	vst v63  }
0x54: {  	s20 =	simm.s32 $0x8000  }
0x55: {  	[tilespmem:s20], [sflag:$0x1] =	stream.indirect_vreg.gather [hbm4b:s5+s1], $0x80, v3, vm0, $0xb8;
	[tilespmem:$0x18100] =	vst v63  }
0x56: {  	s10 =	simm.s32 $0x8800  }
0x57: {  	[tilespmem:s10], [sflag:$0x1] =	stream.indirect_vreg.gather [hbm4b:s7+s1], $0x80, v3, vm0, $0xb8;
	[tilespmem:$0x18100] =	vst v63  }
0x58: {  	v3 =	vld [tilespmem:$0x18030];
	_ =	sdelay $0x4  }
0x59: {  	v59 =	vshrl.u32 v3, $0x3  }
0x5a: {  	v4 =	vmul.u32 $0x30, v59  }
0x5b: {  	v3 =	vand.u32 $0x7, v3  }
0x5c: {  	v3 =	vor.u32 v3, v4  }
0x5d: {  	v4 =	vperm.xlane v3, v0;
	_ =	sdelay $0x1  }
0x5e: {  	v4 =	vadd.s32 v1, v4;
	_ =	sdelay $0x3  }
0x5f: {  	s19 =	simm.s32 $0x9000;
	v3 =	vperm.xlane v3, v2  }
0x60: {  	[tilespmem:s19], [sflag:$0x1] =	stream.indirect_vreg.gather [hbm4b:s3+s1], $0x80, v4, vm0, $0xb8;
	[tilespmem:$0x18100] =	vst v63  }
0x61: {  	s20 =	simm.s32 $0x9800;
	v3 =	vadd.s32 v1, v3  }
0x62: {  	[tilespmem:s20], [sflag:$0x1] =	stream.indirect_vreg.gather [hbm4b:s5+s1], $0x80, v4, vm0, $0xb8;
	[tilespmem:$0x18100] =	vst v63  }
0x63: {  	s10 =	simm.s32 $0xA000  }
0x64: {  	[tilespmem:s10], [sflag:$0x1] =	stream.indirect_vreg.gather [hbm4b:s7+s1], $0x80, v4, vm0, $0xb8;
	[tilespmem:$0x18100] =	vst v63  }
0x65: {  	s19 =	simm.s32 $0xA800  }
0x66: {  	[tilespmem:s19], [sflag:$0x1] =	stream.indirect_vreg.gather [hbm4b:s3+s1], $0x80, v3, vm0, $0xb8;
	[tilespmem:$0x18100] =	vst v63  }
0x67: {  	s20 =	simm.s32 $0xB000  }
0x68: {  	[tilespmem:s20], [sflag:$0x1] =	stream.indirect_vreg.gather [hbm4b:s5+s1], $0x80, v3, vm0, $0xb8;
	[tilespmem:$0x18100] =	vst v63  }
0x69: {  	s10 =	simm.s32 $0xB800  }
0x6a: {  	[tilespmem:s10], [sflag:$0x1] =	stream.indirect_vreg.gather [hbm4b:s7+s1], $0x80, v3, vm0, $0xb8;
	[tilespmem:$0x18100] =	vst v63  }
0x6b: {  	v3 =	vld [tilespmem:$0x18040];
	_ =	sdelay $0x4  }
0x6c: {  	v60 =	vshrl.u32 v3, $0x3  }
0x6d: {  	v4 =	vmul.u32 $0x30, v60  }
0x6e: {  	v3 =	vand.u32 $0x7, v3  }
0x6f: {  	v3 =	vor.u32 v3, v4  }
0x70: {  	v4 =	vperm.xlane v3, v0;
	_ =	sdelay $0x1  }
0x71: {  	v4 =	vadd.s32 v1, v4;
	_ =	sdelay $0x3  }
0x72: {  	s19 =	simm.s32 $0xC000;
	v3 =	vperm.xlane v3, v2  }
0x73: {  	[tilespmem:s19], [sflag:$0x1] =	stream.indirect_vreg.gather [hbm4b:s3+s1], $0x80, v4, vm0, $0xb8;
	[tilespmem:$0x18100] =	vst v63  }
0x74: {  	s20 =	simm.s32 $0xC800;
	v3 =	vadd.s32 v1, v3  }
0x75: {  	[tilespmem:s20], [sflag:$0x1] =	stream.indirect_vreg.gather [hbm4b:s5+s1], $0x80, v4, vm0, $0xb8;
	[tilespmem:$0x18100] =	vst v63  }
0x76: {  	s10 =	simm.s32 $0xD000  }
0x77: {  	[tilespmem:s10], [sflag:$0x1] =	stream.indirect_vreg.gather [hbm4b:s7+s1], $0x80, v4, vm0, $0xb8;
	[tilespmem:$0x18100] =	vst v63  }
0x78: {  	s19 =	simm.s32 $0xD800  }
0x79: {  	[tilespmem:s19], [sflag:$0x1] =	stream.indirect_vreg.gather [hbm4b:s3+s1], $0x80, v3, vm0, $0xb8;
	[tilespmem:$0x18100] =	vst v63  }
0x7a: {  	s20 =	simm.s32 $0xE000  }
0x7b: {  	[tilespmem:s20], [sflag:$0x1] =	stream.indirect_vreg.gather [hbm4b:s5+s1], $0x80, v3, vm0, $0xb8;
	[tilespmem:$0x18100] =	vst v63  }
0x7c: {  	_ = 	snop  }
0x7d: {  	[tilespmem:s21], [sflag:$0x1] =	stream.indirect_vreg.gather [hbm4b:s7+s1], $0x80, v3, vm0, $0xb8;
	[tilespmem:$0x18100] =	vst v63  }
0x7e: {  	v3 =	vld [tilespmem:$0x18050];
	_ =	sdelay $0x4  }
0x7f: {  	v61 =	vshrl.u32 v3, $0x3  }
0x80: {  	v4 =	vmul.u32 $0x30, v61  }
0x81: {  	v3 =	vand.u32 $0x7, v3  }
0x82: {  	v3 =	vor.u32 v3, v4  }
0x83: {  	v4 =	vperm.xlane v3, v0;
	_ =	sdelay $0x1  }
0x84: {  	v4 =	vadd.s32 v1, v4;
	_ =	sdelay $0x3  }
0x85: {  	v3 =	vperm.xlane v3, v2  }
0x86: {  	[tilespmem:s11], [sflag:$0x1] =	stream.indirect_vreg.gather [hbm4b:s3+s1], $0x80, v4, vm0, $0xb8;
	[tilespmem:$0x18100] =	vst v63  }
0x87: {  	v3 =	vadd.s32 v1, v3  }
0x88: {  	[tilespmem:s22], [sflag:$0x1] =	stream.indirect_vreg.gather [hbm4b:s5+s1], $0x80, v4, vm0, $0xb8;
	[tilespmem:$0x18100] =	vst v63  }
0x89: {  	_ = 	snop  }
0x8a: {  	[tilespmem:s12], [sflag:$0x1] =	stream.indirect_vreg.gather [hbm4b:s7+s1], $0x80, v4, vm0, $0xb8;
	[tilespmem:$0x18100] =	vst v63  }
0x8b: {  	_ = 	snop  }
0x8c: {  	[tilespmem:s23], [sflag:$0x1] =	stream.indirect_vreg.gather [hbm4b:s3+s1], $0x80, v3, vm0, $0xb8;
	[tilespmem:$0x18100] =	vst v63  }
0x8d: {  	_ = 	snop  }
0x8e: {  	[tilespmem:s24], [sflag:$0x1] =	stream.indirect_vreg.gather [hbm4b:s5+s1], $0x80, v3, vm0, $0xb8;
	[tilespmem:$0x18100] =	vst v63  }
0x8f: {  	_ = 	snop  }
0x90: {  	[tilespmem:s25], [sflag:$0x1] =	stream.indirect_vreg.gather [hbm4b:s7+s1], $0x80, v3, vm0, $0xb8;
	[tilespmem:$0x18100] =	vst v63  }
0x91: {  	v3 =	vld [tilespmem:$0x18060];
	_ =	sdelay $0x4  }
0x92: {  	v62 =	vshrl.u32 v3, $0x3  }
0x93: {  	v4 =	vmul.u32 $0x30, v62  }
0x94: {  	v3 =	vand.u32 $0x7, v3  }
0x95: {  	v3 =	vor.u32 v3, v4  }
0x96: {  	v4 =	vperm.xlane v3, v0;
	_ =	sdelay $0x1  }
0x97: {  	v4 =	vadd.s32 v1, v4;
	_ =	sdelay $0x3  }
0x98: {  	v3 =	vperm.xlane v3, v2  }
0x99: {  	[tilespmem:s26], [sflag:$0x1] =	stream.indirect_vreg.gather [hbm4b:s3+s1], $0x80, v4, vm0, $0xb8;
	[tilespmem:$0x18100] =	vst v63  }
0x9a: {  	v3 =	vadd.s32 v1, v3  }
0x9b: {  	[tilespmem:s28], [sflag:$0x1] =	stream.indirect_vreg.gather [hbm4b:s5+s1], $0x80, v4, vm0, $0xb8;
	[tilespmem:$0x18100] =	vst v63  }
0x9c: {  	_ = 	snop  }
0x9d: {  	[tilespmem:s29], [sflag:$0x1] =	stream.indirect_vreg.gather [hbm4b:s7+s1], $0x80, v4, vm0, $0xb8;
	[tilespmem:$0x18100] =	vst v63  }
0x9e: {  	_ = 	snop  }
0x9f: {  	[tilespmem:s30], [sflag:$0x1] =	stream.indirect_vreg.gather [hbm4b:s3+s1], $0x80, v3, vm0, $0xb8;
	[tilespmem:$0x18100] =	vst v63  }
0xa0: {  	_ = 	snop  }
0xa1: {  	[tilespmem:s31], [sflag:$0x1] =	stream.indirect_vreg.gather [hbm4b:s5+s1], $0x80, v3, vm0, $0xb8;
	[tilespmem:$0x18100] =	vst v63  }
0xa2: {  	_ = 	snop  }
0xa3: {  	[tilespmem:s0], [sflag:$0x1] =	stream.indirect_vreg.gather [hbm4b:s7+s1], $0x80, v3, vm0, $0xb8;
	[tilespmem:$0x18100] =	vst v63  }
0xa4: {  	v3 =	vld [tilespmem:$0x18070];
	_ =	sdelay $0x4  }
0xa5: {  	v63 =	vshrl.u32 v3, $0x3  }
0xa6: {  	v4 =	vmul.u32 $0x30, v63  }
0xa7: {  	v3 =	vand.u32 $0x7, v3  }
0xa8: {  	v3 =	vor.u32 v3, v4  }
0xa9: {  	v4 =	vperm.xlane v3, v0;
	_ =	sdelay $0x1  }
0xaa: {  	v4 =	vadd.s32 v1, v4;
	_ =	sdelay $0x3  }
0xab: {  	v3 =	vperm.xlane v3, v2  }
0xac: {  	[tilespmem:s2], [sflag:$0x1] =	stream.indirect_vreg.gather [hbm4b:s3+s1], $0x80, v4, vm0, $0xb8;
	[tilespmem:$0x18100] =	vst v63  }
0xad: {  	v3 =	vadd.s32 v1, v3  }
0xae: {  	[tilespmem:s4], [sflag:$0x1] =	stream.indirect_vreg.gather [hbm4b:s5+s1], $0x80, v4, vm0, $0xb8;
	[tilespmem:$0x18100] =	vst v63  }
0xaf: {  	_ = 	snop  }
0xb0: {  	[tilespmem:s13], [sflag:$0x1] =	stream.indirect_vreg.gather [hbm4b:s7+s1], $0x80, v4, vm0, $0xb8;
	[tilespmem:$0x18100] =	vst v63  }
0xb1: {  	_ = 	snop  }
0xb2: {  	[tilespmem:s6], [sflag:$0x1] =	stream.indirect_vreg.gather [hbm4b:s3+s1], $0x80, v3, vm0, $0xb8;
	[tilespmem:$0x18100] =	vst v63  }
0xb3: {  	_ = 	snop  }
0xb4: {  	[tilespmem:s16], [sflag:$0x1] =	stream.indirect_vreg.gather [hbm4b:s5+s1], $0x80, v3, vm0, $0xb8;
	[tilespmem:$0x18100] =	vst v63  }
0xb5: {  	_ = 	snop  }
0xb6: {  	[tilespmem:s17], [sflag:$0x1] =	stream.indirect_vreg.gather [hbm4b:s7+s1], $0x80, v3, vm0, $0xb8;
	[tilespmem:$0x18100] =	vst v63  }
0xb7: {  	_ =	swait.ge [sflag:s18], $0x18000  }
0xb8: {  	[sflag:s18] =	ssyncset.done $0x0  }
0xb9: {  	s9 =	simm.s32 $0x0;
	s19 =	simm.s32 $0x0;
	[sflag:s18] =	ssyncadd.s32 $0xFFFE8000  }
.LBB2_2:
0xba: {  	v3 =	vmov s9  }
0xbb: {  	s20 =	sshrl.u32 s9, $0x3  }
0xbc: {  	s20 =	smul.u32 $0x6000, s20;
	_ =	sdelay $0x1  }
0xbd: {  	s10 =	sand.u32 $0x380, s19;
	s20 =	sshra.s32 s20, $0x2  }
0xbe: {  	s20 =	sor.u32 s10, s20;
	v3 =	vld.idx.msk [tilespmem:v3+s15+$0x0], $0xffff  }
0xbf: {  	v4 =	vld [tilespmem:s20+$0x0]  }
0xc0: {  	v5 =	vld [tilespmem:s20+$0x10]  }
0xc1: {  	v6 =	vld [tilespmem:s20+$0x20]  }
0xc2: {  	v7 =	vld [tilespmem:s20+$0x30]  }
0xc3: {  	v8 =	vld [tilespmem:s20+$0x40]  }
0xc4: {  	v9 =	vld [tilespmem:s20+$0x50];
	v4 =	vmul.f32 v4, v3  }
0xc5: {  	v10 =	vld [tilespmem:s20+$0x60];
	v5 =	vmul.f32 v5, v3  }
0xc6: {  	v31 =	vld [tilespmem:s20+$0x70];
	v30 =	vmul.f32 v6, v3;
	[tilespmem:s20+$0x0] =	vst v4  }
0xc7: {  	v33 =	vld [tilespmem:s20+$0x400];
	v32 =	vmul.f32 v7, v3;
	[tilespmem:s20+$0x10] =	vst v5  }
0xc8: {  	v35 =	vld [tilespmem:s20+$0x410];
	v34 =	vmul.f32 v8, v3;
	[tilespmem:s20+$0x20] =	vst v30  }
0xc9: {  	v37 =	vld [tilespmem:s20+$0x420];
	v36 =	vmul.f32 v9, v3;
	[tilespmem:s20+$0x30] =	vst v32  }
0xca: {  	v39 =	vld [tilespmem:s20+$0x430];
	v38 =	vmul.f32 v10, v3;
	[tilespmem:s20+$0x40] =	vst v34  }
0xcb: {  	v41 =	vld [tilespmem:s20+$0x440];
	v40 =	vmul.f32 v31, v3;
	[tilespmem:s20+$0x50] =	vst v36  }
0xcc: {  	v43 =	vld [tilespmem:s20+$0x450];
	v42 =	vmul.f32 v33, v3;
	[tilespmem:s20+$0x60] =	vst v38  }
0xcd: {  	v45 =	vld [tilespmem:s20+$0x460];
	v44 =	vmul.f32 v35, v3;
	[tilespmem:s20+$0x70] =	vst v40  }
0xce: {  	v47 =	vld [tilespmem:s20+$0x470];
	v46 =	vmul.f32 v37, v3;
	[tilespmem:s20+$0x400] =	vst v42  }
0xcf: {  	v49 =	vld [tilespmem:s20+$0x800];
	v48 =	vmul.f32 v39, v3;
	[tilespmem:s20+$0x410] =	vst v44  }
0xd0: {  	v51 =	vld [tilespmem:s20+$0x810];
	v50 =	vmul.f32 v41, v3;
	[tilespmem:s20+$0x420] =	vst v46  }
0xd1: {  	v53 =	vld [tilespmem:s20+$0x820];
	v52 =	vmul.f32 v43, v3;
	[tilespmem:s20+$0x430] =	vst v48  }
0xd2: {  	v55 =	vld [tilespmem:s20+$0x830];
	v54 =	vmul.f32 v45, v3;
	[tilespmem:s20+$0x440] =	vst v50  }
0xd3: {  	v57 =	vld [tilespmem:s20+$0x840];
	v56 =	vmul.f32 v47, v3;
	[tilespmem:s20+$0x450] =	vst v52  }
0xd4: {  	v59 =	vld [tilespmem:s20+$0x850];
	v58 =	vmul.f32 v49, v3;
	[tilespmem:s20+$0x460] =	vst v54  }
0xd5: {  	v61 =	vld [tilespmem:s20+$0x860];
	v60 =	vmul.f32 v51, v3;
	[tilespmem:s20+$0x470] =	vst v56  }
0xd6: {  	v63 =	vld [tilespmem:s20+$0x870];
	v62 =	vmul.f32 v53, v3;
	[tilespmem:s20+$0x800] =	vst v58  }
0xd7: {  	v13 =	vld [tilespmem:s20+$0xC00];
	v12 =	vmul.f32 v55, v3;
	[tilespmem:s20+$0x810] =	vst v60  }
0xd8: {  	v15 =	vld [tilespmem:s20+$0xC10];
	v14 =	vmul.f32 v57, v3;
	[tilespmem:s20+$0x820] =	vst v62  }
0xd9: {  	v17 =	vld [tilespmem:s20+$0xC20];
	v16 =	vmul.f32 v59, v3;
	[tilespmem:s20+$0x830] =	vst v12  }
0xda: {  	v19 =	vld [tilespmem:s20+$0xC30];
	v18 =	vmul.f32 v61, v3;
	[tilespmem:s20+$0x840] =	vst v14  }
0xdb: {  	v21 =	vld [tilespmem:s20+$0xC40];
	v20 =	vmul.f32 v63, v3;
	[tilespmem:s20+$0x850] =	vst v16  }
0xdc: {  	v23 =	vld [tilespmem:s20+$0xC50];
	v22 =	vmul.f32 v13, v3;
	[tilespmem:s20+$0x860] =	vst v18  }
0xdd: {  	v25 =	vld [tilespmem:s20+$0xC60];
	v24 =	vmul.f32 v15, v3;
	[tilespmem:s20+$0x870] =	vst v20  }
0xde: {  	v27 =	vld [tilespmem:s20+$0xC70];
	v26 =	vmul.f32 v17, v3;
	[tilespmem:s20+$0xC00] =	vst v22  }
0xdf: {  	v29 =	vld [tilespmem:s20+$0x1000];
	v28 =	vmul.f32 v19, v3;
	[tilespmem:s20+$0xC10] =	vst v24  }
0xe0: {  	v31 =	vld [tilespmem:s20+$0x1010];
	[tilespmem:s20+$0xC20] =	vst v26;
	v30 =	vmul.f32 v21, v3  }
0xe1: {  	v33 =	vld [tilespmem:s20+$0x1020];
	[tilespmem:s20+$0xC30] =	vst v28;
	v32 =	vmul.f32 v23, v3  }
0xe2: {  	v35 =	vld [tilespmem:s20+$0x1030];
	v34 =	vmul.f32 v25, v3;
	[tilespmem:s20+$0xC40] =	vst v30  }
0xe3: {  	v37 =	vld [tilespmem:s20+$0x1040];
	v36 =	vmul.f32 v27, v3;
	[tilespmem:s20+$0xC50] =	vst v32  }
0xe4: {  	v39 =	vld [tilespmem:s20+$0x1050];
	v38 =	vmul.f32 v29, v3;
	[tilespmem:s20+$0xC60] =	vst v34  }
0xe5: {  	v41 =	vld [tilespmem:s20+$0x1060];
	[tilespmem:s20+$0xC70] =	vst v36;
	v40 =	vmul.f32 v31, v3  }
0xe6: {  	v43 =	vld [tilespmem:s20+$0x1070];
	[tilespmem:s20+$0x1000] =	vst v38;
	v42 =	vmul.f32 v33, v3  }
0xe7: {  	v45 =	vld [tilespmem:s20+$0x1400];
	v44 =	vmul.f32 v35, v3;
	[tilespmem:s20+$0x1010] =	vst v40  }
0xe8: {  	v47 =	vld [tilespmem:s20+$0x1410];
	v46 =	vmul.f32 v37, v3;
	[tilespmem:s20+$0x1020] =	vst v42  }
0xe9: {  	v49 =	vld [tilespmem:s20+$0x1420];
	v48 =	vmul.f32 v39, v3;
	[tilespmem:s20+$0x1030] =	vst v44  }
0xea: {  	v51 =	vld [tilespmem:s20+$0x1430];
	v50 =	vmul.f32 v41, v3;
	[tilespmem:s20+$0x1040] =	vst v46  }
0xeb: {  	v53 =	vld [tilespmem:s20+$0x1440];
	v52 =	vmul.f32 v43, v3;
	[tilespmem:s20+$0x1050] =	vst v48  }
0xec: {  	v55 =	vld [tilespmem:s20+$0x1450];
	v54 =	vmul.f32 v45, v3;
	[tilespmem:s20+$0x1060] =	vst v50  }
0xed: {  	v57 =	vld [tilespmem:s20+$0x1460];
	v56 =	vmul.f32 v47, v3;
	[tilespmem:s20+$0x1070] =	vst v52  }
0xee: {  	v59 =	vld [tilespmem:s20+$0x1470];
	v58 =	vmul.f32 v49, v3;
	[tilespmem:s20+$0x1400] =	vst v54  }
0xef: {  	v60 =	vmul.f32 v51, v3;
	[tilespmem:s20+$0x1410] =	vst v56  }
0xf0: {  	p0 =	sne.s32 s9, $0x7F;
	v61 =	vmul.f32 v53, v3;
	[tilespmem:s20+$0x1420] =	vst v58  }
.Ltmp0:
0xf1: {  	v62 =	vmul.f32 v55, v3;
	[tilespmem:s20+$0x1430] =	vst v60;
	(pc) =	sbr.rel @p0 .LBB2_2-.Ltmp0, $4  }
0xf2: {  	v63 =	vmul.f32 v57, v3;
	[tilespmem:s20+$0x1440] =	vst v61  }
0xf3: {  	v3 =	vmul.f32 v59, v3;
	[tilespmem:s20+$0x1450] =	vst v62  }
0xf4: {  	[tilespmem:s20+$0x1460] =	vst v63  }
0xf5: {  	s19 =	sadd.s32 $0x80, s19;
	s9 =	sadd.s32 $0x1, s9;
	[tilespmem:s20+$0x1470] =	vst v3  }
0xf6: {  	s19 =	simm.s32 $0x0;
	s9 =	rddreg [dreg:$0x5]  }
0xf7: {  	[hbm4b:s9+s19] =	stream.linear.scatter [tilespmem:s19], [sflag:$0x2], $0x18000, $0x38;
	[tilespmem:$0x18100] =	vst v63  }
0xf8: {  	_ =	swait.ge [sflag:s14], $0x18000  }
0xf9: {  	[sflag:s14] =	ssyncset.done $0x0  }
0xfa: {  	s10 =	simm.s32 $0x18000;
	s20 =	rddreg [dreg:$0x6];
	[sflag:s14] =	ssyncadd.s32 $0xFFFE8000  }
0xfb: {  	[tilespmem:s10], [sflag:$0x2] =	stream.linear.gather [hbm4b:s20+s19], $0x80, $0x38;
	[tilespmem:$0x18100] =	vst v63  }
0xfc: {  	_ =	swait.ge [sflag:s14], $0x80  }
0xfd: {  	[sflag:s14] =	ssyncset.done $0x0  }
0xfe: {  	s20 =	rddreg [dreg:$0x7];
	[sflag:s14] =	ssyncadd.s32 $0xFFFFFF80  }
0xff: {  	[tilespmem:s15], [sflag:$0x2] =	stream.linear.gather [hbm4b:s20+s19], $0x80, $0x38;
	[tilespmem:$0x18100] =	vst v63  }
0x100: {  	_ =	swait.ge [sflag:s14], $0x80  }
0x101: {  	[sflag:s14] =	ssyncset.done $0x0  }
0x102: {  	[sflag:s14] =	ssyncadd.s32 $0xFFFFFF80  }
0x103: {  	v3 =	vld [tilespmem:$0x18000];
	_ =	sdelay $0x4  }
0x104: {  	v4 =	vshrl.u32 v3, $0x3  }
0x105: {  	v4 =	vmul.u32 $0x30, v4  }
0x106: {  	v3 =	vand.u32 $0x7, v3  }
0x107: {  	v3 =	vor.u32 v3, v4  }
0x108: {  	v4 =	vperm.xlane v3, v0;
	_ =	sdelay $0x1  }
0x109: {  	v4 =	vadd.s32 v1, v4;
	_ =	sdelay $0x3  }
0x10a: {  	v3 =	vperm.xlane v3, v2  }
0x10b: {  	[tilespmem:s19], [sflag:$0x1] =	stream.indirect_vreg.gather [hbm4b:s3+s19], $0x80, v4, vm0, $0xb8;
	[tilespmem:$0x18100] =	vst v63  }
0x10c: {  	s10 =	simm.s32 $0x800;
	v3 =	vadd.s32 v1, v3  }
0x10d: {  	[tilespmem:s10], [sflag:$0x1] =	stream.indirect_vreg.gather [hbm4b:s5+s19], $0x80, v4, vm0, $0xb8;
	[tilespmem:$0x18100] =	vst v63  }
0x10e: {  	s20 =	simm.s32 $0x1000  }
0x10f: {  	[tilespmem:s20], [sflag:$0x1] =	stream.indirect_vreg.gather [hbm4b:s7+s19], $0x80, v4, vm0, $0xb8;
	[tilespmem:$0x18100] =	vst v63  }
0x110: {  	s10 =	simm.s32 $0x1800  }
0x111: {  	[tilespmem:s10], [sflag:$0x1] =	stream.indirect_vreg.gather [hbm4b:s3+s19], $0x80, v3, vm0, $0xb8;
	[tilespmem:$0x18100] =	vst v63  }
0x112: {  	s20 =	simm.s32 $0x2000  }
0x113: {  	[tilespmem:s20], [sflag:$0x1] =	stream.indirect_vreg.gather [hbm4b:s5+s19], $0x80, v3, vm0, $0xb8;
	[tilespmem:$0x18100] =	vst v63  }
0x114: {  	s10 =	simm.s32 $0x2800  }
0x115: {  	[tilespmem:s10], [sflag:$0x1] =	stream.indirect_vreg.gather [hbm4b:s7+s19], $0x80, v3, vm0, $0xb8;
	[tilespmem:$0x18100] =	vst v63  }
0x116: {  	v3 =	vld [tilespmem:$0x18010];
	_ =	sdelay $0x4  }
0x117: {  	v57 =	vshrl.u32 v3, $0x3  }
0x118: {  	v4 =	vmul.u32 $0x30, v57  }
0x119: {  	v3 =	vand.u32 $0x7, v3  }
0x11a: {  	v3 =	vor.u32 v3, v4  }
0x11b: {  	v4 =	vperm.xlane v3, v0;
	_ =	sdelay $0x1  }
0x11c: {  	v4 =	vadd.s32 v1, v4;
	_ =	sdelay $0x3  }
0x11d: {  	s20 =	simm.s32 $0x3000;
	v3 =	vperm.xlane v3, v2  }
0x11e: {  	[tilespmem:s20], [sflag:$0x1] =	stream.indirect_vreg.gather [hbm4b:s3+s19], $0x80, v4, vm0, $0xb8;
	[tilespmem:$0x18100] =	vst v63  }
0x11f: {  	s10 =	simm.s32 $0x3800;
	v3 =	vadd.s32 v1, v3  }
0x120: {  	[tilespmem:s10], [sflag:$0x1] =	stream.indirect_vreg.gather [hbm4b:s5+s19], $0x80, v4, vm0, $0xb8;
	[tilespmem:$0x18100] =	vst v63  }
0x121: {  	s20 =	simm.s32 $0x4000  }
0x122: {  	[tilespmem:s20], [sflag:$0x1] =	stream.indirect_vreg.gather [hbm4b:s7+s19], $0x80, v4, vm0, $0xb8;
	[tilespmem:$0x18100] =	vst v63  }
0x123: {  	s10 =	simm.s32 $0x4800  }
0x124: {  	[tilespmem:s10], [sflag:$0x1] =	stream.indirect_vreg.gather [hbm4b:s3+s19], $0x80, v3, vm0, $0xb8;
	[tilespmem:$0x18100] =	vst v63  }
0x125: {  	s20 =	simm.s32 $0x5000  }
0x126: {  	[tilespmem:s20], [sflag:$0x1] =	stream.indirect_vreg.gather [hbm4b:s5+s19], $0x80, v3, vm0, $0xb8;
	[tilespmem:$0x18100] =	vst v63  }
0x127: {  	s10 =	simm.s32 $0x5800  }
0x128: {  	[tilespmem:s10], [sflag:$0x1] =	stream.indirect_vreg.gather [hbm4b:s7+s19], $0x80, v3, vm0, $0xb8;
	[tilespmem:$0x18100] =	vst v63  }
0x129: {  	v3 =	vld [tilespmem:$0x18020];
	_ =	sdelay $0x4  }
0x12a: {  	v58 =	vshrl.u32 v3, $0x3  }
0x12b: {  	v4 =	vmul.u32 $0x30, v58  }
0x12c: {  	v3 =	vand.u32 $0x7, v3  }
0x12d: {  	v3 =	vor.u32 v3, v4  }
0x12e: {  	v4 =	vperm.xlane v3, v0;
	_ =	sdelay $0x1  }
0x12f: {  	v4 =	vadd.s32 v1, v4;
	_ =	sdelay $0x3  }
0x130: {  	s20 =	simm.s32 $0x6000;
	v3 =	vperm.xlane v3, v2  }
0x131: {  	[tilespmem:s20], [sflag:$0x1] =	stream.indirect_vreg.gather [hbm4b:s3+s19], $0x80, v4, vm0, $0xb8;
	[tilespmem:$0x18100] =	vst v63  }
0x132: {  	s10 =	simm.s32 $0x6800;
	v3 =	vadd.s32 v1, v3  }
0x133: {  	[tilespmem:s10], [sflag:$0x1] =	stream.indirect_vreg.gather [hbm4b:s5+s19], $0x80, v4, vm0, $0xb8;
	[tilespmem:$0x18100] =	vst v63  }
0x134: {  	s20 =	simm.s32 $0x7000  }
0x135: {  	[tilespmem:s20], [sflag:$0x1] =	stream.indirect_vreg.gather [hbm4b:s7+s19], $0x80, v4, vm0, $0xb8;
	[tilespmem:$0x18100] =	vst v63  }
0x136: {  	s10 =	simm.s32 $0x7800  }
0x137: {  	[tilespmem:s10], [sflag:$0x1] =	stream.indirect_vreg.gather [hbm4b:s3+s19], $0x80, v3, vm0, $0xb8;
	[tilespmem:$0x18100] =	vst v63  }
0x138: {  	s20 =	simm.s32 $0x8000  }
0x139: {  	[tilespmem:s20], [sflag:$0x1] =	stream.indirect_vreg.gather [hbm4b:s5+s19], $0x80, v3, vm0, $0xb8;
	[tilespmem:$0x18100] =	vst v63  }
0x13a: {  	s10 =	simm.s32 $0x8800  }
0x13b: {  	[tilespmem:s10], [sflag:$0x1] =	stream.indirect_vreg.gather [hbm4b:s7+s19], $0x80, v3, vm0, $0xb8;
	[tilespmem:$0x18100] =	vst v63  }
0x13c: {  	v3 =	vld [tilespmem:$0x18030];
	_ =	sdelay $0x4  }
0x13d: {  	v59 =	vshrl.u32 v3, $0x3  }
0x13e: {  	v4 =	vmul.u32 $0x30, v59  }
0x13f: {  	v3 =	vand.u32 $0x7, v3  }
0x140: {  	v3 =	vor.u32 v3, v4  }
0x141: {  	v4 =	vperm.xlane v3, v0;
	_ =	sdelay $0x1  }
0x142: {  	v4 =	vadd.s32 v1, v4;
	_ =	sdelay $0x3  }
0x143: {  	s20 =	simm.s32 $0x9000;
	v3 =	vperm.xlane v3, v2  }
0x144: {  	[tilespmem:s20], [sflag:$0x1] =	stream.indirect_vreg.gather [hbm4b:s3+s19], $0x80, v4, vm0, $0xb8;
	[tilespmem:$0x18100] =	vst v63  }
0x145: {  	s10 =	simm.s32 $0x9800;
	v3 =	vadd.s32 v1, v3  }
0x146: {  	[tilespmem:s10], [sflag:$0x1] =	stream.indirect_vreg.gather [hbm4b:s5+s19], $0x80, v4, vm0, $0xb8;
	[tilespmem:$0x18100] =	vst v63  }
0x147: {  	s20 =	simm.s32 $0xA000  }
0x148: {  	[tilespmem:s20], [sflag:$0x1] =	stream.indirect_vreg.gather [hbm4b:s7+s19], $0x80, v4, vm0, $0xb8;
	[tilespmem:$0x18100] =	vst v63  }
0x149: {  	s10 =	simm.s32 $0xA800  }
0x14a: {  	[tilespmem:s10], [sflag:$0x1] =	stream.indirect_vreg.gather [hbm4b:s3+s19], $0x80, v3, vm0, $0xb8;
	[tilespmem:$0x18100] =	vst v63  }
0x14b: {  	s20 =	simm.s32 $0xB000  }
0x14c: {  	[tilespmem:s20], [sflag:$0x1] =	stream.indirect_vreg.gather [hbm4b:s5+s19], $0x80, v3, vm0, $0xb8;
	[tilespmem:$0x18100] =	vst v63  }
0x14d: {  	s10 =	simm.s32 $0xB800  }
0x14e: {  	[tilespmem:s10], [sflag:$0x1] =	stream.indirect_vreg.gather [hbm4b:s7+s19], $0x80, v3, vm0, $0xb8;
	[tilespmem:$0x18100] =	vst v63  }
0x14f: {  	v3 =	vld [tilespmem:$0x18040];
	_ =	sdelay $0x4  }
0x150: {  	v60 =	vshrl.u32 v3, $0x3  }
0x151: {  	v4 =	vmul.u32 $0x30, v60  }
0x152: {  	v3 =	vand.u32 $0x7, v3  }
0x153: {  	v3 =	vor.u32 v3, v4  }
0x154: {  	v4 =	vperm.xlane v3, v0;
	_ =	sdelay $0x1  }
0x155: {  	v4 =	vadd.s32 v1, v4;
	_ =	sdelay $0x3  }
0x156: {  	s20 =	simm.s32 $0xC000;
	v3 =	vperm.xlane v3, v2  }
0x157: {  	[tilespmem:s20], [sflag:$0x1] =	stream.indirect_vreg.gather [hbm4b:s3+s19], $0x80, v4, vm0, $0xb8;
	[tilespmem:$0x18100] =	vst v63  }
0x158: {  	s10 =	simm.s32 $0xC800;
	v3 =	vadd.s32 v1, v3  }
0x159: {  	[tilespmem:s10], [sflag:$0x1] =	stream.indirect_vreg.gather [hbm4b:s5+s19], $0x80, v4, vm0, $0xb8;
	[tilespmem:$0x18100] =	vst v63  }
0x15a: {  	s20 =	simm.s32 $0xD000  }
0x15b: {  	[tilespmem:s20], [sflag:$0x1] =	stream.indirect_vreg.gather [hbm4b:s7+s19], $0x80, v4, vm0, $0xb8;
	[tilespmem:$0x18100] =	vst v63  }
0x15c: {  	s10 =	simm.s32 $0xD800  }
0x15d: {  	[tilespmem:s10], [sflag:$0x1] =	stream.indirect_vreg.gather [hbm4b:s3+s19], $0x80, v3, vm0, $0xb8;
	[tilespmem:$0x18100] =	vst v63  }
0x15e: {  	s20 =	simm.s32 $0xE000  }
0x15f: {  	[tilespmem:s20], [sflag:$0x1] =	stream.indirect_vreg.gather [hbm4b:s5+s19], $0x80, v3, vm0, $0xb8;
	[tilespmem:$0x18100] =	vst v63  }
0x160: {  	_ = 	snop  }
0x161: {  	[tilespmem:s21], [sflag:$0x1] =	stream.indirect_vreg.gather [hbm4b:s7+s19], $0x80, v3, vm0, $0xb8;
	[tilespmem:$0x18100] =	vst v63  }
0x162: {  	v3 =	vld [tilespmem:$0x18050];
	_ =	sdelay $0x4  }
0x163: {  	v61 =	vshrl.u32 v3, $0x3  }
0x164: {  	v4 =	vmul.u32 $0x30, v61  }
0x165: {  	v3 =	vand.u32 $0x7, v3  }
0x166: {  	v3 =	vor.u32 v3, v4  }
0x167: {  	v4 =	vperm.xlane v3, v0;
	_ =	sdelay $0x1  }
0x168: {  	v4 =	vadd.s32 v1, v4;
	_ =	sdelay $0x3  }
0x169: {  	v3 =	vperm.xlane v3, v2  }
0x16a: {  	[tilespmem:s11], [sflag:$0x1] =	stream.indirect_vreg.gather [hbm4b:s3+s19], $0x80, v4, vm0, $0xb8;
	[tilespmem:$0x18100] =	vst v63  }
0x16b: {  	v3 =	vadd.s32 v1, v3  }
0x16c: {  	[tilespmem:s22], [sflag:$0x1] =	stream.indirect_vreg.gather [hbm4b:s5+s19], $0x80, v4, vm0, $0xb8;
	[tilespmem:$0x18100] =	vst v63  }
0x16d: {  	_ = 	snop  }
0x16e: {  	[tilespmem:s12], [sflag:$0x1] =	stream.indirect_vreg.gather [hbm4b:s7+s19], $0x80, v4, vm0, $0xb8;
	[tilespmem:$0x18100] =	vst v63  }
0x16f: {  	_ = 	snop  }
0x170: {  	[tilespmem:s23], [sflag:$0x1] =	stream.indirect_vreg.gather [hbm4b:s3+s19], $0x80, v3, vm0, $0xb8;
	[tilespmem:$0x18100] =	vst v63  }
0x171: {  	_ = 	snop  }
0x172: {  	[tilespmem:s24], [sflag:$0x1] =	stream.indirect_vreg.gather [hbm4b:s5+s19], $0x80, v3, vm0, $0xb8;
	[tilespmem:$0x18100] =	vst v63  }
0x173: {  	_ = 	snop  }
0x174: {  	[tilespmem:s25], [sflag:$0x1] =	stream.indirect_vreg.gather [hbm4b:s7+s19], $0x80, v3, vm0, $0xb8;
	[tilespmem:$0x18100] =	vst v63  }
0x175: {  	v3 =	vld [tilespmem:$0x18060];
	_ =	sdelay $0x4  }
0x176: {  	v62 =	vshrl.u32 v3, $0x3  }
0x177: {  	v4 =	vmul.u32 $0x30, v62  }
0x178: {  	v3 =	vand.u32 $0x7, v3  }
0x179: {  	v3 =	vor.u32 v3, v4  }
0x17a: {  	v4 =	vperm.xlane v3, v0;
	_ =	sdelay $0x1  }
0x17b: {  	v4 =	vadd.s32 v1, v4;
	_ =	sdelay $0x3  }
0x17c: {  	v3 =	vperm.xlane v3, v2  }
0x17d: {  	[tilespmem:s26], [sflag:$0x1] =	stream.indirect_vreg.gather [hbm4b:s3+s19], $0x80, v4, vm0, $0xb8;
	[tilespmem:$0x18100] =	vst v63  }
0x17e: {  	v3 =	vadd.s32 v1, v3  }
0x17f: {  	[tilespmem:s28], [sflag:$0x1] =	stream.indirect_vreg.gather [hbm4b:s5+s19], $0x80, v4, vm0, $0xb8;
	[tilespmem:$0x18100] =	vst v63  }
0x180: {  	_ = 	snop  }
0x181: {  	[tilespmem:s29], [sflag:$0x1] =	stream.indirect_vreg.gather [hbm4b:s7+s19], $0x80, v4, vm0, $0xb8;
	[tilespmem:$0x18100] =	vst v63  }
0x182: {  	_ = 	snop  }
0x183: {  	[tilespmem:s30], [sflag:$0x1] =	stream.indirect_vreg.gather [hbm4b:s3+s19], $0x80, v3, vm0, $0xb8;
	[tilespmem:$0x18100] =	vst v63  }
0x184: {  	_ = 	snop  }
0x185: {  	[tilespmem:s31], [sflag:$0x1] =	stream.indirect_vreg.gather [hbm4b:s5+s19], $0x80, v3, vm0, $0xb8;
	[tilespmem:$0x18100] =	vst v63  }
0x186: {  	_ = 	snop  }
0x187: {  	[tilespmem:s0], [sflag:$0x1] =	stream.indirect_vreg.gather [hbm4b:s7+s19], $0x80, v3, vm0, $0xb8;
	[tilespmem:$0x18100] =	vst v63  }
0x188: {  	v3 =	vld [tilespmem:$0x18070];
	_ =	sdelay $0x4  }
0x189: {  	v63 =	vshrl.u32 v3, $0x3  }
0x18a: {  	v4 =	vmul.u32 $0x30, v63  }
0x18b: {  	v3 =	vand.u32 $0x7, v3  }
0x18c: {  	v3 =	vor.u32 v3, v4  }
0x18d: {  	v4 =	vperm.xlane v3, v0;
	_ =	sdelay $0x1  }
0x18e: {  	v4 =	vadd.s32 v1, v4;
	_ =	sdelay $0x3  }
0x18f: {  	v3 =	vperm.xlane v3, v2  }
0x190: {  	[tilespmem:s2], [sflag:$0x1] =	stream.indirect_vreg.gather [hbm4b:s3+s19], $0x80, v4, vm0, $0xb8;
	[tilespmem:$0x18100] =	vst v63  }
0x191: {  	v3 =	vadd.s32 v1, v3  }
0x192: {  	[tilespmem:s4], [sflag:$0x1] =	stream.indirect_vreg.gather [hbm4b:s5+s19], $0x80, v4, vm0, $0xb8;
	[tilespmem:$0x18100] =	vst v63  }
0x193: {  	_ = 	snop  }
0x194: {  	[tilespmem:s13], [sflag:$0x1] =	stream.indirect_vreg.gather [hbm4b:s7+s19], $0x80, v4, vm0, $0xb8;
	[tilespmem:$0x18100] =	vst v63  }
0x195: {  	_ = 	snop  }
0x196: {  	[tilespmem:s6], [sflag:$0x1] =	stream.indirect_vreg.gather [hbm4b:s3+s19], $0x80, v3, vm0, $0xb8;
	[tilespmem:$0x18100] =	vst v63  }
0x197: {  	_ = 	snop  }
0x198: {  	[tilespmem:s16], [sflag:$0x1] =	stream.indirect_vreg.gather [hbm4b:s5+s19], $0x80, v3, vm0, $0xb8;
	[tilespmem:$0x18100] =	vst v63  }
0x199: {  	_ = 	snop  }
0x19a: {  	[tilespmem:s17], [sflag:$0x1] =	stream.indirect_vreg.gather [hbm4b:s7+s19], $0x80, v3, vm0, $0xb8;
	[tilespmem:$0x18100] =	vst v63  }
0x19b: {  	_ =	swait.ge [sflag:s18], $0x18000  }
0x19c: {  	[sflag:s18] =	ssyncset.done $0x0  }
0x19d: {  	s9 =	simm.s32 $0x0;
	[sflag:s18] =	ssyncadd.s32 $0xFFFE8000  }
.LBB2_4:
0x19e: {  	v3 =	vmov s9  }
0x19f: {  	s10 =	sshrl.u32 s9, $0x3  }
0x1a0: {  	s10 =	smul.u32 $0x6000, s10;
	_ =	sdelay $0x1  }
0x1a1: {  	s20 =	sand.u32 $0x380, s19;
	s10 =	sshra.s32 s10, $0x2  }
0x1a2: {  	s20 =	sor.u32 s20, s10;
	v3 =	vld.idx.msk [tilespmem:v3+s15+$0x0], $0xffff  }
0x1a3: {  	v4 =	vld [tilespmem:s20+$0x0]  }
0x1a4: {  	v5 =	vld [tilespmem:s20+$0x10]  }
0x1a5: {  	v6 =	vld [tilespmem:s20+$0x20]  }
0x1a6: {  	v7 =	vld [tilespmem:s20+$0x30]  }
0x1a7: {  	v8 =	vld [tilespmem:s20+$0x40]  }
0x1a8: {  	v9 =	vld [tilespmem:s20+$0x50];
	v4 =	vmul.f32 v4, v3  }
0x1a9: {  	v10 =	vld [tilespmem:s20+$0x60];
	v5 =	vmul.f32 v5, v3  }
0x1aa: {  	v31 =	vld [tilespmem:s20+$0x70];
	v30 =	vmul.f32 v6, v3;
	[tilespmem:s20+$0x0] =	vst v4  }
0x1ab: {  	v33 =	vld [tilespmem:s20+$0x400];
	v32 =	vmul.f32 v7, v3;
	[tilespmem:s20+$0x10] =	vst v5  }
0x1ac: {  	v35 =	vld [tilespmem:s20+$0x410];
	v34 =	vmul.f32 v8, v3;
	[tilespmem:s20+$0x20] =	vst v30  }
0x1ad: {  	v37 =	vld [tilespmem:s20+$0x420];
	v36 =	vmul.f32 v9, v3;
	[tilespmem:s20+$0x30] =	vst v32  }
0x1ae: {  	v39 =	vld [tilespmem:s20+$0x430];
	v38 =	vmul.f32 v10, v3;
	[tilespmem:s20+$0x40] =	vst v34  }
0x1af: {  	v41 =	vld [tilespmem:s20+$0x440];
	v40 =	vmul.f32 v31, v3;
	[tilespmem:s20+$0x50] =	vst v36  }
0x1b0: {  	v43 =	vld [tilespmem:s20+$0x450];
	v42 =	vmul.f32 v33, v3;
	[tilespmem:s20+$0x60] =	vst v38  }
0x1b1: {  	v45 =	vld [tilespmem:s20+$0x460];
	v44 =	vmul.f32 v35, v3;
	[tilespmem:s20+$0x70] =	vst v40  }
0x1b2: {  	v47 =	vld [tilespmem:s20+$0x470];
	v46 =	vmul.f32 v37, v3;
	[tilespmem:s20+$0x400] =	vst v42  }
0x1b3: {  	v49 =	vld [tilespmem:s20+$0x800];
	v48 =	vmul.f32 v39, v3;
	[tilespmem:s20+$0x410] =	vst v44  }
0x1b4: {  	v51 =	vld [tilespmem:s20+$0x810];
	v50 =	vmul.f32 v41, v3;
	[tilespmem:s20+$0x420] =	vst v46  }
0x1b5: {  	v53 =	vld [tilespmem:s20+$0x820];
	v52 =	vmul.f32 v43, v3;
	[tilespmem:s20+$0x430] =	vst v48  }
0x1b6: {  	v55 =	vld [tilespmem:s20+$0x830];
	v54 =	vmul.f32 v45, v3;
	[tilespmem:s20+$0x440] =	vst v50  }
0x1b7: {  	v57 =	vld [tilespmem:s20+$0x840];
	v56 =	vmul.f32 v47, v3;
	[tilespmem:s20+$0x450] =	vst v52  }
0x1b8: {  	v59 =	vld [tilespmem:s20+$0x850];
	v58 =	vmul.f32 v49, v3;
	[tilespmem:s20+$0x460] =	vst v54  }
0x1b9: {  	v61 =	vld [tilespmem:s20+$0x860];
	v60 =	vmul.f32 v51, v3;
	[tilespmem:s20+$0x470] =	vst v56  }
0x1ba: {  	v63 =	vld [tilespmem:s20+$0x870];
	v62 =	vmul.f32 v53, v3;
	[tilespmem:s20+$0x800] =	vst v58  }
0x1bb: {  	v13 =	vld [tilespmem:s20+$0xC00];
	v12 =	vmul.f32 v55, v3;
	[tilespmem:s20+$0x810] =	vst v60  }
0x1bc: {  	v15 =	vld [tilespmem:s20+$0xC10];
	v14 =	vmul.f32 v57, v3;
	[tilespmem:s20+$0x820] =	vst v62  }
0x1bd: {  	v17 =	vld [tilespmem:s20+$0xC20];
	v16 =	vmul.f32 v59, v3;
	[tilespmem:s20+$0x830] =	vst v12  }
0x1be: {  	v19 =	vld [tilespmem:s20+$0xC30];
	v18 =	vmul.f32 v61, v3;
	[tilespmem:s20+$0x840] =	vst v14  }
0x1bf: {  	v21 =	vld [tilespmem:s20+$0xC40];
	v20 =	vmul.f32 v63, v3;
	[tilespmem:s20+$0x850] =	vst v16  }
0x1c0: {  	v23 =	vld [tilespmem:s20+$0xC50];
	v22 =	vmul.f32 v13, v3;
	[tilespmem:s20+$0x860] =	vst v18  }
0x1c1: {  	v25 =	vld [tilespmem:s20+$0xC60];
	v24 =	vmul.f32 v15, v3;
	[tilespmem:s20+$0x870] =	vst v20  }
0x1c2: {  	v27 =	vld [tilespmem:s20+$0xC70];
	v26 =	vmul.f32 v17, v3;
	[tilespmem:s20+$0xC00] =	vst v22  }
0x1c3: {  	v29 =	vld [tilespmem:s20+$0x1000];
	v28 =	vmul.f32 v19, v3;
	[tilespmem:s20+$0xC10] =	vst v24  }
0x1c4: {  	v31 =	vld [tilespmem:s20+$0x1010];
	[tilespmem:s20+$0xC20] =	vst v26;
	v30 =	vmul.f32 v21, v3  }
0x1c5: {  	v33 =	vld [tilespmem:s20+$0x1020];
	[tilespmem:s20+$0xC30] =	vst v28;
	v32 =	vmul.f32 v23, v3  }
0x1c6: {  	v35 =	vld [tilespmem:s20+$0x1030];
	v34 =	vmul.f32 v25, v3;
	[tilespmem:s20+$0xC40] =	vst v30  }
0x1c7: {  	v37 =	vld [tilespmem:s20+$0x1040];
	v36 =	vmul.f32 v27, v3;
	[tilespmem:s20+$0xC50] =	vst v32  }
0x1c8: {  	v39 =	vld [tilespmem:s20+$0x1050];
	v38 =	vmul.f32 v29, v3;
	[tilespmem:s20+$0xC60] =	vst v34  }
0x1c9: {  	v41 =	vld [tilespmem:s20+$0x1060];
	[tilespmem:s20+$0xC70] =	vst v36;
	v40 =	vmul.f32 v31, v3  }
0x1ca: {  	v43 =	vld [tilespmem:s20+$0x1070];
	[tilespmem:s20+$0x1000] =	vst v38;
	v42 =	vmul.f32 v33, v3  }
0x1cb: {  	v45 =	vld [tilespmem:s20+$0x1400];
	v44 =	vmul.f32 v35, v3;
	[tilespmem:s20+$0x1010] =	vst v40  }
0x1cc: {  	v47 =	vld [tilespmem:s20+$0x1410];
	v46 =	vmul.f32 v37, v3;
	[tilespmem:s20+$0x1020] =	vst v42  }
0x1cd: {  	v49 =	vld [tilespmem:s20+$0x1420];
	v48 =	vmul.f32 v39, v3;
	[tilespmem:s20+$0x1030] =	vst v44  }
0x1ce: {  	v51 =	vld [tilespmem:s20+$0x1430];
	v50 =	vmul.f32 v41, v3;
	[tilespmem:s20+$0x1040] =	vst v46  }
0x1cf: {  	v53 =	vld [tilespmem:s20+$0x1440];
	v52 =	vmul.f32 v43, v3;
	[tilespmem:s20+$0x1050] =	vst v48  }
0x1d0: {  	v55 =	vld [tilespmem:s20+$0x1450];
	v54 =	vmul.f32 v45, v3;
	[tilespmem:s20+$0x1060] =	vst v50  }
0x1d1: {  	v57 =	vld [tilespmem:s20+$0x1460];
	v56 =	vmul.f32 v47, v3;
	[tilespmem:s20+$0x1070] =	vst v52  }
0x1d2: {  	v59 =	vld [tilespmem:s20+$0x1470];
	v58 =	vmul.f32 v49, v3;
	[tilespmem:s20+$0x1400] =	vst v54  }
0x1d3: {  	v60 =	vmul.f32 v51, v3;
	[tilespmem:s20+$0x1410] =	vst v56  }
0x1d4: {  	p0 =	sne.s32 s9, $0x7F;
	v61 =	vmul.f32 v53, v3;
	[tilespmem:s20+$0x1420] =	vst v58  }
.Ltmp1:
0x1d5: {  	v62 =	vmul.f32 v55, v3;
	[tilespmem:s20+$0x1430] =	vst v60;
	(pc) =	sbr.rel @p0 .LBB2_4-.Ltmp1, $4  }
0x1d6: {  	v63 =	vmul.f32 v57, v3;
	[tilespmem:s20+$0x1440] =	vst v61  }
0x1d7: {  	v3 =	vmul.f32 v59, v3;
	[tilespmem:s20+$0x1450] =	vst v62  }
0x1d8: {  	[tilespmem:s20+$0x1460] =	vst v63  }
0x1d9: {  	s19 =	sadd.s32 $0x80, s19;
	s9 =	sadd.s32 $0x1, s9;
	[tilespmem:s20+$0x1470] =	vst v3  }
0x1da: {  	s9 =	rddreg [dreg:$0x8]  }
0x1db: {  	[hbm4b:s9+s1] =	stream.linear.scatter [tilespmem:s1], [sflag:$0x2], $0x18000, $0x38;
	[tilespmem:$0x18100] =	vst v63  }
0x1dc: {  	_ =	swait.ge [sflag:s14], $0x18000  }
0x1dd: {  	s8 =	sadd.s32 $0x1, s8;
	s20 =	rddreg [dreg:$0x9]  }
0x1de: {  	p0 =	sne.s32 s8, s20  }
.Ltmp2:
0x1df: {  	_ = 	snop;
	(pc) =	sbr.rel @p0 .LBB2_1-.Ltmp2, $3  }
0x1e0: {  	_ =	sdelay $0x1  }
0x1e1: {  	[sflag:s14] =	ssyncset.done $0x0  }
0x1e2: {  	[sflag:s14] =	ssyncadd.s32 $0xFFFE8000  }
0x1e3: {  	_ =	sfence.sel $0x180000  }
0x1e4: {  	[bflag:$0x0] =	sbarrier.arrive $0xFFFF  }
0x1e5: {  	_ =	strace $0x9000004A  }
0x1e6: {  	s0 =	stileid.u32;
	[bflag:$0x2] =	sbarrier.arrive $0xFFFF  }
0x1e7: {  	p0 =	sne.s32 s0, $0x0;
	s0 =	rddreg [dreg:$0x2]  }
0x1e8: {  	s0 =	sadd.s32 @!p0 $0x100000, s0  }
0x1e9: {  	[sflag:s0] =	ssyncadd.tile.s32 @!p0 $0x1;
	_ =	shalt  }
.Lfunc_end2:
_tile_overlayer_lowered:
.L_overlay_start_2:
0x1ea: {  	(tag) =	ssettag $0x2  }
0x1eb: {  	s0 =	rddreg [dreg:$0x0];
	s2 =	stileid.u32  }
0x1ec: {  	s1 =	rddreg [dreg:$0x1];
	p0 =	sne.s32 s2, $0x0  }
0x1ed: {  	s3 =	rddreg [dreg:$0x2];
	[bflag:$0x3] =	sbarrier.arrive $0xFFFF;
	s2 =	simm.s32 @!p0 $0x1C02  }
0x1ee: {  	[timem:s3], [sflag:s2] =	dma.local @!p0 [hbm:s0], s1  }
0x1ef: {  	s0 =	simm.s32 @!p0 $0x2  }
0x1f0: {  	_ =	swait.ge @!p0 [sflag:s0], s1  }
0x1f1: {  	s1 =	ssub.s32 @!p0 $0x0, s1;
	[sflag:s0] =	ssyncset.done @!p0 $0x0  }
0x1f2: {  	[sflag:s0] =	ssyncadd.s32 @!p0 s1  }
0x1f3: {  	[bflag:$0x3] =	sbarrier.arrive $0xFFFF  }
0x1f4: {  	_ =	shalt  }

</sc_bundles>
